<compile_context>
chip_gen: v7x
topology: tpu7x:2x2x1
jax: 0.10.2.dev20260603
libtpu: 0.0.44.dev20260713+nightly
codegen_flags: <defaults>
</compile_context>

<pallas_src>
import functools

import numpy as np
import jax
import jax.numpy as jnp
from jax import lax
from jax.experimental import pallas as pl
from jax.experimental.pallas import tpu as pltpu
from jax.experimental.pallas import tpu_sc as plsc

_B, _L, _D = 4096, 200, 64
_NW = 32
_NB = _B // _NW
_H = 104
_OFF = (0, 96)
_GROUPS = _NB // 2
_NBUF = 8


def _pos_enc_np():
    pe = np.array(
        [[pos / np.power(10000, 2 * i / _D) for i in range(_D)] for pos in range(_L)],
        dtype=np.float32,
    )
    pe[:, 0::2] = np.sin(pe[:, 0::2])
    pe[:, 1::2] = np.cos(pe[:, 1::2])
    return pe


_MESH = plsc.VectorSubcoreMesh(core_axis_name="c", subcore_axis_name="s")


@functools.partial(
    pl.kernel,
    mesh=_MESH,
    compiler_params=pltpu.CompilerParams(use_tc_tiling_on_sc=False),
    out_type=jax.ShapeDtypeStruct((_B, _L, _D), jnp.float32),
    scratch_types=[
        pltpu.VMEM((_NB, _H), jnp.int32),
        pltpu.VMEM((_NB, _H), jnp.int32),
        pltpu.VMEM((_NBUF, _H, _D), jnp.float32),
        pltpu.VMEM((_L, _D), jnp.float32),
        pltpu.SemaphoreType.DMA,
        pltpu.SemaphoreType.DMA,
    ],
)
def _embed_sc(ids_hbm, pe_hbm, table_hbm, out_hbm,
              idx_a, idx_b, rows_v, pe_v, sem_g, sem_o):
    wid = lax.axis_index("s") * 2 + lax.axis_index("c")
    b0 = wid * _NB
    pltpu.sync_copy(pe_hbm, pe_v)
    pltpu.sync_copy(ids_hbm.at[pl.ds(b0, _NB), pl.ds(_OFF[0], _H)], idx_a)
    pltpu.sync_copy(ids_hbm.at[pl.ds(b0, _NB), pl.ds(_OFF[1], _H)], idx_b)

    def unit_idx(b, half):
        return idx_a.at[b] if half == 0 else idx_b.at[b]

    def start_group_gathers(g, base):
        for k in range(4):
            pltpu.async_copy(
                table_hbm.at[unit_idx(2 * g + k // 2, k % 2)],
                rows_v.at[base + k],
                sem_g,
            )

    def wait_out_one():
        pltpu.make_async_copy(
            rows_v.at[0], out_hbm.at[b0, pl.ds(0, _H)], sem_o
        ).wait()

    start_group_gathers(0, 0)

    def pair_body(gg, carry):
        for parity in range(2):
            g = 2 * gg + parity
            base = parity * 4
            for k in range(4):
                pltpu.make_async_copy(
                    table_hbm.at[unit_idx(2 * g + k // 2, k % 2)],
                    rows_v.at[base + k],
                    sem_g,
                ).wait()

            @pl.when(g >= 1)
            def _wait_prev_outs():
                for _ in range(4):
                    wait_out_one()

            @pl.when(g + 1 < _GROUPS)
            def _start_next():
                start_group_gathers(g + 1, 4 - base)

            def add_body(i, c2):
                for jj in range(_D // 16):
                    sl = pl.ds(jj * 16, 16)
                    pea = pe_v[_OFF[0] + i, sl]
                    peb = pe_v[_OFF[1] + i, sl]
                    rows_v[base + 0, i, sl] = rows_v[base + 0, i, sl] + pea
                    rows_v[base + 2, i, sl] = rows_v[base + 2, i, sl] + pea
                    rows_v[base + 1, i, sl] = rows_v[base + 1, i, sl] + peb
                    rows_v[base + 3, i, sl] = rows_v[base + 3, i, sl] + peb
                return c2

            lax.fori_loop(0, _H, add_body, 0, unroll=2)

            for k in range(4):
                pltpu.async_copy(
                    rows_v.at[base + k],
                    out_hbm.at[b0 + 2 * g + k // 2, pl.ds(_OFF[k % 2], _H)],
                    sem_o,
                )
        return carry

    lax.fori_loop(0, _GROUPS // 2, pair_body, 0)
    for _ in range(4):
        wait_out_one()


def kernel(ids, table):
    pe = jnp.asarray(_pos_enc_np())
    return _embed_sc(ids.astype(jnp.int32), pe, table)

# --- scband reference (transcript-rebuilt; emitter-appended) ---
"""Pipeline reference for scband-transformer-embedding-31267361915248 (READ-ONLY COPY).

The authoritative reference and input builder live on the scoring server;
editing this copy changes nothing except your own understanding.
"""

import jax, jax.numpy as jnp
import numpy as np

VOCAB = 1000000
NUM_UNITS = 64


def _sin_cos_enc(from_length, to_length, embedding_size):
    position_enc = np.array([[pos / np.power(10000, 2 * i / embedding_size) for i in range(embedding_size)] for pos in range(from_length, to_length)], dtype=np.float32)
    position_enc[:, 0::2] = np.sin(position_enc[:, 0::2])
    position_enc[:, 1::2] = np.cos(position_enc[:, 1::2])
    return jnp.asarray(position_enc)


def setup_inputs(seed: int = 0) -> dict:
    key = jax.random.key(seed)
    k_ids, k_tab = jax.random.split(key)
    ids = jax.random.randint(k_ids, (4096, 200), 0, VOCAB, dtype=jnp.int64)
    table = jax.random.normal(k_tab, (VOCAB, NUM_UNITS), dtype=jnp.float32) * 0.02
    return {"ids": ids, "table": table}


def reference(ids, table):
    # Embedding lookup (gather)
    embed = jnp.take(table, ids, axis=0)  # [B, L, num_units]
    # Positional encoding added in-place in torch: embed += pe
    pe = _sin_cos_enc(0, embed.shape[1], NUM_UNITS)  # [L, num_units]
    embed = embed + pe[None, :, :]
    return embed

if __name__ == "__main__":
    import jax
    _d = setup_inputs()
    print(jax.jit(kernel)(*tuple(_d.values())))

</pallas_src>

<mosaic_0001>
#map = affine_map<(d0, d1) -> (0, 0)>
#map1 = affine_map<(d0, d1) -> (0, 0, 0)>
module attributes {stable_mosaic.version = 14 : i64} {
  func.func @_embed_sc(%arg0: i32, %arg1: i32, %arg2: memref<4096x200xi32, #tpu.memory_space<hbm>>, %arg3: memref<200x64xf32, #tpu.memory_space<hbm>>, %arg4: memref<1000000x64xf32, #tpu.memory_space<hbm>>, %arg5: memref<4096x200x64xf32, #tpu.memory_space<hbm>>, %arg6: memref<128x104xi32, #tpu.memory_space<vmem>>, %arg7: memref<128x104xi32, #tpu.memory_space<vmem>>, %arg8: memref<8x104x64xf32, #tpu.memory_space<vmem>>, %arg9: memref<200x64xf32, #tpu.memory_space<vmem>>, %arg10: memref<!tpu.dma_semaphore, #tpu.memory_space<semaphore_mem>>, %arg11: memref<!tpu.dma_semaphore, #tpu.memory_space<semaphore_mem>>) attributes {dimension_semantics = [#tpu.dimension_semantics<core_parallel>, #tpu.dimension_semantics<subcore_parallel>], iteration_bounds = array<i64: 2, 16>, scalar_prefetch = 0 : i64, scratch_operands = 6 : i64, tpu.core_type = #tpu.core_type<sc_vector_subcore>, window_params = [{transform_indices = #map}, {transform_indices = #map}, {transform_indices = #map}, {transform_indices = #map1}]} {
    %mul3A = arith.constant 2 : i32
    %mul3A_0 = arith.muli %arg1, %mul3A : i32
    %add3A = arith.addi %mul3A_0, %arg0 : i32
    %mul3A_1 = arith.constant 128 : i32
    %mul3A_2 = arith.muli %add3A, %mul3A_1 : i32
    "tpu.region"() ({
      %run_scoped3A = tpu.sem_alloc : memref<!tpu.dma_semaphore, #tpu.memory_space<semaphore_mem>>
      tpu.enqueue_dma source(%arg3 : memref<200x64xf32, #tpu.memory_space<hbm>>) target(%arg9 : memref<200x64xf32, #tpu.memory_space<vmem>>) target_semaphore(%run_scoped3A : memref<!tpu.dma_semaphore, #tpu.memory_space<semaphore_mem>>)
      tpu.wait_dma2 semaphore(%run_scoped3A : memref<!tpu.dma_semaphore, #tpu.memory_space<semaphore_mem>>) src(%arg3 : memref<200x64xf32, #tpu.memory_space<hbm>>) dst(%arg9 : memref<200x64xf32, #tpu.memory_space<vmem>>)
      tpu.yield
    }) : () -> ()
    "tpu.region"() ({
      %run_scoped3A = tpu.sem_alloc : memref<!tpu.dma_semaphore, #tpu.memory_space<semaphore_mem>>
      %dma_start3A_122 = arith.constant 0 : i32
      %dma_start3A_123 = tpu.memref_slice %arg2[%mul3A_2, %dma_start3A_122] : memref<4096x200xi32, #tpu.memory_space<hbm>> -> memref<128x104xi32, #tpu.memory_space<hbm>>
      %dma_start3A_124 = arith.constant 0 : i32
      %dma_start3A_125 = tpu.memref_slice %arg2[%mul3A_2, %dma_start3A_124] : memref<4096x200xi32, #tpu.memory_space<hbm>> -> memref<128x104xi32, #tpu.memory_space<hbm>>
      tpu.enqueue_dma source(%dma_start3A_125 : memref<128x104xi32, #tpu.memory_space<hbm>>) target(%arg6 : memref<128x104xi32, #tpu.memory_space<vmem>>) target_semaphore(%run_scoped3A : memref<!tpu.dma_semaphore, #tpu.memory_space<semaphore_mem>>)
      %dma_wait3A_126 = arith.constant 0 : i32
      %dma_wait3A_127 = tpu.memref_slice %arg2[%mul3A_2, %dma_wait3A_126] : memref<4096x200xi32, #tpu.memory_space<hbm>> -> memref<128x104xi32, #tpu.memory_space<hbm>>
      %dma_wait3A_128 = arith.constant 0 : i32
      %dma_wait3A_129 = tpu.memref_slice %arg2[%mul3A_2, %dma_wait3A_128] : memref<4096x200xi32, #tpu.memory_space<hbm>> -> memref<128x104xi32, #tpu.memory_space<hbm>>
      tpu.wait_dma2 semaphore(%run_scoped3A : memref<!tpu.dma_semaphore, #tpu.memory_space<semaphore_mem>>) src(%dma_wait3A_129 : memref<128x104xi32, #tpu.memory_space<hbm>>) dst(%arg6 : memref<128x104xi32, #tpu.memory_space<vmem>>)
      tpu.yield
    }) : () -> ()
    "tpu.region"() ({
      %run_scoped3A = tpu.sem_alloc : memref<!tpu.dma_semaphore, #tpu.memory_space<semaphore_mem>>
      %dma_start3A_122 = arith.constant 96 : i32
      %dma_start3A_123 = tpu.memref_slice %arg2[%mul3A_2, %dma_start3A_122] : memref<4096x200xi32, #tpu.memory_space<hbm>> -> memref<128x104xi32, #tpu.memory_space<hbm>>
      %dma_start3A_124 = arith.constant 96 : i32
      %dma_start3A_125 = tpu.memref_slice %arg2[%mul3A_2, %dma_start3A_124] : memref<4096x200xi32, #tpu.memory_space<hbm>> -> memref<128x104xi32, #tpu.memory_space<hbm>>
      tpu.enqueue_dma source(%dma_start3A_125 : memref<128x104xi32, #tpu.memory_space<hbm>>) target(%arg7 : memref<128x104xi32, #tpu.memory_space<vmem>>) target_semaphore(%run_scoped3A : memref<!tpu.dma_semaphore, #tpu.memory_space<semaphore_mem>>)
      %dma_wait3A_126 = arith.constant 96 : i32
      %dma_wait3A_127 = tpu.memref_slice %arg2[%mul3A_2, %dma_wait3A_126] : memref<4096x200xi32, #tpu.memory_space<hbm>> -> memref<128x104xi32, #tpu.memory_space<hbm>>
      %dma_wait3A_128 = arith.constant 96 : i32
      %dma_wait3A_129 = tpu.memref_slice %arg2[%mul3A_2, %dma_wait3A_128] : memref<4096x200xi32, #tpu.memory_space<hbm>> -> memref<128x104xi32, #tpu.memory_space<hbm>>
      tpu.wait_dma2 semaphore(%run_scoped3A : memref<!tpu.dma_semaphore, #tpu.memory_space<semaphore_mem>>) src(%dma_wait3A_129 : memref<128x104xi32, #tpu.memory_space<hbm>>) dst(%arg7 : memref<128x104xi32, #tpu.memory_space<vmem>>)
      tpu.yield
    }) : () -> ()
    %dma_start3A = arith.constant 0 : i32
    %dma_start3A_3 = arith.constant 0 : i32
    %dma_start3A_4 = arith.constant 0 : i32
    %dma_start3A_5 = arith.constant 0 : i32
    %dma_start3A_6 = tpu.memref_slice %arg8[%dma_start3A_3, %dma_start3A_4, %dma_start3A_5] : memref<8x104x64xf32, #tpu.memory_space<vmem>> -> memref<1x104x64xf32, #tpu.memory_space<vmem>>
    %dma_start3A_7 = tpu.memref_squeeze %dma_start3A_6 : memref<1x104x64xf32, #tpu.memory_space<vmem>> -> memref<104x64xf32, #tpu.memory_space<vmem>>
    %dma_start3A_8 = arith.constant 0 : i32
    %dma_start3A_9 = tpu.memref_slice %arg6[%dma_start3A, %dma_start3A_8] : memref<128x104xi32, #tpu.memory_space<vmem>> -> memref<1x104xi32, #tpu.memory_space<vmem>>
    %dma_start3A_10 = tpu.memref_squeeze %dma_start3A_9 : memref<1x104xi32, #tpu.memory_space<vmem>> -> memref<104xi32, #tpu.memory_space<vmem>>
    %dma_start3A_11 = arith.constant 0 : i32
    %dma_start3A_12 = arith.constant 0 : i32
    %dma_start3A_13 = tpu.memref_slice %arg4[%dma_start3A_11, %dma_start3A_12] : memref<1000000x64xf32, #tpu.memory_space<hbm>> -> memref<1000000x64xf32, #tpu.memory_space<hbm>>
    tpu.enqueue_indirect_dma source(%dma_start3A_13 : memref<1000000x64xf32, #tpu.memory_space<hbm>>) target(%dma_start3A_7 : memref<104x64xf32, #tpu.memory_space<vmem>>) offsets(%dma_start3A_10 : memref<104xi32, #tpu.memory_space<vmem>>) semaphore(%arg10 : memref<!tpu.dma_semaphore, #tpu.memory_space<semaphore_mem>>)
    %dma_start3A_14 = arith.constant 0 : i32
    %dma_start3A_15 = arith.constant 1 : i32
    %dma_start3A_16 = arith.constant 0 : i32
    %dma_start3A_17 = arith.constant 0 : i32
    %dma_start3A_18 = tpu.memref_slice %arg8[%dma_start3A_15, %dma_start3A_16, %dma_start3A_17] : memref<8x104x64xf32, #tpu.memory_space<vmem>> -> memref<1x104x64xf32, #tpu.memory_space<vmem>>
    %dma_start3A_19 = tpu.memref_squeeze %dma_start3A_18 : memref<1x104x64xf32, #tpu.memory_space<vmem>> -> memref<104x64xf32, #tpu.memory_space<vmem>>
    %dma_start3A_20 = arith.constant 0 : i32
    %dma_start3A_21 = tpu.memref_slice %arg7[%dma_start3A_14, %dma_start3A_20] : memref<128x104xi32, #tpu.memory_space<vmem>> -> memref<1x104xi32, #tpu.memory_space<vmem>>
    %dma_start3A_22 = tpu.memref_squeeze %dma_start3A_21 : memref<1x104xi32, #tpu.memory_space<vmem>> -> memref<104xi32, #tpu.memory_space<vmem>>
    %dma_start3A_23 = arith.constant 0 : i32
    %dma_start3A_24 = arith.constant 0 : i32
    %dma_start3A_25 = tpu.memref_slice %arg4[%dma_start3A_23, %dma_start3A_24] : memref<1000000x64xf32, #tpu.memory_space<hbm>> -> memref<1000000x64xf32, #tpu.memory_space<hbm>>
    tpu.enqueue_indirect_dma source(%dma_start3A_25 : memref<1000000x64xf32, #tpu.memory_space<hbm>>) target(%dma_start3A_19 : memref<104x64xf32, #tpu.memory_space<vmem>>) offsets(%dma_start3A_22 : memref<104xi32, #tpu.memory_space<vmem>>) semaphore(%arg10 : memref<!tpu.dma_semaphore, #tpu.memory_space<semaphore_mem>>)
    %dma_start3A_26 = arith.constant 1 : i32
    %dma_start3A_27 = arith.constant 2 : i32
    %dma_start3A_28 = arith.constant 0 : i32
    %dma_start3A_29 = arith.constant 0 : i32
    %dma_start3A_30 = tpu.memref_slice %arg8[%dma_start3A_27, %dma_start3A_28, %dma_start3A_29] : memref<8x104x64xf32, #tpu.memory_space<vmem>> -> memref<1x104x64xf32, #tpu.memory_space<vmem>>
    %dma_start3A_31 = tpu.memref_squeeze %dma_start3A_30 : memref<1x104x64xf32, #tpu.memory_space<vmem>> -> memref<104x64xf32, #tpu.memory_space<vmem>>
    %dma_start3A_32 = arith.constant 0 : i32
    %dma_start3A_33 = tpu.memref_slice %arg6[%dma_start3A_26, %dma_start3A_32] : memref<128x104xi32, #tpu.memory_space<vmem>> -> memref<1x104xi32, #tpu.memory_space<vmem>>
    %dma_start3A_34 = tpu.memref_squeeze %dma_start3A_33 : memref<1x104xi32, #tpu.memory_space<vmem>> -> memref<104xi32, #tpu.memory_space<vmem>>
    %dma_start3A_35 = arith.constant 0 : i32
    %dma_start3A_36 = arith.constant 0 : i32
    %dma_start3A_37 = tpu.memref_slice %arg4[%dma_start3A_35, %dma_start3A_36] : memref<1000000x64xf32, #tpu.memory_space<hbm>> -> memref<1000000x64xf32, #tpu.memory_space<hbm>>
    tpu.enqueue_indirect_dma source(%dma_start3A_37 : memref<1000000x64xf32, #tpu.memory_space<hbm>>) target(%dma_start3A_31 : memref<104x64xf32, #tpu.memory_space<vmem>>) offsets(%dma_start3A_34 : memref<104xi32, #tpu.memory_space<vmem>>) semaphore(%arg10 : memref<!tpu.dma_semaphore, #tpu.memory_space<semaphore_mem>>)
    %dma_start3A_38 = arith.constant 1 : i32
    %dma_start3A_39 = arith.constant 3 : i32
    %dma_start3A_40 = arith.constant 0 : i32
    %dma_start3A_41 = arith.constant 0 : i32
    %dma_start3A_42 = tpu.memref_slice %arg8[%dma_start3A_39, %dma_start3A_40, %dma_start3A_41] : memref<8x104x64xf32, #tpu.memory_space<vmem>> -> memref<1x104x64xf32, #tpu.memory_space<vmem>>
    %dma_start3A_43 = tpu.memref_squeeze %dma_start3A_42 : memref<1x104x64xf32, #tpu.memory_space<vmem>> -> memref<104x64xf32, #tpu.memory_space<vmem>>
    %dma_start3A_44 = arith.constant 0 : i32
    %dma_start3A_45 = tpu.memref_slice %arg7[%dma_start3A_38, %dma_start3A_44] : memref<128x104xi32, #tpu.memory_space<vmem>> -> memref<1x104xi32, #tpu.memory_space<vmem>>
    %dma_start3A_46 = tpu.memref_squeeze %dma_start3A_45 : memref<1x104xi32, #tpu.memory_space<vmem>> -> memref<104xi32, #tpu.memory_space<vmem>>
    %dma_start3A_47 = arith.constant 0 : i32
    %dma_start3A_48 = arith.constant 0 : i32
    %dma_start3A_49 = tpu.memref_slice %arg4[%dma_start3A_47, %dma_start3A_48] : memref<1000000x64xf32, #tpu.memory_space<hbm>> -> memref<1000000x64xf32, #tpu.memory_space<hbm>>
    tpu.enqueue_indirect_dma source(%dma_start3A_49 : memref<1000000x64xf32, #tpu.memory_space<hbm>>) target(%dma_start3A_43 : memref<104x64xf32, #tpu.memory_space<vmem>>) offsets(%dma_start3A_46 : memref<104xi32, #tpu.memory_space<vmem>>) semaphore(%arg10 : memref<!tpu.dma_semaphore, #tpu.memory_space<semaphore_mem>>)
    %scan3A = arith.constant 0 : i32
    %scan3A_50 = arith.constant 0 : i32
    %scan3A_51 = arith.constant 32 : i32
    %scan3A_52 = arith.addi %scan3A_50, %scan3A_51 : i32
    %scan3A_53 = arith.constant 1 : i32
    scf.for %scan3A_122 = %scan3A_50 to %scan3A_52 step %scan3A_53  : i32 {
      %mul3A_123 = arith.constant 2 : i32
      %mul3A_124 = arith.muli %mul3A_123, %scan3A_122 : i32
      %add3A_125 = arith.constant 0 : i32
      %add3A_126 = arith.addi %mul3A_124, %add3A_125 : i32
      %mul3A_127 = arith.constant 2 : i32
      %mul3A_128 = arith.muli %mul3A_127, %add3A_126 : i32
      %add3A_129 = arith.constant 0 : i32
      %add3A_130 = arith.addi %mul3A_128, %add3A_129 : i32
      %dma_wait3A_131 = arith.constant 0 : i32
      %dma_wait3A_132 = arith.constant 0 : i32
      %dma_wait3A_133 = arith.constant 0 : i32
      %dma_wait3A_134 = tpu.memref_slice %arg8[%dma_wait3A_131, %dma_wait3A_132, %dma_wait3A_133] : memref<8x104x64xf32, #tpu.memory_space<vmem>> -> memref<1x104x64xf32, #tpu.memory_space<vmem>>
      %dma_wait3A_135 = tpu.memref_squeeze %dma_wait3A_134 : memref<1x104x64xf32, #tpu.memory_space<vmem>> -> memref<104x64xf32, #tpu.memory_space<vmem>>
      %dma_wait3A_136 = arith.constant 0 : i32
      %dma_wait3A_137 = tpu.memref_slice %arg6[%add3A_130, %dma_wait3A_136] : memref<128x104xi32, #tpu.memory_space<vmem>> -> memref<1x104xi32, #tpu.memory_space<vmem>>
      %dma_wait3A_138 = tpu.memref_squeeze %dma_wait3A_137 : memref<1x104xi32, #tpu.memory_space<vmem>> -> memref<104xi32, #tpu.memory_space<vmem>>
      %dma_wait3A_139 = arith.constant 0 : i32
      %dma_wait3A_140 = arith.constant 0 : i32
      %dma_wait3A_141 = tpu.memref_slice %arg4[%dma_wait3A_139, %dma_wait3A_140] : memref<1000000x64xf32, #tpu.memory_space<hbm>> -> memref<1000000x64xf32, #tpu.memory_space<hbm>>
      tpu.wait_indirect_dma semaphore(%arg10 : memref<!tpu.dma_semaphore, #tpu.memory_space<semaphore_mem>>) src(%dma_wait3A_141 : memref<1000000x64xf32, #tpu.memory_space<hbm>>) dst(%dma_wait3A_135 : memref<104x64xf32, #tpu.memory_space<vmem>>)
      %mul3A_142 = arith.constant 2 : i32
      %mul3A_143 = arith.muli %mul3A_142, %add3A_126 : i32
      %add3A_144 = arith.constant 0 : i32
      %add3A_145 = arith.addi %mul3A_143, %add3A_144 : i32
      %dma_wait3A_146 = arith.constant 1 : i32
      %dma_wait3A_147 = arith.constant 0 : i32
      %dma_wait3A_148 = arith.constant 0 : i32
      %dma_wait3A_149 = tpu.memref_slice %arg8[%dma_wait3A_146, %dma_wait3A_147, %dma_wait3A_148] : memref<8x104x64xf32, #tpu.memory_space<vmem>> -> memref<1x104x64xf32, #tpu.memory_space<vmem>>
      %dma_wait3A_150 = tpu.memref_squeeze %dma_wait3A_149 : memref<1x104x64xf32, #tpu.memory_space<vmem>> -> memref<104x64xf32, #tpu.memory_space<vmem>>
      %dma_wait3A_151 = arith.constant 0 : i32
      %dma_wait3A_152 = tpu.memref_slice %arg7[%add3A_145, %dma_wait3A_151] : memref<128x104xi32, #tpu.memory_space<vmem>> -> memref<1x104xi32, #tpu.memory_space<vmem>>
      %dma_wait3A_153 = tpu.memref_squeeze %dma_wait3A_152 : memref<1x104xi32, #tpu.memory_space<vmem>> -> memref<104xi32, #tpu.memory_space<vmem>>
      %dma_wait3A_154 = arith.constant 0 : i32
      %dma_wait3A_155 = arith.constant 0 : i32
      %dma_wait3A_156 = tpu.memref_slice %arg4[%dma_wait3A_154, %dma_wait3A_155] : memref<1000000x64xf32, #tpu.memory_space<hbm>> -> memref<1000000x64xf32, #tpu.memory_space<hbm>>
      tpu.wait_indirect_dma semaphore(%arg10 : memref<!tpu.dma_semaphore, #tpu.memory_space<semaphore_mem>>) src(%dma_wait3A_156 : memref<1000000x64xf32, #tpu.memory_space<hbm>>) dst(%dma_wait3A_150 : memref<104x64xf32, #tpu.memory_space<vmem>>)
      %mul3A_157 = arith.constant 2 : i32
      %mul3A_158 = arith.muli %mul3A_157, %add3A_126 : i32
      %add3A_159 = arith.constant 1 : i32
      %add3A_160 = arith.addi %mul3A_158, %add3A_159 : i32
      %dma_wait3A_161 = arith.constant 2 : i32
      %dma_wait3A_162 = arith.constant 0 : i32
      %dma_wait3A_163 = arith.constant 0 : i32
      %dma_wait3A_164 = tpu.memref_slice %arg8[%dma_wait3A_161, %dma_wait3A_162, %dma_wait3A_163] : memref<8x104x64xf32, #tpu.memory_space<vmem>> -> memref<1x104x64xf32, #tpu.memory_space<vmem>>
      %dma_wait3A_165 = tpu.memref_squeeze %dma_wait3A_164 : memref<1x104x64xf32, #tpu.memory_space<vmem>> -> memref<104x64xf32, #tpu.memory_space<vmem>>
      %dma_wait3A_166 = arith.constant 0 : i32
      %dma_wait3A_167 = tpu.memref_slice %arg6[%add3A_160, %dma_wait3A_166] : memref<128x104xi32, #tpu.memory_space<vmem>> -> memref<1x104xi32, #tpu.memory_space<vmem>>
      %dma_wait3A_168 = tpu.memref_squeeze %dma_wait3A_167 : memref<1x104xi32, #tpu.memory_space<vmem>> -> memref<104xi32, #tpu.memory_space<vmem>>
      %dma_wait3A_169 = arith.constant 0 : i32
      %dma_wait3A_170 = arith.constant 0 : i32
      %dma_wait3A_171 = tpu.memref_slice %arg4[%dma_wait3A_169, %dma_wait3A_170] : memref<1000000x64xf32, #tpu.memory_space<hbm>> -> memref<1000000x64xf32, #tpu.memory_space<hbm>>
      tpu.wait_indirect_dma semaphore(%arg10 : memref<!tpu.dma_semaphore, #tpu.memory_space<semaphore_mem>>) src(%dma_wait3A_171 : memref<1000000x64xf32, #tpu.memory_space<hbm>>) dst(%dma_wait3A_165 : memref<104x64xf32, #tpu.memory_space<vmem>>)
      %mul3A_172 = arith.constant 2 : i32
      %mul3A_173 = arith.muli %mul3A_172, %add3A_126 : i32
      %add3A_174 = arith.constant 1 : i32
      %add3A_175 = arith.addi %mul3A_173, %add3A_174 : i32
      %dma_wait3A_176 = arith.constant 3 : i32
      %dma_wait3A_177 = arith.constant 0 : i32
      %dma_wait3A_178 = arith.constant 0 : i32
      %dma_wait3A_179 = tpu.memref_slice %arg8[%dma_wait3A_176, %dma_wait3A_177, %dma_wait3A_178] : memref<8x104x64xf32, #tpu.memory_space<vmem>> -> memref<1x104x64xf32, #tpu.memory_space<vmem>>
      %dma_wait3A_180 = tpu.memref_squeeze %dma_wait3A_179 : memref<1x104x64xf32, #tpu.memory_space<vmem>> -> memref<104x64xf32, #tpu.memory_space<vmem>>
      %dma_wait3A_181 = arith.constant 0 : i32
      %dma_wait3A_182 = tpu.memref_slice %arg7[%add3A_175, %dma_wait3A_181] : memref<128x104xi32, #tpu.memory_space<vmem>> -> memref<1x104xi32, #tpu.memory_space<vmem>>
      %dma_wait3A_183 = tpu.memref_squeeze %dma_wait3A_182 : memref<1x104xi32, #tpu.memory_space<vmem>> -> memref<104xi32, #tpu.memory_space<vmem>>
      %dma_wait3A_184 = arith.constant 0 : i32
      %dma_wait3A_185 = arith.constant 0 : i32
      %dma_wait3A_186 = tpu.memref_slice %arg4[%dma_wait3A_184, %dma_wait3A_185] : memref<1000000x64xf32, #tpu.memory_space<hbm>> -> memref<1000000x64xf32, #tpu.memory_space<hbm>>
      tpu.wait_indirect_dma semaphore(%arg10 : memref<!tpu.dma_semaphore, #tpu.memory_space<semaphore_mem>>) src(%dma_wait3A_186 : memref<1000000x64xf32, #tpu.memory_space<hbm>>) dst(%dma_wait3A_180 : memref<104x64xf32, #tpu.memory_space<vmem>>)
      %ge3A = arith.constant 1 : i32
      %ge3A_187 = arith.cmpi sge, %add3A_126, %ge3A : i32
      %convert_element_type3A = arith.extui %ge3A_187 : i1 to i32
      %cond3A = arith.constant 0 : i32
      %cond3A_188 = arith.cmpi ne, %convert_element_type3A, %cond3A : i32
      scf.if %cond3A_188 {
        %dma_wait3A_459 = arith.constant 0 : i32
        %dma_wait3A_460 = arith.constant 0 : i32
        %dma_wait3A_461 = arith.constant 0 : i32
        %dma_wait3A_462 = tpu.memref_slice %arg8[%dma_wait3A_459, %dma_wait3A_460, %dma_wait3A_461] : memref<8x104x64xf32, #tpu.memory_space<vmem>> -> memref<1x104x64xf32, #tpu.memory_space<vmem>>
        %dma_wait3A_463 = tpu.memref_squeeze %dma_wait3A_462 : memref<1x104x64xf32, #tpu.memory_space<vmem>> -> memref<104x64xf32, #tpu.memory_space<vmem>>
        %dma_wait3A_464 = arith.constant 0 : i32
        %dma_wait3A_465 = arith.constant 0 : i32
        %dma_wait3A_466 = tpu.memref_slice %arg5[%mul3A_2, %dma_wait3A_464, %dma_wait3A_465] : memref<4096x200x64xf32, #tpu.memory_space<hbm>> -> memref<1x104x64xf32, #tpu.memory_space<hbm>>
        %dma_wait3A_467 = tpu.memref_squeeze %dma_wait3A_466 : memref<1x104x64xf32, #tpu.memory_space<hbm>> -> memref<104x64xf32, #tpu.memory_space<hbm>>
        %dma_wait3A_468 = arith.constant 0 : i32
        %dma_wait3A_469 = arith.constant 0 : i32
        %dma_wait3A_470 = tpu.memref_slice %arg5[%mul3A_2, %dma_wait3A_468, %dma_wait3A_469] : memref<4096x200x64xf32, #tpu.memory_space<hbm>> -> memref<1x104x64xf32, #tpu.memory_space<hbm>>
        %dma_wait3A_471 = tpu.memref_squeeze %dma_wait3A_470 : memref<1x104x64xf32, #tpu.memory_space<hbm>> -> memref<104x64xf32, #tpu.memory_space<hbm>>
        %dma_wait3A_472 = arith.constant 0 : i32
        %dma_wait3A_473 = arith.constant 0 : i32
        %dma_wait3A_474 = tpu.memref_slice %arg8[%dma_wait3A_459, %dma_wait3A_472, %dma_wait3A_473] : memref<8x104x64xf32, #tpu.memory_space<vmem>> -> memref<1x104x64xf32, #tpu.memory_space<vmem>>
        %dma_wait3A_475 = tpu.memref_squeeze %dma_wait3A_474 : memref<1x104x64xf32, #tpu.memory_space<vmem>> -> memref<104x64xf32, #tpu.memory_space<vmem>>
        tpu.wait_dma2 semaphore(%arg11 : memref<!tpu.dma_semaphore, #tpu.memory_space<semaphore_mem>>) src(%dma_wait3A_475 : memref<104x64xf32, #tpu.memory_space<vmem>>) dst(%dma_wait3A_471 : memref<104x64xf32, #tpu.memory_space<hbm>>)
        %dma_wait3A_476 = arith.constant 0 : i32
        %dma_wait3A_477 = arith.constant 0 : i32
        %dma_wait3A_478 = arith.constant 0 : i32
        %dma_wait3A_479 = tpu.memref_slice %arg8[%dma_wait3A_476, %dma_wait3A_477, %dma_wait3A_478] : memref<8x104x64xf32, #tpu.memory_space<vmem>> -> memref<1x104x64xf32, #tpu.memory_space<vmem>>
        %dma_wait3A_480 = tpu.memref_squeeze %dma_wait3A_479 : memref<1x104x64xf32, #tpu.memory_space<vmem>> -> memref<104x64xf32, #tpu.memory_space<vmem>>
        %dma_wait3A_481 = arith.constant 0 : i32
        %dma_wait3A_482 = arith.constant 0 : i32
        %dma_wait3A_483 = tpu.memref_slice %arg5[%mul3A_2, %dma_wait3A_481, %dma_wait3A_482] : memref<4096x200x64xf32, #tpu.memory_space<hbm>> -> memref<1x104x64xf32, #tpu.memory_space<hbm>>
        %dma_wait3A_484 = tpu.memref_squeeze %dma_wait3A_483 : memref<1x104x64xf32, #tpu.memory_space<hbm>> -> memref<104x64xf32, #tpu.memory_space<hbm>>
        %dma_wait3A_485 = arith.constant 0 : i32
        %dma_wait3A_486 = arith.constant 0 : i32
        %dma_wait3A_487 = tpu.memref_slice %arg5[%mul3A_2, %dma_wait3A_485, %dma_wait3A_486] : memref<4096x200x64xf32, #tpu.memory_space<hbm>> -> memref<1x104x64xf32, #tpu.memory_space<hbm>>
        %dma_wait3A_488 = tpu.memref_squeeze %dma_wait3A_487 : memref<1x104x64xf32, #tpu.memory_space<hbm>> -> memref<104x64xf32, #tpu.memory_space<hbm>>
        %dma_wait3A_489 = arith.constant 0 : i32
        %dma_wait3A_490 = arith.constant 0 : i32
        %dma_wait3A_491 = tpu.memref_slice %arg8[%dma_wait3A_476, %dma_wait3A_489, %dma_wait3A_490] : memref<8x104x64xf32, #tpu.memory_space<vmem>> -> memref<1x104x64xf32, #tpu.memory_space<vmem>>
        %dma_wait3A_492 = tpu.memref_squeeze %dma_wait3A_491 : memref<1x104x64xf32, #tpu.memory_space<vmem>> -> memref<104x64xf32, #tpu.memory_space<vmem>>
        tpu.wait_dma2 semaphore(%arg11 : memref<!tpu.dma_semaphore, #tpu.memory_space<semaphore_mem>>) src(%dma_wait3A_492 : memref<104x64xf32, #tpu.memory_space<vmem>>) dst(%dma_wait3A_488 : memref<104x64xf32, #tpu.memory_space<hbm>>)
        %dma_wait3A_493 = arith.constant 0 : i32
        %dma_wait3A_494 = arith.constant 0 : i32
        %dma_wait3A_495 = arith.constant 0 : i32
        %dma_wait3A_496 = tpu.memref_slice %arg8[%dma_wait3A_493, %dma_wait3A_494, %dma_wait3A_495] : memref<8x104x64xf32, #tpu.memory_space<vmem>> -> memref<1x104x64xf32, #tpu.memory_space<vmem>>
        %dma_wait3A_497 = tpu.memref_squeeze %dma_wait3A_496 : memref<1x104x64xf32, #tpu.memory_space<vmem>> -> memref<104x64xf32, #tpu.memory_space<vmem>>
        %dma_wait3A_498 = arith.constant 0 : i32
        %dma_wait3A_499 = arith.constant 0 : i32
        %dma_wait3A_500 = tpu.memref_slice %arg5[%mul3A_2, %dma_wait3A_498, %dma_wait3A_499] : memref<4096x200x64xf32, #tpu.memory_space<hbm>> -> memref<1x104x64xf32, #tpu.memory_space<hbm>>
        %dma_wait3A_501 = tpu.memref_squeeze %dma_wait3A_500 : memref<1x104x64xf32, #tpu.memory_space<hbm>> -> memref<104x64xf32, #tpu.memory_space<hbm>>
        %dma_wait3A_502 = arith.constant 0 : i32
        %dma_wait3A_503 = arith.constant 0 : i32
        %dma_wait3A_504 = tpu.memref_slice %arg5[%mul3A_2, %dma_wait3A_502, %dma_wait3A_503] : memref<4096x200x64xf32, #tpu.memory_space<hbm>> -> memref<1x104x64xf32, #tpu.memory_space<hbm>>
        %dma_wait3A_505 = tpu.memref_squeeze %dma_wait3A_504 : memref<1x104x64xf32, #tpu.memory_space<hbm>> -> memref<104x64xf32, #tpu.memory_space<hbm>>
        %dma_wait3A_506 = arith.constant 0 : i32
        %dma_wait3A_507 = arith.constant 0 : i32
        %dma_wait3A_508 = tpu.memref_slice %arg8[%dma_wait3A_493, %dma_wait3A_506, %dma_wait3A_507] : memref<8x104x64xf32, #tpu.memory_space<vmem>> -> memref<1x104x64xf32, #tpu.memory_space<vmem>>
        %dma_wait3A_509 = tpu.memref_squeeze %dma_wait3A_508 : memref<1x104x64xf32, #tpu.memory_space<vmem>> -> memref<104x64xf32, #tpu.memory_space<vmem>>
        tpu.wait_dma2 semaphore(%arg11 : memref<!tpu.dma_semaphore, #tpu.memory_space<semaphore_mem>>) src(%dma_wait3A_509 : memref<104x64xf32, #tpu.memory_space<vmem>>) dst(%dma_wait3A_505 : memref<104x64xf32, #tpu.memory_space<hbm>>)
        %dma_wait3A_510 = arith.constant 0 : i32
        %dma_wait3A_511 = arith.constant 0 : i32
        %dma_wait3A_512 = arith.constant 0 : i32
        %dma_wait3A_513 = tpu.memref_slice %arg8[%dma_wait3A_510, %dma_wait3A_511, %dma_wait3A_512] : memref<8x104x64xf32, #tpu.memory_space<vmem>> -> memref<1x104x64xf32, #tpu.memory_space<vmem>>
        %dma_wait3A_514 = tpu.memref_squeeze %dma_wait3A_513 : memref<1x104x64xf32, #tpu.memory_space<vmem>> -> memref<104x64xf32, #tpu.memory_space<vmem>>
        %dma_wait3A_515 = arith.constant 0 : i32
        %dma_wait3A_516 = arith.constant 0 : i32
        %dma_wait3A_517 = tpu.memref_slice %arg5[%mul3A_2, %dma_wait3A_515, %dma_wait3A_516] : memref<4096x200x64xf32, #tpu.memory_space<hbm>> -> memref<1x104x64xf32, #tpu.memory_space<hbm>>
        %dma_wait3A_518 = tpu.memref_squeeze %dma_wait3A_517 : memref<1x104x64xf32, #tpu.memory_space<hbm>> -> memref<104x64xf32, #tpu.memory_space<hbm>>
        %dma_wait3A_519 = arith.constant 0 : i32
        %dma_wait3A_520 = arith.constant 0 : i32
        %dma_wait3A_521 = tpu.memref_slice %arg5[%mul3A_2, %dma_wait3A_519, %dma_wait3A_520] : memref<4096x200x64xf32, #tpu.memory_space<hbm>> -> memref<1x104x64xf32, #tpu.memory_space<hbm>>
        %dma_wait3A_522 = tpu.memref_squeeze %dma_wait3A_521 : memref<1x104x64xf32, #tpu.memory_space<hbm>> -> memref<104x64xf32, #tpu.memory_space<hbm>>
        %dma_wait3A_523 = arith.constant 0 : i32
        %dma_wait3A_524 = arith.constant 0 : i32
        %dma_wait3A_525 = tpu.memref_slice %arg8[%dma_wait3A_510, %dma_wait3A_523, %dma_wait3A_524] : memref<8x104x64xf32, #tpu.memory_space<vmem>> -> memref<1x104x64xf32, #tpu.memory_space<vmem>>
        %dma_wait3A_526 = tpu.memref_squeeze %dma_wait3A_525 : memref<1x104x64xf32, #tpu.memory_space<vmem>> -> memref<104x64xf32, #tpu.memory_space<vmem>>
        tpu.wait_dma2 semaphore(%arg11 : memref<!tpu.dma_semaphore, #tpu.memory_space<semaphore_mem>>) src(%dma_wait3A_526 : memref<104x64xf32, #tpu.memory_space<vmem>>) dst(%dma_wait3A_522 : memref<104x64xf32, #tpu.memory_space<hbm>>)
      } else {
      }
      %add3A_189 = arith.constant 1 : i32
      %add3A_190 = arith.addi %add3A_126, %add3A_189 : i32
      %lt3A = arith.constant 64 : i32
      %lt3A_191 = arith.cmpi slt, %add3A_190, %lt3A : i32
      %convert_element_type3A_192 = arith.extui %lt3A_191 : i1 to i32
      %cond3A_193 = arith.constant 0 : i32
      %cond3A_194 = arith.cmpi ne, %convert_element_type3A_192, %cond3A_193 : i32
      scf.if %cond3A_194 {
        %add3A_459 = arith.constant 1 : i32
        %add3A_460 = arith.addi %add3A_126, %add3A_459 : i32
        %mul3A_461 = arith.constant 2 : i32
        %mul3A_462 = arith.muli %mul3A_461, %add3A_460 : i32
        %add3A_463 = arith.constant 0 : i32
        %add3A_464 = arith.addi %mul3A_462, %add3A_463 : i32
        %dma_start3A_465 = arith.constant 4 : i32
        %dma_start3A_466 = arith.constant 0 : i32
        %dma_start3A_467 = arith.constant 0 : i32
        %dma_start3A_468 = tpu.memref_slice %arg8[%dma_start3A_465, %dma_start3A_466, %dma_start3A_467] : memref<8x104x64xf32, #tpu.memory_space<vmem>> -> memref<1x104x64xf32, #tpu.memory_space<vmem>>
        %dma_start3A_469 = tpu.memref_squeeze %dma_start3A_468 : memref<1x104x64xf32, #tpu.memory_space<vmem>> -> memref<104x64xf32, #tpu.memory_space<vmem>>
        %dma_start3A_470 = arith.constant 0 : i32
        %dma_start3A_471 = tpu.memref_slice %arg6[%add3A_464, %dma_start3A_470] : memref<128x104xi32, #tpu.memory_space<vmem>> -> memref<1x104xi32, #tpu.memory_space<vmem>>
        %dma_start3A_472 = tpu.memref_squeeze %dma_start3A_471 : memref<1x104xi32, #tpu.memory_space<vmem>> -> memref<104xi32, #tpu.memory_space<vmem>>
        %dma_start3A_473 = arith.constant 0 : i32
        %dma_start3A_474 = arith.constant 0 : i32
        %dma_start3A_475 = tpu.memref_slice %arg4[%dma_start3A_473, %dma_start3A_474] : memref<1000000x64xf32, #tpu.memory_space<hbm>> -> memref<1000000x64xf32, #tpu.memory_space<hbm>>
        tpu.enqueue_indirect_dma source(%dma_start3A_475 : memref<1000000x64xf32, #tpu.memory_space<hbm>>) target(%dma_start3A_469 : memref<104x64xf32, #tpu.memory_space<vmem>>) offsets(%dma_start3A_472 : memref<104xi32, #tpu.memory_space<vmem>>) semaphore(%arg10 : memref<!tpu.dma_semaphore, #tpu.memory_space<semaphore_mem>>)
        %mul3A_476 = arith.constant 2 : i32
        %mul3A_477 = arith.muli %mul3A_476, %add3A_460 : i32
        %add3A_478 = arith.constant 0 : i32
        %add3A_479 = arith.addi %mul3A_477, %add3A_478 : i32
        %dma_start3A_480 = arith.constant 5 : i32
        %dma_start3A_481 = arith.constant 0 : i32
        %dma_start3A_482 = arith.constant 0 : i32
        %dma_start3A_483 = tpu.memref_slice %arg8[%dma_start3A_480, %dma_start3A_481, %dma_start3A_482] : memref<8x104x64xf32, #tpu.memory_space<vmem>> -> memref<1x104x64xf32, #tpu.memory_space<vmem>>
        %dma_start3A_484 = tpu.memref_squeeze %dma_start3A_483 : memref<1x104x64xf32, #tpu.memory_space<vmem>> -> memref<104x64xf32, #tpu.memory_space<vmem>>
        %dma_start3A_485 = arith.constant 0 : i32
        %dma_start3A_486 = tpu.memref_slice %arg7[%add3A_479, %dma_start3A_485] : memref<128x104xi32, #tpu.memory_space<vmem>> -> memref<1x104xi32, #tpu.memory_space<vmem>>
        %dma_start3A_487 = tpu.memref_squeeze %dma_start3A_486 : memref<1x104xi32, #tpu.memory_space<vmem>> -> memref<104xi32, #tpu.memory_space<vmem>>
        %dma_start3A_488 = arith.constant 0 : i32
        %dma_start3A_489 = arith.constant 0 : i32
        %dma_start3A_490 = tpu.memref_slice %arg4[%dma_start3A_488, %dma_start3A_489] : memref<1000000x64xf32, #tpu.memory_space<hbm>> -> memref<1000000x64xf32, #tpu.memory_space<hbm>>
        tpu.enqueue_indirect_dma source(%dma_start3A_490 : memref<1000000x64xf32, #tpu.memory_space<hbm>>) target(%dma_start3A_484 : memref<104x64xf32, #tpu.memory_space<vmem>>) offsets(%dma_start3A_487 : memref<104xi32, #tpu.memory_space<vmem>>) semaphore(%arg10 : memref<!tpu.dma_semaphore, #tpu.memory_space<semaphore_mem>>)
        %mul3A_491 = arith.constant 2 : i32
        %mul3A_492 = arith.muli %mul3A_491, %add3A_460 : i32
        %add3A_493 = arith.constant 1 : i32
        %add3A_494 = arith.addi %mul3A_492, %add3A_493 : i32
        %dma_start3A_495 = arith.constant 6 : i32
        %dma_start3A_496 = arith.constant 0 : i32
        %dma_start3A_497 = arith.constant 0 : i32
        %dma_start3A_498 = tpu.memref_slice %arg8[%dma_start3A_495, %dma_start3A_496, %dma_start3A_497] : memref<8x104x64xf32, #tpu.memory_space<vmem>> -> memref<1x104x64xf32, #tpu.memory_space<vmem>>
        %dma_start3A_499 = tpu.memref_squeeze %dma_start3A_498 : memref<1x104x64xf32, #tpu.memory_space<vmem>> -> memref<104x64xf32, #tpu.memory_space<vmem>>
        %dma_start3A_500 = arith.constant 0 : i32
        %dma_start3A_501 = tpu.memref_slice %arg6[%add3A_494, %dma_start3A_500] : memref<128x104xi32, #tpu.memory_space<vmem>> -> memref<1x104xi32, #tpu.memory_space<vmem>>
        %dma_start3A_502 = tpu.memref_squeeze %dma_start3A_501 : memref<1x104xi32, #tpu.memory_space<vmem>> -> memref<104xi32, #tpu.memory_space<vmem>>
        %dma_start3A_503 = arith.constant 0 : i32
        %dma_start3A_504 = arith.constant 0 : i32
        %dma_start3A_505 = tpu.memref_slice %arg4[%dma_start3A_503, %dma_start3A_504] : memref<1000000x64xf32, #tpu.memory_space<hbm>> -> memref<1000000x64xf32, #tpu.memory_space<hbm>>
        tpu.enqueue_indirect_dma source(%dma_start3A_505 : memref<1000000x64xf32, #tpu.memory_space<hbm>>) target(%dma_start3A_499 : memref<104x64xf32, #tpu.memory_space<vmem>>) offsets(%dma_start3A_502 : memref<104xi32, #tpu.memory_space<vmem>>) semaphore(%arg10 : memref<!tpu.dma_semaphore, #tpu.memory_space<semaphore_mem>>)
        %mul3A_506 = arith.constant 2 : i32
        %mul3A_507 = arith.muli %mul3A_506, %add3A_460 : i32
        %add3A_508 = arith.constant 1 : i32
        %add3A_509 = arith.addi %mul3A_507, %add3A_508 : i32
        %dma_start3A_510 = arith.constant 7 : i32
        %dma_start3A_511 = arith.constant 0 : i32
        %dma_start3A_512 = arith.constant 0 : i32
        %dma_start3A_513 = tpu.memref_slice %arg8[%dma_start3A_510, %dma_start3A_511, %dma_start3A_512] : memref<8x104x64xf32, #tpu.memory_space<vmem>> -> memref<1x104x64xf32, #tpu.memory_space<vmem>>
        %dma_start3A_514 = tpu.memref_squeeze %dma_start3A_513 : memref<1x104x64xf32, #tpu.memory_space<vmem>> -> memref<104x64xf32, #tpu.memory_space<vmem>>
        %dma_start3A_515 = arith.constant 0 : i32
        %dma_start3A_516 = tpu.memref_slice %arg7[%add3A_509, %dma_start3A_515] : memref<128x104xi32, #tpu.memory_space<vmem>> -> memref<1x104xi32, #tpu.memory_space<vmem>>
        %dma_start3A_517 = tpu.memref_squeeze %dma_start3A_516 : memref<1x104xi32, #tpu.memory_space<vmem>> -> memref<104xi32, #tpu.memory_space<vmem>>
        %dma_start3A_518 = arith.constant 0 : i32
        %dma_start3A_519 = arith.constant 0 : i32
        %dma_start3A_520 = tpu.memref_slice %arg4[%dma_start3A_518, %dma_start3A_519] : memref<1000000x64xf32, #tpu.memory_space<hbm>> -> memref<1000000x64xf32, #tpu.memory_space<hbm>>
        tpu.enqueue_indirect_dma source(%dma_start3A_520 : memref<1000000x64xf32, #tpu.memory_space<hbm>>) target(%dma_start3A_514 : memref<104x64xf32, #tpu.memory_space<vmem>>) offsets(%dma_start3A_517 : memref<104xi32, #tpu.memory_space<vmem>>) semaphore(%arg10 : memref<!tpu.dma_semaphore, #tpu.memory_space<semaphore_mem>>)
      } else {
      }
      %scan3A_195 = arith.constant 0 : i32
      %scan3A_196 = arith.constant 0 : i32
      %scan3A_197 = arith.constant 104 : i32
      %scan3A_198 = arith.addi %scan3A_196, %scan3A_197 : i32
      %scan3A_199 = arith.constant 2 : i32
      scf.for %scan3A_459 = %scan3A_196 to %scan3A_198 step %scan3A_199  : i32 {
        %add3A_460 = arith.constant 0 : i32
        %add3A_461 = arith.addi %add3A_460, %scan3A_459 : i32
        %get3A = arith.index_cast %add3A_461 : i32 to index
        %get3A_462 = arith.constant 0 : index
        %get3A_463 = tpu.vector_load %arg9[%get3A, %get3A_462] {strides = array<i32>} : memref<200x64xf32, #tpu.memory_space<vmem>>, vector<1x16xf32>,
        %get3A_464 = vector.shape_cast %get3A_463 : vector<1x16xf32> to vector<16xf32>
        %add3A_465 = arith.constant 96 : i32
        %add3A_466 = arith.addi %add3A_465, %scan3A_459 : i32
        %get3A_467 = arith.index_cast %add3A_466 : i32 to index
        %get3A_468 = arith.constant 0 : index
        %get3A_469 = tpu.vector_load %arg9[%get3A_467, %get3A_468] {strides = array<i32>} : memref<200x64xf32, #tpu.memory_space<vmem>>, vector<1x16xf32>,
        %get3A_470 = vector.shape_cast %get3A_469 : vector<1x16xf32> to vector<16xf32>
        %get3A_471 = arith.constant 0 : i32
        %get3A_472 = arith.index_cast %get3A_471 : i32 to index
        %get3A_473 = arith.index_cast %scan3A_459 : i32 to index
        %get3A_474 = arith.constant 0 : index
        %get3A_475 = tpu.vector_load %arg8[%get3A_472, %get3A_473, %get3A_474] {strides = array<i32>} : memref<8x104x64xf32, #tpu.memory_space<vmem>>, vector<1x1x16xf32>,
        %get3A_476 = vector.shape_cast %get3A_475 : vector<1x1x16xf32> to vector<16xf32>
        %add3A_477 = arith.addf %get3A_476, %get3A_464 : vector<16xf32>
        %swap3A = arith.constant 0 : i32
        %swap3A_478 = arith.index_cast %swap3A : i32 to index
        %swap3A_479 = arith.index_cast %scan3A_459 : i32 to index
        %swap3A_480 = arith.constant 0 : index
        %swap3A_481 = tpu.vector_load %arg8[%swap3A_478, %swap3A_479, %swap3A_480] {strides = array<i32>} : memref<8x104x64xf32, #tpu.memory_space<vmem>>, vector<1x1x16xf32>,
        %swap3A_482 = vector.shape_cast %swap3A_481 : vector<1x1x16xf32> to vector<16xf32>
        %swap3A_483 = vector.shape_cast %add3A_477 : vector<16xf32> to vector<1x1x16xf32>
        tpu.vector_store %arg8[%swap3A_478, %swap3A_479, %swap3A_480], %swap3A_483 {strides = array<i32>} : memref<8x104x64xf32, #tpu.memory_space<vmem>>, vector<1x1x16xf32>,
        %get3A_484 = arith.constant 2 : i32
        %get3A_485 = arith.index_cast %get3A_484 : i32 to index
        %get3A_486 = arith.index_cast %scan3A_459 : i32 to index
        %get3A_487 = arith.constant 0 : index
        %get3A_488 = tpu.vector_load %arg8[%get3A_485, %get3A_486, %get3A_487] {strides = array<i32>} : memref<8x104x64xf32, #tpu.memory_space<vmem>>, vector<1x1x16xf32>,
        %get3A_489 = vector.shape_cast %get3A_488 : vector<1x1x16xf32> to vector<16xf32>
        %add3A_490 = arith.addf %get3A_489, %get3A_464 : vector<16xf32>
        %swap3A_491 = arith.constant 2 : i32
        %swap3A_492 = arith.index_cast %swap3A_491 : i32 to index
        %swap3A_493 = arith.index_cast %scan3A_459 : i32 to index
        %swap3A_494 = arith.constant 0 : index
        %swap3A_495 = tpu.vector_load %arg8[%swap3A_492, %swap3A_493, %swap3A_494] {strides = array<i32>} : memref<8x104x64xf32, #tpu.memory_space<vmem>>, vector<1x1x16xf32>,
        %swap3A_496 = vector.shape_cast %swap3A_495 : vector<1x1x16xf32> to vector<16xf32>
        %swap3A_497 = vector.shape_cast %add3A_490 : vector<16xf32> to vector<1x1x16xf32>
        tpu.vector_store %arg8[%swap3A_492, %swap3A_493, %swap3A_494], %swap3A_497 {strides = array<i32>} : memref<8x104x64xf32, #tpu.memory_space<vmem>>, vector<1x1x16xf32>,
        %get3A_498 = arith.constant 1 : i32
        %get3A_499 = arith.index_cast %get3A_498 : i32 to index
        %get3A_500 = arith.index_cast %scan3A_459 : i32 to index
        %get3A_501 = arith.constant 0 : index
        %get3A_502 = tpu.vector_load %arg8[%get3A_499, %get3A_500, %get3A_501] {strides = array<i32>} : memref<8x104x64xf32, #tpu.memory_space<vmem>>, vector<1x1x16xf32>,
        %get3A_503 = vector.shape_cast %get3A_502 : vector<1x1x16xf32> to vector<16xf32>
        %add3A_504 = arith.addf %get3A_503, %get3A_470 : vector<16xf32>
        %swap3A_505 = arith.constant 1 : i32
        %swap3A_506 = arith.index_cast %swap3A_505 : i32 to index
        %swap3A_507 = arith.index_cast %scan3A_459 : i32 to index
        %swap3A_508 = arith.constant 0 : index
        %swap3A_509 = tpu.vector_load %arg8[%swap3A_506, %swap3A_507, %swap3A_508] {strides = array<i32>} : memref<8x104x64xf32, #tpu.memory_space<vmem>>, vector<1x1x16xf32>,
        %swap3A_510 = vector.shape_cast %swap3A_509 : vector<1x1x16xf32> to vector<16xf32>
        %swap3A_511 = vector.shape_cast %add3A_504 : vector<16xf32> to vector<1x1x16xf32>
        tpu.vector_store %arg8[%swap3A_506, %swap3A_507, %swap3A_508], %swap3A_511 {strides = array<i32>} : memref<8x104x64xf32, #tpu.memory_space<vmem>>, vector<1x1x16xf32>,
        %get3A_512 = arith.constant 3 : i32
        %get3A_513 = arith.index_cast %get3A_512 : i32 to index
        %get3A_514 = arith.index_cast %scan3A_459 : i32 to index
        %get3A_515 = arith.constant 0 : index
        %get3A_516 = tpu.vector_load %arg8[%get3A_513, %get3A_514, %get3A_515] {strides = array<i32>} : memref<8x104x64xf32, #tpu.memory_space<vmem>>, vector<1x1x16xf32>,
        %get3A_517 = vector.shape_cast %get3A_516 : vector<1x1x16xf32> to vector<16xf32>
        %add3A_518 = arith.addf %get3A_517, %get3A_470 : vector<16xf32>
        %swap3A_519 = arith.constant 3 : i32
        %swap3A_520 = arith.index_cast %swap3A_519 : i32 to index
        %swap3A_521 = arith.index_cast %scan3A_459 : i32 to index
        %swap3A_522 = arith.constant 0 : index
        %swap3A_523 = tpu.vector_load %arg8[%swap3A_520, %swap3A_521, %swap3A_522] {strides = array<i32>} : memref<8x104x64xf32, #tpu.memory_space<vmem>>, vector<1x1x16xf32>,
        %swap3A_524 = vector.shape_cast %swap3A_523 : vector<1x1x16xf32> to vector<16xf32>
        %swap3A_525 = vector.shape_cast %add3A_518 : vector<16xf32> to vector<1x1x16xf32>
        tpu.vector_store %arg8[%swap3A_520, %swap3A_521, %swap3A_522], %swap3A_525 {strides = array<i32>} : memref<8x104x64xf32, #tpu.memory_space<vmem>>, vector<1x1x16xf32>,
        %add3A_526 = arith.constant 0 : i32
        %add3A_527 = arith.addi %add3A_526, %scan3A_459 : i32
        %get3A_528 = arith.index_cast %add3A_527 : i32 to index
        %get3A_529 = arith.constant 16 : index
        %get3A_530 = tpu.vector_load %arg9[%get3A_528, %get3A_529] {strides = array<i32>} : memref<200x64xf32, #tpu.memory_space<vmem>>, vector<1x16xf32>,
        %get3A_531 = vector.shape_cast %get3A_530 : vector<1x16xf32> to vector<16xf32>
        %add3A_532 = arith.constant 96 : i32
        %add3A_533 = arith.addi %add3A_532, %scan3A_459 : i32
        %get3A_534 = arith.index_cast %add3A_533 : i32 to index
        %get3A_535 = arith.constant 16 : index
        %get3A_536 = tpu.vector_load %arg9[%get3A_534, %get3A_535] {strides = array<i32>} : memref<200x64xf32, #tpu.memory_space<vmem>>, vector<1x16xf32>,
        %get3A_537 = vector.shape_cast %get3A_536 : vector<1x16xf32> to vector<16xf32>
        %get3A_538 = arith.constant 0 : i32
        %get3A_539 = arith.index_cast %get3A_538 : i32 to index
        %get3A_540 = arith.index_cast %scan3A_459 : i32 to index
        %get3A_541 = arith.constant 16 : index
        %get3A_542 = tpu.vector_load %arg8[%get3A_539, %get3A_540, %get3A_541] {strides = array<i32>} : memref<8x104x64xf32, #tpu.memory_space<vmem>>, vector<1x1x16xf32>,
        %get3A_543 = vector.shape_cast %get3A_542 : vector<1x1x16xf32> to vector<16xf32>
        %add3A_544 = arith.addf %get3A_543, %get3A_531 : vector<16xf32>
        %swap3A_545 = arith.constant 0 : i32
        %swap3A_546 = arith.index_cast %swap3A_545 : i32 to index
        %swap3A_547 = arith.index_cast %scan3A_459 : i32 to index
        %swap3A_548 = arith.constant 16 : index
        %swap3A_549 = tpu.vector_load %arg8[%swap3A_546, %swap3A_547, %swap3A_548] {strides = array<i32>} : memref<8x104x64xf32, #tpu.memory_space<vmem>>, vector<1x1x16xf32>,
        %swap3A_550 = vector.shape_cast %swap3A_549 : vector<1x1x16xf32> to vector<16xf32>
        %swap3A_551 = vector.shape_cast %add3A_544 : vector<16xf32> to vector<1x1x16xf32>
        tpu.vector_store %arg8[%swap3A_546, %swap3A_547, %swap3A_548], %swap3A_551 {strides = array<i32>} : memref<8x104x64xf32, #tpu.memory_space<vmem>>, vector<1x1x16xf32>,
        %get3A_552 = arith.constant 2 : i32
        %get3A_553 = arith.index_cast %get3A_552 : i32 to index
        %get3A_554 = arith.index_cast %scan3A_459 : i32 to index
        %get3A_555 = arith.constant 16 : index
        %get3A_556 = tpu.vector_load %arg8[%get3A_553, %get3A_554, %get3A_555] {strides = array<i32>} : memref<8x104x64xf32, #tpu.memory_space<vmem>>, vector<1x1x16xf32>,
        %get3A_557 = vector.shape_cast %get3A_556 : vector<1x1x16xf32> to vector<16xf32>
        %add3A_558 = arith.addf %get3A_557, %get3A_531 : vector<16xf32>
        %swap3A_559 = arith.constant 2 : i32
        %swap3A_560 = arith.index_cast %swap3A_559 : i32 to index
        %swap3A_561 = arith.index_cast %scan3A_459 : i32 to index
        %swap3A_562 = arith.constant 16 : index
        %swap3A_563 = tpu.vector_load %arg8[%swap3A_560, %swap3A_561, %swap3A_562] {strides = array<i32>} : memref<8x104x64xf32, #tpu.memory_space<vmem>>, vector<1x1x16xf32>,
        %swap3A_564 = vector.shape_cast %swap3A_563 : vector<1x1x16xf32> to vector<16xf32>
        %swap3A_565 = vector.shape_cast %add3A_558 : vector<16xf32> to vector<1x1x16xf32>
        tpu.vector_store %arg8[%swap3A_560, %swap3A_561, %swap3A_562], %swap3A_565 {strides = array<i32>} : memref<8x104x64xf32, #tpu.memory_space<vmem>>, vector<1x1x16xf32>,
        %get3A_566 = arith.constant 1 : i32
        %get3A_567 = arith.index_cast %get3A_566 : i32 to index
        %get3A_568 = arith.index_cast %scan3A_459 : i32 to index
        %get3A_569 = arith.constant 16 : index
        %get3A_570 = tpu.vector_load %arg8[%get3A_567, %get3A_568, %get3A_569] {strides = array<i32>} : memref<8x104x64xf32, #tpu.memory_space<vmem>>, vector<1x1x16xf32>,
        %get3A_571 = vector.shape_cast %get3A_570 : vector<1x1x16xf32> to vector<16xf32>
        %add3A_572 = arith.addf %get3A_571, %get3A_537 : vector<16xf32>
        %swap3A_573 = arith.constant 1 : i32
        %swap3A_574 = arith.index_cast %swap3A_573 : i32 to index
        %swap3A_575 = arith.index_cast %scan3A_459 : i32 to index
        %swap3A_576 = arith.constant 16 : index
        %swap3A_577 = tpu.vector_load %arg8[%swap3A_574, %swap3A_575, %swap3A_576] {strides = array<i32>} : memref<8x104x64xf32, #tpu.memory_space<vmem>>, vector<1x1x16xf32>,
        %swap3A_578 = vector.shape_cast %swap3A_577 : vector<1x1x16xf32> to vector<16xf32>
        %swap3A_579 = vector.shape_cast %add3A_572 : vector<16xf32> to vector<1x1x16xf32>
        tpu.vector_store %arg8[%swap3A_574, %swap3A_575, %swap3A_576], %swap3A_579 {strides = array<i32>} : memref<8x104x64xf32, #tpu.memory_space<vmem>>, vector<1x1x16xf32>,
        %get3A_580 = arith.constant 3 : i32
        %get3A_581 = arith.index_cast %get3A_580 : i32 to index
        %get3A_582 = arith.index_cast %scan3A_459 : i32 to index
        %get3A_583 = arith.constant 16 : index
        %get3A_584 = tpu.vector_load %arg8[%get3A_581, %get3A_582, %get3A_583] {strides = array<i32>} : memref<8x104x64xf32, #tpu.memory_space<vmem>>, vector<1x1x16xf32>,
        %get3A_585 = vector.shape_cast %get3A_584 : vector<1x1x16xf32> to vector<16xf32>
        %add3A_586 = arith.addf %get3A_585, %get3A_537 : vector<16xf32>
        %swap3A_587 = arith.constant 3 : i32
        %swap3A_588 = arith.index_cast %swap3A_587 : i32 to index
        %swap3A_589 = arith.index_cast %scan3A_459 : i32 to index
        %swap3A_590 = arith.constant 16 : index
        %swap3A_591 = tpu.vector_load %arg8[%swap3A_588, %swap3A_589, %swap3A_590] {strides = array<i32>} : memref<8x104x64xf32, #tpu.memory_space<vmem>>, vector<1x1x16xf32>,
        %swap3A_592 = vector.shape_cast %swap3A_591 : vector<1x1x16xf32> to vector<16xf32>
        %swap3A_593 = vector.shape_cast %add3A_586 : vector<16xf32> to vector<1x1x16xf32>
        tpu.vector_store %arg8[%swap3A_588, %swap3A_589, %swap3A_590], %swap3A_593 {strides = array<i32>} : memref<8x104x64xf32, #tpu.memory_space<vmem>>, vector<1x1x16xf32>,
        %add3A_594 = arith.constant 0 : i32
        %add3A_595 = arith.addi %add3A_594, %scan3A_459 : i32
        %get3A_596 = arith.index_cast %add3A_595 : i32 to index
        %get3A_597 = arith.constant 32 : index
        %get3A_598 = tpu.vector_load %arg9[%get3A_596, %get3A_597] {strides = array<i32>} : memref<200x64xf32, #tpu.memory_space<vmem>>, vector<1x16xf32>,
        %get3A_599 = vector.shape_cast %get3A_598 : vector<1x16xf32> to vector<16xf32>
        %add3A_600 = arith.constant 96 : i32
        %add3A_601 = arith.addi %add3A_600, %scan3A_459 : i32
        %get3A_602 = arith.index_cast %add3A_601 : i32 to index
        %get3A_603 = arith.constant 32 : index
        %get3A_604 = tpu.vector_load %arg9[%get3A_602, %get3A_603] {strides = array<i32>} : memref<200x64xf32, #tpu.memory_space<vmem>>, vector<1x16xf32>,
        %get3A_605 = vector.shape_cast %get3A_604 : vector<1x16xf32> to vector<16xf32>
        %get3A_606 = arith.constant 0 : i32
        %get3A_607 = arith.index_cast %get3A_606 : i32 to index
        %get3A_608 = arith.index_cast %scan3A_459 : i32 to index
        %get3A_609 = arith.constant 32 : index
        %get3A_610 = tpu.vector_load %arg8[%get3A_607, %get3A_608, %get3A_609] {strides = array<i32>} : memref<8x104x64xf32, #tpu.memory_space<vmem>>, vector<1x1x16xf32>,
        %get3A_611 = vector.shape_cast %get3A_610 : vector<1x1x16xf32> to vector<16xf32>
        %add3A_612 = arith.addf %get3A_611, %get3A_599 : vector<16xf32>
        %swap3A_613 = arith.constant 0 : i32
        %swap3A_614 = arith.index_cast %swap3A_613 : i32 to index
        %swap3A_615 = arith.index_cast %scan3A_459 : i32 to index
        %swap3A_616 = arith.constant 32 : index
        %swap3A_617 = tpu.vector_load %arg8[%swap3A_614, %swap3A_615, %swap3A_616] {strides = array<i32>} : memref<8x104x64xf32, #tpu.memory_space<vmem>>, vector<1x1x16xf32>,
        %swap3A_618 = vector.shape_cast %swap3A_617 : vector<1x1x16xf32> to vector<16xf32>
        %swap3A_619 = vector.shape_cast %add3A_612 : vector<16xf32> to vector<1x1x16xf32>
        tpu.vector_store %arg8[%swap3A_614, %swap3A_615, %swap3A_616], %swap3A_619 {strides = array<i32>} : memref<8x104x64xf32, #tpu.memory_space<vmem>>, vector<1x1x16xf32>,
        %get3A_620 = arith.constant 2 : i32
        %get3A_621 = arith.index_cast %get3A_620 : i32 to index
        %get3A_622 = arith.index_cast %scan3A_459 : i32 to index
        %get3A_623 = arith.constant 32 : index
        %get3A_624 = tpu.vector_load %arg8[%get3A_621, %get3A_622, %get3A_623] {strides = array<i32>} : memref<8x104x64xf32, #tpu.memory_space<vmem>>, vector<1x1x16xf32>,
        %get3A_625 = vector.shape_cast %get3A_624 : vector<1x1x16xf32> to vector<16xf32>
        %add3A_626 = arith.addf %get3A_625, %get3A_599 : vector<16xf32>
        %swap3A_627 = arith.constant 2 : i32
        %swap3A_628 = arith.index_cast %swap3A_627 : i32 to index
        %swap3A_629 = arith.index_cast %scan3A_459 : i32 to index
        %swap3A_630 = arith.constant 32 : index
        %swap3A_631 = tpu.vector_load %arg8[%swap3A_628, %swap3A_629, %swap3A_630] {strides = array<i32>} : memref<8x104x64xf32, #tpu.memory_space<vmem>>, vector<1x1x16xf32>,
        %swap3A_632 = vector.shape_cast %swap3A_631 : vector<1x1x16xf32> to vector<16xf32>
        %swap3A_633 = vector.shape_cast %add3A_626 : vector<16xf32> to vector<1x1x16xf32>
        tpu.vector_store %arg8[%swap3A_628, %swap3A_629, %swap3A_630], %swap3A_633 {strides = array<i32>} : memref<8x104x64xf32, #tpu.memory_space<vmem>>, vector<1x1x16xf32>,
        %get3A_634 = arith.constant 1 : i32
        %get3A_635 = arith.index_cast %get3A_634 : i32 to index
        %get3A_636 = arith.index_cast %scan3A_459 : i32 to index
        %get3A_637 = arith.constant 32 : index
        %get3A_638 = tpu.vector_load %arg8[%get3A_635, %get3A_636, %get3A_637] {strides = array<i32>} : memref<8x104x64xf32, #tpu.memory_space<vmem>>, vector<1x1x16xf32>,
        %get3A_639 = vector.shape_cast %get3A_638 : vector<1x1x16xf32> to vector<16xf32>
        %add3A_640 = arith.addf %get3A_639, %get3A_605 : vector<16xf32>
        %swap3A_641 = arith.constant 1 : i32
        %swap3A_642 = arith.index_cast %swap3A_641 : i32 to index
        %swap3A_643 = arith.index_cast %scan3A_459 : i32 to index
        %swap3A_644 = arith.constant 32 : index
        %swap3A_645 = tpu.vector_load %arg8[%swap3A_642, %swap3A_643, %swap3A_644] {strides = array<i32>} : memref<8x104x64xf32, #tpu.memory_space<vmem>>, vector<1x1x16xf32>,
        %swap3A_646 = vector.shape_cast %swap3A_645 : vector<1x1x16xf32> to vector<16xf32>
        %swap3A_647 = vector.shape_cast %add3A_640 : vector<16xf32> to vector<1x1x16xf32>
        tpu.vector_store %arg8[%swap3A_642, %swap3A_643, %swap3A_644], %swap3A_647 {strides = array<i32>} : memref<8x104x64xf32, #tpu.memory_space<vmem>>, vector<1x1x16xf32>,
        %get3A_648 = arith.constant 3 : i32
        %get3A_649 = arith.index_cast %get3A_648 : i32 to index
        %get3A_650 = arith.index_cast %scan3A_459 : i32 to index
        %get3A_651 = arith.constant 32 : index
        %get3A_652 = tpu.vector_load %arg8[%get3A_649, %get3A_650, %get3A_651] {strides = array<i32>} : memref<8x104x64xf32, #tpu.memory_space<vmem>>, vector<1x1x16xf32>,
        %get3A_653 = vector.shape_cast %get3A_652 : vector<1x1x16xf32> to vector<16xf32>
        %add3A_654 = arith.addf %get3A_653, %get3A_605 : vector<16xf32>
        %swap3A_655 = arith.constant 3 : i32
        %swap3A_656 = arith.index_cast %swap3A_655 : i32 to index
        %swap3A_657 = arith.index_cast %scan3A_459 : i32 to index
        %swap3A_658 = arith.constant 32 : index
        %swap3A_659 = tpu.vector_load %arg8[%swap3A_656, %swap3A_657, %swap3A_658] {strides = array<i32>} : memref<8x104x64xf32, #tpu.memory_space<vmem>>, vector<1x1x16xf32>,
        %swap3A_660 = vector.shape_cast %swap3A_659 : vector<1x1x16xf32> to vector<16xf32>
        %swap3A_661 = vector.shape_cast %add3A_654 : vector<16xf32> to vector<1x1x16xf32>
        tpu.vector_store %arg8[%swap3A_656, %swap3A_657, %swap3A_658], %swap3A_661 {strides = array<i32>} : memref<8x104x64xf32, #tpu.memory_space<vmem>>, vector<1x1x16xf32>,
        %add3A_662 = arith.constant 0 : i32
        %add3A_663 = arith.addi %add3A_662, %scan3A_459 : i32
        %get3A_664 = arith.index_cast %add3A_663 : i32 to index
        %get3A_665 = arith.constant 48 : index
        %get3A_666 = tpu.vector_load %arg9[%get3A_664, %get3A_665] {strides = array<i32>} : memref<200x64xf32, #tpu.memory_space<vmem>>, vector<1x16xf32>,
        %get3A_667 = vector.shape_cast %get3A_666 : vector<1x16xf32> to vector<16xf32>
        %add3A_668 = arith.constant 96 : i32
        %add3A_669 = arith.addi %add3A_668, %scan3A_459 : i32
        %get3A_670 = arith.index_cast %add3A_669 : i32 to index
        %get3A_671 = arith.constant 48 : index
        %get3A_672 = tpu.vector_load %arg9[%get3A_670, %get3A_671] {strides = array<i32>} : memref<200x64xf32, #tpu.memory_space<vmem>>, vector<1x16xf32>,
        %get3A_673 = vector.shape_cast %get3A_672 : vector<1x16xf32> to vector<16xf32>
        %get3A_674 = arith.constant 0 : i32
        %get3A_675 = arith.index_cast %get3A_674 : i32 to index
        %get3A_676 = arith.index_cast %scan3A_459 : i32 to index
        %get3A_677 = arith.constant 48 : index
        %get3A_678 = tpu.vector_load %arg8[%get3A_675, %get3A_676, %get3A_677] {strides = array<i32>} : memref<8x104x64xf32, #tpu.memory_space<vmem>>, vector<1x1x16xf32>,
        %get3A_679 = vector.shape_cast %get3A_678 : vector<1x1x16xf32> to vector<16xf32>
        %add3A_680 = arith.addf %get3A_679, %get3A_667 : vector<16xf32>
        %swap3A_681 = arith.constant 0 : i32
        %swap3A_682 = arith.index_cast %swap3A_681 : i32 to index
        %swap3A_683 = arith.index_cast %scan3A_459 : i32 to index
        %swap3A_684 = arith.constant 48 : index
        %swap3A_685 = tpu.vector_load %arg8[%swap3A_682, %swap3A_683, %swap3A_684] {strides = array<i32>} : memref<8x104x64xf32, #tpu.memory_space<vmem>>, vector<1x1x16xf32>,
        %swap3A_686 = vector.shape_cast %swap3A_685 : vector<1x1x16xf32> to vector<16xf32>
        %swap3A_687 = vector.shape_cast %add3A_680 : vector<16xf32> to vector<1x1x16xf32>
        tpu.vector_store %arg8[%swap3A_682, %swap3A_683, %swap3A_684], %swap3A_687 {strides = array<i32>} : memref<8x104x64xf32, #tpu.memory_space<vmem>>, vector<1x1x16xf32>,
        %get3A_688 = arith.constant 2 : i32
        %get3A_689 = arith.index_cast %get3A_688 : i32 to index
        %get3A_690 = arith.index_cast %scan3A_459 : i32 to index
        %get3A_691 = arith.constant 48 : index
        %get3A_692 = tpu.vector_load %arg8[%get3A_689, %get3A_690, %get3A_691] {strides = array<i32>} : memref<8x104x64xf32, #tpu.memory_space<vmem>>, vector<1x1x16xf32>,
        %get3A_693 = vector.shape_cast %get3A_692 : vector<1x1x16xf32> to vector<16xf32>
        %add3A_694 = arith.addf %get3A_693, %get3A_667 : vector<16xf32>
        %swap3A_695 = arith.constant 2 : i32
        %swap3A_696 = arith.index_cast %swap3A_695 : i32 to index
        %swap3A_697 = arith.index_cast %scan3A_459 : i32 to index
        %swap3A_698 = arith.constant 48 : index
        %swap3A_699 = tpu.vector_load %arg8[%swap3A_696, %swap3A_697, %swap3A_698] {strides = array<i32>} : memref<8x104x64xf32, #tpu.memory_space<vmem>>, vector<1x1x16xf32>,
        %swap3A_700 = vector.shape_cast %swap3A_699 : vector<1x1x16xf32> to vector<16xf32>
        %swap3A_701 = vector.shape_cast %add3A_694 : vector<16xf32> to vector<1x1x16xf32>
        tpu.vector_store %arg8[%swap3A_696, %swap3A_697, %swap3A_698], %swap3A_701 {strides = array<i32>} : memref<8x104x64xf32, #tpu.memory_space<vmem>>, vector<1x1x16xf32>,
        %get3A_702 = arith.constant 1 : i32
        %get3A_703 = arith.index_cast %get3A_702 : i32 to index
        %get3A_704 = arith.index_cast %scan3A_459 : i32 to index
        %get3A_705 = arith.constant 48 : index
        %get3A_706 = tpu.vector_load %arg8[%get3A_703, %get3A_704, %get3A_705] {strides = array<i32>} : memref<8x104x64xf32, #tpu.memory_space<vmem>>, vector<1x1x16xf32>,
        %get3A_707 = vector.shape_cast %get3A_706 : vector<1x1x16xf32> to vector<16xf32>
        %add3A_708 = arith.addf %get3A_707, %get3A_673 : vector<16xf32>
        %swap3A_709 = arith.constant 1 : i32
        %swap3A_710 = arith.index_cast %swap3A_709 : i32 to index
        %swap3A_711 = arith.index_cast %scan3A_459 : i32 to index
        %swap3A_712 = arith.constant 48 : index
        %swap3A_713 = tpu.vector_load %arg8[%swap3A_710, %swap3A_711, %swap3A_712] {strides = array<i32>} : memref<8x104x64xf32, #tpu.memory_space<vmem>>, vector<1x1x16xf32>,
        %swap3A_714 = vector.shape_cast %swap3A_713 : vector<1x1x16xf32> to vector<16xf32>
        %swap3A_715 = vector.shape_cast %add3A_708 : vector<16xf32> to vector<1x1x16xf32>
        tpu.vector_store %arg8[%swap3A_710, %swap3A_711, %swap3A_712], %swap3A_715 {strides = array<i32>} : memref<8x104x64xf32, #tpu.memory_space<vmem>>, vector<1x1x16xf32>,
        %get3A_716 = arith.constant 3 : i32
        %get3A_717 = arith.index_cast %get3A_716 : i32 to index
        %get3A_718 = arith.index_cast %scan3A_459 : i32 to index
        %get3A_719 = arith.constant 48 : index
        %get3A_720 = tpu.vector_load %arg8[%get3A_717, %get3A_718, %get3A_719] {strides = array<i32>} : memref<8x104x64xf32, #tpu.memory_space<vmem>>, vector<1x1x16xf32>,
        %get3A_721 = vector.shape_cast %get3A_720 : vector<1x1x16xf32> to vector<16xf32>
        %add3A_722 = arith.addf %get3A_721, %get3A_673 : vector<16xf32>
        %swap3A_723 = arith.constant 3 : i32
        %swap3A_724 = arith.index_cast %swap3A_723 : i32 to index
        %swap3A_725 = arith.index_cast %scan3A_459 : i32 to index
        %swap3A_726 = arith.constant 48 : index
        %swap3A_727 = tpu.vector_load %arg8[%swap3A_724, %swap3A_725, %swap3A_726] {strides = array<i32>} : memref<8x104x64xf32, #tpu.memory_space<vmem>>, vector<1x1x16xf32>,
        %swap3A_728 = vector.shape_cast %swap3A_727 : vector<1x1x16xf32> to vector<16xf32>
        %swap3A_729 = vector.shape_cast %add3A_722 : vector<16xf32> to vector<1x1x16xf32>
        tpu.vector_store %arg8[%swap3A_724, %swap3A_725, %swap3A_726], %swap3A_729 {strides = array<i32>} : memref<8x104x64xf32, #tpu.memory_space<vmem>>, vector<1x1x16xf32>,
        %scan3A_730 = arith.constant 1 : i32
        %scan3A_731 = arith.addi %scan3A_459, %scan3A_730 : i32
        %add3A_732 = arith.constant 0 : i32
        %add3A_733 = arith.addi %add3A_732, %scan3A_731 : i32
        %get3A_734 = arith.index_cast %add3A_733 : i32 to index
        %get3A_735 = arith.constant 0 : index
        %get3A_736 = tpu.vector_load %arg9[%get3A_734, %get3A_735] {strides = array<i32>} : memref<200x64xf32, #tpu.memory_space<vmem>>, vector<1x16xf32>,
        %get3A_737 = vector.shape_cast %get3A_736 : vector<1x16xf32> to vector<16xf32>
        %add3A_738 = arith.constant 96 : i32
        %add3A_739 = arith.addi %add3A_738, %scan3A_731 : i32
        %get3A_740 = arith.index_cast %add3A_739 : i32 to index
        %get3A_741 = arith.constant 0 : index
        %get3A_742 = tpu.vector_load %arg9[%get3A_740, %get3A_741] {strides = array<i32>} : memref<200x64xf32, #tpu.memory_space<vmem>>, vector<1x16xf32>,
        %get3A_743 = vector.shape_cast %get3A_742 : vector<1x16xf32> to vector<16xf32>
        %get3A_744 = arith.constant 0 : i32
        %get3A_745 = arith.index_cast %get3A_744 : i32 to index
        %get3A_746 = arith.index_cast %scan3A_731 : i32 to index
        %get3A_747 = arith.constant 0 : index
        %get3A_748 = tpu.vector_load %arg8[%get3A_745, %get3A_746, %get3A_747] {strides = array<i32>} : memref<8x104x64xf32, #tpu.memory_space<vmem>>, vector<1x1x16xf32>,
        %get3A_749 = vector.shape_cast %get3A_748 : vector<1x1x16xf32> to vector<16xf32>
        %add3A_750 = arith.addf %get3A_749, %get3A_737 : vector<16xf32>
        %swap3A_751 = arith.constant 0 : i32
        %swap3A_752 = arith.index_cast %swap3A_751 : i32 to index
        %swap3A_753 = arith.index_cast %scan3A_731 : i32 to index
        %swap3A_754 = arith.constant 0 : index
        %swap3A_755 = tpu.vector_load %arg8[%swap3A_752, %swap3A_753, %swap3A_754] {strides = array<i32>} : memref<8x104x64xf32, #tpu.memory_space<vmem>>, vector<1x1x16xf32>,
        %swap3A_756 = vector.shape_cast %swap3A_755 : vector<1x1x16xf32> to vector<16xf32>
        %swap3A_757 = vector.shape_cast %add3A_750 : vector<16xf32> to vector<1x1x16xf32>
        tpu.vector_store %arg8[%swap3A_752, %swap3A_753, %swap3A_754], %swap3A_757 {strides = array<i32>} : memref<8x104x64xf32, #tpu.memory_space<vmem>>, vector<1x1x16xf32>,
        %get3A_758 = arith.constant 2 : i32
        %get3A_759 = arith.index_cast %get3A_758 : i32 to index
        %get3A_760 = arith.index_cast %scan3A_731 : i32 to index
        %get3A_761 = arith.constant 0 : index
        %get3A_762 = tpu.vector_load %arg8[%get3A_759, %get3A_760, %get3A_761] {strides = array<i32>} : memref<8x104x64xf32, #tpu.memory_space<vmem>>, vector<1x1x16xf32>,
        %get3A_763 = vector.shape_cast %get3A_762 : vector<1x1x16xf32> to vector<16xf32>
        %add3A_764 = arith.addf %get3A_763, %get3A_737 : vector<16xf32>
        %swap3A_765 = arith.constant 2 : i32
        %swap3A_766 = arith.index_cast %swap3A_765 : i32 to index
        %swap3A_767 = arith.index_cast %scan3A_731 : i32 to index
        %swap3A_768 = arith.constant 0 : index
        %swap3A_769 = tpu.vector_load %arg8[%swap3A_766, %swap3A_767, %swap3A_768] {strides = array<i32>} : memref<8x104x64xf32, #tpu.memory_space<vmem>>, vector<1x1x16xf32>,
        %swap3A_770 = vector.shape_cast %swap3A_769 : vector<1x1x16xf32> to vector<16xf32>
        %swap3A_771 = vector.shape_cast %add3A_764 : vector<16xf32> to vector<1x1x16xf32>
        tpu.vector_store %arg8[%swap3A_766, %swap3A_767, %swap3A_768], %swap3A_771 {strides = array<i32>} : memref<8x104x64xf32, #tpu.memory_space<vmem>>, vector<1x1x16xf32>,
        %get3A_772 = arith.constant 1 : i32
        %get3A_773 = arith.index_cast %get3A_772 : i32 to index
        %get3A_774 = arith.index_cast %scan3A_731 : i32 to index
        %get3A_775 = arith.constant 0 : index
        %get3A_776 = tpu.vector_load %arg8[%get3A_773, %get3A_774, %get3A_775] {strides = array<i32>} : memref<8x104x64xf32, #tpu.memory_space<vmem>>, vector<1x1x16xf32>,
        %get3A_777 = vector.shape_cast %get3A_776 : vector<1x1x16xf32> to vector<16xf32>
        %add3A_778 = arith.addf %get3A_777, %get3A_743 : vector<16xf32>
        %swap3A_779 = arith.constant 1 : i32
        %swap3A_780 = arith.index_cast %swap3A_779 : i32 to index
        %swap3A_781 = arith.index_cast %scan3A_731 : i32 to index
        %swap3A_782 = arith.constant 0 : index
        %swap3A_783 = tpu.vector_load %arg8[%swap3A_780, %swap3A_781, %swap3A_782] {strides = array<i32>} : memref<8x104x64xf32, #tpu.memory_space<vmem>>, vector<1x1x16xf32>,
        %swap3A_784 = vector.shape_cast %swap3A_783 : vector<1x1x16xf32> to vector<16xf32>
        %swap3A_785 = vector.shape_cast %add3A_778 : vector<16xf32> to vector<1x1x16xf32>
        tpu.vector_store %arg8[%swap3A_780, %swap3A_781, %swap3A_782], %swap3A_785 {strides = array<i32>} : memref<8x104x64xf32, #tpu.memory_space<vmem>>, vector<1x1x16xf32>,
        %get3A_786 = arith.constant 3 : i32
        %get3A_787 = arith.index_cast %get3A_786 : i32 to index
        %get3A_788 = arith.index_cast %scan3A_731 : i32 to index
        %get3A_789 = arith.constant 0 : index
        %get3A_790 = tpu.vector_load %arg8[%get3A_787, %get3A_788, %get3A_789] {strides = array<i32>} : memref<8x104x64xf32, #tpu.memory_space<vmem>>, vector<1x1x16xf32>,
        %get3A_791 = vector.shape_cast %get3A_790 : vector<1x1x16xf32> to vector<16xf32>
        %add3A_792 = arith.addf %get3A_791, %get3A_743 : vector<16xf32>
        %swap3A_793 = arith.constant 3 : i32
        %swap3A_794 = arith.index_cast %swap3A_793 : i32 to index
        %swap3A_795 = arith.index_cast %scan3A_731 : i32 to index
        %swap3A_796 = arith.constant 0 : index
        %swap3A_797 = tpu.vector_load %arg8[%swap3A_794, %swap3A_795, %swap3A_796] {strides = array<i32>} : memref<8x104x64xf32, #tpu.memory_space<vmem>>, vector<1x1x16xf32>,
        %swap3A_798 = vector.shape_cast %swap3A_797 : vector<1x1x16xf32> to vector<16xf32>
        %swap3A_799 = vector.shape_cast %add3A_792 : vector<16xf32> to vector<1x1x16xf32>
        tpu.vector_store %arg8[%swap3A_794, %swap3A_795, %swap3A_796], %swap3A_799 {strides = array<i32>} : memref<8x104x64xf32, #tpu.memory_space<vmem>>, vector<1x1x16xf32>,
        %add3A_800 = arith.constant 0 : i32
        %add3A_801 = arith.addi %add3A_800, %scan3A_731 : i32
        %get3A_802 = arith.index_cast %add3A_801 : i32 to index
        %get3A_803 = arith.constant 16 : index
        %get3A_804 = tpu.vector_load %arg9[%get3A_802, %get3A_803] {strides = array<i32>} : memref<200x64xf32, #tpu.memory_space<vmem>>, vector<1x16xf32>,
        %get3A_805 = vector.shape_cast %get3A_804 : vector<1x16xf32> to vector<16xf32>
        %add3A_806 = arith.constant 96 : i32
        %add3A_807 = arith.addi %add3A_806, %scan3A_731 : i32
        %get3A_808 = arith.index_cast %add3A_807 : i32 to index
        %get3A_809 = arith.constant 16 : index
        %get3A_810 = tpu.vector_load %arg9[%get3A_808, %get3A_809] {strides = array<i32>} : memref<200x64xf32, #tpu.memory_space<vmem>>, vector<1x16xf32>,
        %get3A_811 = vector.shape_cast %get3A_810 : vector<1x16xf32> to vector<16xf32>
        %get3A_812 = arith.constant 0 : i32
        %get3A_813 = arith.index_cast %get3A_812 : i32 to index
        %get3A_814 = arith.index_cast %scan3A_731 : i32 to index
        %get3A_815 = arith.constant 16 : index
        %get3A_816 = tpu.vector_load %arg8[%get3A_813, %get3A_814, %get3A_815] {strides = array<i32>} : memref<8x104x64xf32, #tpu.memory_space<vmem>>, vector<1x1x16xf32>,
        %get3A_817 = vector.shape_cast %get3A_816 : vector<1x1x16xf32> to vector<16xf32>
        %add3A_818 = arith.addf %get3A_817, %get3A_805 : vector<16xf32>
        %swap3A_819 = arith.constant 0 : i32
        %swap3A_820 = arith.index_cast %swap3A_819 : i32 to index
        %swap3A_821 = arith.index_cast %scan3A_731 : i32 to index
        %swap3A_822 = arith.constant 16 : index
        %swap3A_823 = tpu.vector_load %arg8[%swap3A_820, %swap3A_821, %swap3A_822] {strides = array<i32>} : memref<8x104x64xf32, #tpu.memory_space<vmem>>, vector<1x1x16xf32>,
        %swap3A_824 = vector.shape_cast %swap3A_823 : vector<1x1x16xf32> to vector<16xf32>
        %swap3A_825 = vector.shape_cast %add3A_818 : vector<16xf32> to vector<1x1x16xf32>
        tpu.vector_store %arg8[%swap3A_820, %swap3A_821, %swap3A_822], %swap3A_825 {strides = array<i32>} : memref<8x104x64xf32, #tpu.memory_space<vmem>>, vector<1x1x16xf32>,
        %get3A_826 = arith.constant 2 : i32
        %get3A_827 = arith.index_cast %get3A_826 : i32 to index
        %get3A_828 = arith.index_cast %scan3A_731 : i32 to index
        %get3A_829 = arith.constant 16 : index
        %get3A_830 = tpu.vector_load %arg8[%get3A_827, %get3A_828, %get3A_829] {strides = array<i32>} : memref<8x104x64xf32, #tpu.memory_space<vmem>>, vector<1x1x16xf32>,
        %get3A_831 = vector.shape_cast %get3A_830 : vector<1x1x16xf32> to vector<16xf32>
        %add3A_832 = arith.addf %get3A_831, %get3A_805 : vector<16xf32>
        %swap3A_833 = arith.constant 2 : i32
        %swap3A_834 = arith.index_cast %swap3A_833 : i32 to index
        %swap3A_835 = arith.index_cast %scan3A_731 : i32 to index
        %swap3A_836 = arith.constant 16 : index
        %swap3A_837 = tpu.vector_load %arg8[%swap3A_834, %swap3A_835, %swap3A_836] {strides = array<i32>} : memref<8x104x64xf32, #tpu.memory_space<vmem>>, vector<1x1x16xf32>,
        %swap3A_838 = vector.shape_cast %swap3A_837 : vector<1x1x16xf32> to vector<16xf32>
        %swap3A_839 = vector.shape_cast %add3A_832 : vector<16xf32> to vector<1x1x16xf32>
        tpu.vector_store %arg8[%swap3A_834, %swap3A_835, %swap3A_836], %swap3A_839 {strides = array<i32>} : memref<8x104x64xf32, #tpu.memory_space<vmem>>, vector<1x1x16xf32>,
        %get3A_840 = arith.constant 1 : i32
        %get3A_841 = arith.index_cast %get3A_840 : i32 to index
        %get3A_842 = arith.index_cast %scan3A_731 : i32 to index
        %get3A_843 = arith.constant 16 : index
        %get3A_844 = tpu.vector_load %arg8[%get3A_841, %get3A_842, %get3A_843] {strides = array<i32>} : memref<8x104x64xf32, #tpu.memory_space<vmem>>, vector<1x1x16xf32>,
        %get3A_845 = vector.shape_cast %get3A_844 : vector<1x1x16xf32> to vector<16xf32>
        %add3A_846 = arith.addf %get3A_845, %get3A_811 : vector<16xf32>
        %swap3A_847 = arith.constant 1 : i32
        %swap3A_848 = arith.index_cast %swap3A_847 : i32 to index
        %swap3A_849 = arith.index_cast %scan3A_731 : i32 to index
        %swap3A_850 = arith.constant 16 : index
        %swap3A_851 = tpu.vector_load %arg8[%swap3A_848, %swap3A_849, %swap3A_850] {strides = array<i32>} : memref<8x104x64xf32, #tpu.memory_space<vmem>>, vector<1x1x16xf32>,
        %swap3A_852 = vector.shape_cast %swap3A_851 : vector<1x1x16xf32> to vector<16xf32>
        %swap3A_853 = vector.shape_cast %add3A_846 : vector<16xf32> to vector<1x1x16xf32>
        tpu.vector_store %arg8[%swap3A_848, %swap3A_849, %swap3A_850], %swap3A_853 {strides = array<i32>} : memref<8x104x64xf32, #tpu.memory_space<vmem>>, vector<1x1x16xf32>,
        %get3A_854 = arith.constant 3 : i32
        %get3A_855 = arith.index_cast %get3A_854 : i32 to index
        %get3A_856 = arith.index_cast %scan3A_731 : i32 to index
        %get3A_857 = arith.constant 16 : index
        %get3A_858 = tpu.vector_load %arg8[%get3A_855, %get3A_856, %get3A_857] {strides = array<i32>} : memref<8x104x64xf32, #tpu.memory_space<vmem>>, vector<1x1x16xf32>,
        %get3A_859 = vector.shape_cast %get3A_858 : vector<1x1x16xf32> to vector<16xf32>
        %add3A_860 = arith.addf %get3A_859, %get3A_811 : vector<16xf32>
        %swap3A_861 = arith.constant 3 : i32
        %swap3A_862 = arith.index_cast %swap3A_861 : i32 to index
        %swap3A_863 = arith.index_cast %scan3A_731 : i32 to index
        %swap3A_864 = arith.constant 16 : index
        %swap3A_865 = tpu.vector_load %arg8[%swap3A_862, %swap3A_863, %swap3A_864] {strides = array<i32>} : memref<8x104x64xf32, #tpu.memory_space<vmem>>, vector<1x1x16xf32>,
        %swap3A_866 = vector.shape_cast %swap3A_865 : vector<1x1x16xf32> to vector<16xf32>
        %swap3A_867 = vector.shape_cast %add3A_860 : vector<16xf32> to vector<1x1x16xf32>
        tpu.vector_store %arg8[%swap3A_862, %swap3A_863, %swap3A_864], %swap3A_867 {strides = array<i32>} : memref<8x104x64xf32, #tpu.memory_space<vmem>>, vector<1x1x16xf32>,
        %add3A_868 = arith.constant 0 : i32
        %add3A_869 = arith.addi %add3A_868, %scan3A_731 : i32
        %get3A_870 = arith.index_cast %add3A_869 : i32 to index
        %get3A_871 = arith.constant 32 : index
        %get3A_872 = tpu.vector_load %arg9[%get3A_870, %get3A_871] {strides = array<i32>} : memref<200x64xf32, #tpu.memory_space<vmem>>, vector<1x16xf32>,
        %get3A_873 = vector.shape_cast %get3A_872 : vector<1x16xf32> to vector<16xf32>
        %add3A_874 = arith.constant 96 : i32
        %add3A_875 = arith.addi %add3A_874, %scan3A_731 : i32
        %get3A_876 = arith.index_cast %add3A_875 : i32 to index
        %get3A_877 = arith.constant 32 : index
        %get3A_878 = tpu.vector_load %arg9[%get3A_876, %get3A_877] {strides = array<i32>} : memref<200x64xf32, #tpu.memory_space<vmem>>, vector<1x16xf32>,
        %get3A_879 = vector.shape_cast %get3A_878 : vector<1x16xf32> to vector<16xf32>
        %get3A_880 = arith.constant 0 : i32
        %get3A_881 = arith.index_cast %get3A_880 : i32 to index
        %get3A_882 = arith.index_cast %scan3A_731 : i32 to index
        %get3A_883 = arith.constant 32 : index
        %get3A_884 = tpu.vector_load %arg8[%get3A_881, %get3A_882, %get3A_883] {strides = array<i32>} : memref<8x104x64xf32, #tpu.memory_space<vmem>>, vector<1x1x16xf32>,
        %get3A_885 = vector.shape_cast %get3A_884 : vector<1x1x16xf32> to vector<16xf32>
        %add3A_886 = arith.addf %get3A_885, %get3A_873 : vector<16xf32>
        %swap3A_887 = arith.constant 0 : i32
        %swap3A_888 = arith.index_cast %swap3A_887 : i32 to index
        %swap3A_889 = arith.index_cast %scan3A_731 : i32 to index
        %swap3A_890 = arith.constant 32 : index
        %swap3A_891 = tpu.vector_load %arg8[%swap3A_888, %swap3A_889, %swap3A_890] {strides = array<i32>} : memref<8x104x64xf32, #tpu.memory_space<vmem>>, vector<1x1x16xf32>,
        %swap3A_892 = vector.shape_cast %swap3A_891 : vector<1x1x16xf32> to vector<16xf32>
        %swap3A_893 = vector.shape_cast %add3A_886 : vector<16xf32> to vector<1x1x16xf32>
        tpu.vector_store %arg8[%swap3A_888, %swap3A_889, %swap3A_890], %swap3A_893 {strides = array<i32>} : memref<8x104x64xf32, #tpu.memory_space<vmem>>, vector<1x1x16xf32>,
        %get3A_894 = arith.constant 2 : i32
        %get3A_895 = arith.index_cast %get3A_894 : i32 to index
        %get3A_896 = arith.index_cast %scan3A_731 : i32 to index
        %get3A_897 = arith.constant 32 : index
        %get3A_898 = tpu.vector_load %arg8[%get3A_895, %get3A_896, %get3A_897] {strides = array<i32>} : memref<8x104x64xf32, #tpu.memory_space<vmem>>, vector<1x1x16xf32>,
        %get3A_899 = vector.shape_cast %get3A_898 : vector<1x1x16xf32> to vector<16xf32>
        %add3A_900 = arith.addf %get3A_899, %get3A_873 : vector<16xf32>
        %swap3A_901 = arith.constant 2 : i32
        %swap3A_902 = arith.index_cast %swap3A_901 : i32 to index
        %swap3A_903 = arith.index_cast %scan3A_731 : i32 to index
        %swap3A_904 = arith.constant 32 : index
        %swap3A_905 = tpu.vector_load %arg8[%swap3A_902, %swap3A_903, %swap3A_904] {strides = array<i32>} : memref<8x104x64xf32, #tpu.memory_space<vmem>>, vector<1x1x16xf32>,
        %swap3A_906 = vector.shape_cast %swap3A_905 : vector<1x1x16xf32> to vector<16xf32>
        %swap3A_907 = vector.shape_cast %add3A_900 : vector<16xf32> to vector<1x1x16xf32>
        tpu.vector_store %arg8[%swap3A_902, %swap3A_903, %swap3A_904], %swap3A_907 {strides = array<i32>} : memref<8x104x64xf32, #tpu.memory_space<vmem>>, vector<1x1x16xf32>,
        %get3A_908 = arith.constant 1 : i32
        %get3A_909 = arith.index_cast %get3A_908 : i32 to index
        %get3A_910 = arith.index_cast %scan3A_731 : i32 to index
        %get3A_911 = arith.constant 32 : index
        %get3A_912 = tpu.vector_load %arg8[%get3A_909, %get3A_910, %get3A_911] {strides = array<i32>} : memref<8x104x64xf32, #tpu.memory_space<vmem>>, vector<1x1x16xf32>,
        %get3A_913 = vector.shape_cast %get3A_912 : vector<1x1x16xf32> to vector<16xf32>
        %add3A_914 = arith.addf %get3A_913, %get3A_879 : vector<16xf32>
        %swap3A_915 = arith.constant 1 : i32
        %swap3A_916 = arith.index_cast %swap3A_915 : i32 to index
        %swap3A_917 = arith.index_cast %scan3A_731 : i32 to index
        %swap3A_918 = arith.constant 32 : index
        %swap3A_919 = tpu.vector_load %arg8[%swap3A_916, %swap3A_917, %swap3A_918] {strides = array<i32>} : memref<8x104x64xf32, #tpu.memory_space<vmem>>, vector<1x1x16xf32>,
        %swap3A_920 = vector.shape_cast %swap3A_919 : vector<1x1x16xf32> to vector<16xf32>
        %swap3A_921 = vector.shape_cast %add3A_914 : vector<16xf32> to vector<1x1x16xf32>
        tpu.vector_store %arg8[%swap3A_916, %swap3A_917, %swap3A_918], %swap3A_921 {strides = array<i32>} : memref<8x104x64xf32, #tpu.memory_space<vmem>>, vector<1x1x16xf32>,
        %get3A_922 = arith.constant 3 : i32
        %get3A_923 = arith.index_cast %get3A_922 : i32 to index
        %get3A_924 = arith.index_cast %scan3A_731 : i32 to index
        %get3A_925 = arith.constant 32 : index
        %get3A_926 = tpu.vector_load %arg8[%get3A_923, %get3A_924, %get3A_925] {strides = array<i32>} : memref<8x104x64xf32, #tpu.memory_space<vmem>>, vector<1x1x16xf32>,
        %get3A_927 = vector.shape_cast %get3A_926 : vector<1x1x16xf32> to vector<16xf32>
        %add3A_928 = arith.addf %get3A_927, %get3A_879 : vector<16xf32>
        %swap3A_929 = arith.constant 3 : i32
        %swap3A_930 = arith.index_cast %swap3A_929 : i32 to index
        %swap3A_931 = arith.index_cast %scan3A_731 : i32 to index
        %swap3A_932 = arith.constant 32 : index
        %swap3A_933 = tpu.vector_load %arg8[%swap3A_930, %swap3A_931, %swap3A_932] {strides = array<i32>} : memref<8x104x64xf32, #tpu.memory_space<vmem>>, vector<1x1x16xf32>,
        %swap3A_934 = vector.shape_cast %swap3A_933 : vector<1x1x16xf32> to vector<16xf32>
        %swap3A_935 = vector.shape_cast %add3A_928 : vector<16xf32> to vector<1x1x16xf32>
        tpu.vector_store %arg8[%swap3A_930, %swap3A_931, %swap3A_932], %swap3A_935 {strides = array<i32>} : memref<8x104x64xf32, #tpu.memory_space<vmem>>, vector<1x1x16xf32>,
        %add3A_936 = arith.constant 0 : i32
        %add3A_937 = arith.addi %add3A_936, %scan3A_731 : i32
        %get3A_938 = arith.index_cast %add3A_937 : i32 to index
        %get3A_939 = arith.constant 48 : index
        %get3A_940 = tpu.vector_load %arg9[%get3A_938, %get3A_939] {strides = array<i32>} : memref<200x64xf32, #tpu.memory_space<vmem>>, vector<1x16xf32>,
        %get3A_941 = vector.shape_cast %get3A_940 : vector<1x16xf32> to vector<16xf32>
        %add3A_942 = arith.constant 96 : i32
        %add3A_943 = arith.addi %add3A_942, %scan3A_731 : i32
        %get3A_944 = arith.index_cast %add3A_943 : i32 to index
        %get3A_945 = arith.constant 48 : index
        %get3A_946 = tpu.vector_load %arg9[%get3A_944, %get3A_945] {strides = array<i32>} : memref<200x64xf32, #tpu.memory_space<vmem>>, vector<1x16xf32>,
        %get3A_947 = vector.shape_cast %get3A_946 : vector<1x16xf32> to vector<16xf32>
        %get3A_948 = arith.constant 0 : i32
        %get3A_949 = arith.index_cast %get3A_948 : i32 to index
        %get3A_950 = arith.index_cast %scan3A_731 : i32 to index
        %get3A_951 = arith.constant 48 : index
        %get3A_952 = tpu.vector_load %arg8[%get3A_949, %get3A_950, %get3A_951] {strides = array<i32>} : memref<8x104x64xf32, #tpu.memory_space<vmem>>, vector<1x1x16xf32>,
        %get3A_953 = vector.shape_cast %get3A_952 : vector<1x1x16xf32> to vector<16xf32>
        %add3A_954 = arith.addf %get3A_953, %get3A_941 : vector<16xf32>
        %swap3A_955 = arith.constant 0 : i32
        %swap3A_956 = arith.index_cast %swap3A_955 : i32 to index
        %swap3A_957 = arith.index_cast %scan3A_731 : i32 to index
        %swap3A_958 = arith.constant 48 : index
        %swap3A_959 = tpu.vector_load %arg8[%swap3A_956, %swap3A_957, %swap3A_958] {strides = array<i32>} : memref<8x104x64xf32, #tpu.memory_space<vmem>>, vector<1x1x16xf32>,
        %swap3A_960 = vector.shape_cast %swap3A_959 : vector<1x1x16xf32> to vector<16xf32>
        %swap3A_961 = vector.shape_cast %add3A_954 : vector<16xf32> to vector<1x1x16xf32>
        tpu.vector_store %arg8[%swap3A_956, %swap3A_957, %swap3A_958], %swap3A_961 {strides = array<i32>} : memref<8x104x64xf32, #tpu.memory_space<vmem>>, vector<1x1x16xf32>,
        %get3A_962 = arith.constant 2 : i32
        %get3A_963 = arith.index_cast %get3A_962 : i32 to index
        %get3A_964 = arith.index_cast %scan3A_731 : i32 to index
        %get3A_965 = arith.constant 48 : index
        %get3A_966 = tpu.vector_load %arg8[%get3A_963, %get3A_964, %get3A_965] {strides = array<i32>} : memref<8x104x64xf32, #tpu.memory_space<vmem>>, vector<1x1x16xf32>,
        %get3A_967 = vector.shape_cast %get3A_966 : vector<1x1x16xf32> to vector<16xf32>
        %add3A_968 = arith.addf %get3A_967, %get3A_941 : vector<16xf32>
        %swap3A_969 = arith.constant 2 : i32
        %swap3A_970 = arith.index_cast %swap3A_969 : i32 to index
        %swap3A_971 = arith.index_cast %scan3A_731 : i32 to index
        %swap3A_972 = arith.constant 48 : index
        %swap3A_973 = tpu.vector_load %arg8[%swap3A_970, %swap3A_971, %swap3A_972] {strides = array<i32>} : memref<8x104x64xf32, #tpu.memory_space<vmem>>, vector<1x1x16xf32>,
        %swap3A_974 = vector.shape_cast %swap3A_973 : vector<1x1x16xf32> to vector<16xf32>
        %swap3A_975 = vector.shape_cast %add3A_968 : vector<16xf32> to vector<1x1x16xf32>
        tpu.vector_store %arg8[%swap3A_970, %swap3A_971, %swap3A_972], %swap3A_975 {strides = array<i32>} : memref<8x104x64xf32, #tpu.memory_space<vmem>>, vector<1x1x16xf32>,
        %get3A_976 = arith.constant 1 : i32
        %get3A_977 = arith.index_cast %get3A_976 : i32 to index
        %get3A_978 = arith.index_cast %scan3A_731 : i32 to index
        %get3A_979 = arith.constant 48 : index
        %get3A_980 = tpu.vector_load %arg8[%get3A_977, %get3A_978, %get3A_979] {strides = array<i32>} : memref<8x104x64xf32, #tpu.memory_space<vmem>>, vector<1x1x16xf32>,
        %get3A_981 = vector.shape_cast %get3A_980 : vector<1x1x16xf32> to vector<16xf32>
        %add3A_982 = arith.addf %get3A_981, %get3A_947 : vector<16xf32>
        %swap3A_983 = arith.constant 1 : i32
        %swap3A_984 = arith.index_cast %swap3A_983 : i32 to index
        %swap3A_985 = arith.index_cast %scan3A_731 : i32 to index
        %swap3A_986 = arith.constant 48 : index
        %swap3A_987 = tpu.vector_load %arg8[%swap3A_984, %swap3A_985, %swap3A_986] {strides = array<i32>} : memref<8x104x64xf32, #tpu.memory_space<vmem>>, vector<1x1x16xf32>,
        %swap3A_988 = vector.shape_cast %swap3A_987 : vector<1x1x16xf32> to vector<16xf32>
        %swap3A_989 = vector.shape_cast %add3A_982 : vector<16xf32> to vector<1x1x16xf32>
        tpu.vector_store %arg8[%swap3A_984, %swap3A_985, %swap3A_986], %swap3A_989 {strides = array<i32>} : memref<8x104x64xf32, #tpu.memory_space<vmem>>, vector<1x1x16xf32>,
        %get3A_990 = arith.constant 3 : i32
        %get3A_991 = arith.index_cast %get3A_990 : i32 to index
        %get3A_992 = arith.index_cast %scan3A_731 : i32 to index
        %get3A_993 = arith.constant 48 : index
        %get3A_994 = tpu.vector_load %arg8[%get3A_991, %get3A_992, %get3A_993] {strides = array<i32>} : memref<8x104x64xf32, #tpu.memory_space<vmem>>, vector<1x1x16xf32>,
        %get3A_995 = vector.shape_cast %get3A_994 : vector<1x1x16xf32> to vector<16xf32>
        %add3A_996 = arith.addf %get3A_995, %get3A_947 : vector<16xf32>
        %swap3A_997 = arith.constant 3 : i32
        %swap3A_998 = arith.index_cast %swap3A_997 : i32 to index
        %swap3A_999 = arith.index_cast %scan3A_731 : i32 to index
        %swap3A_1000 = arith.constant 48 : index
        %swap3A_1001 = tpu.vector_load %arg8[%swap3A_998, %swap3A_999, %swap3A_1000] {strides = array<i32>} : memref<8x104x64xf32, #tpu.memory_space<vmem>>, vector<1x1x16xf32>,
        %swap3A_1002 = vector.shape_cast %swap3A_1001 : vector<1x1x16xf32> to vector<16xf32>
        %swap3A_1003 = vector.shape_cast %add3A_996 : vector<16xf32> to vector<1x1x16xf32>
        tpu.vector_store %arg8[%swap3A_998, %swap3A_999, %swap3A_1000], %swap3A_1003 {strides = array<i32>} : memref<8x104x64xf32, #tpu.memory_space<vmem>>, vector<1x1x16xf32>,
      }
      %scan3A_200 = arith.constant 104 : i32
      %mul3A_201 = arith.constant 2 : i32
      %mul3A_202 = arith.muli %mul3A_201, %add3A_126 : i32
      %add3A_203 = arith.addi %mul3A_2, %mul3A_202 : i32
      %add3A_204 = arith.constant 0 : i32
      %add3A_205 = arith.addi %add3A_203, %add3A_204 : i32
      %dma_start3A_206 = arith.constant 0 : i32
      %dma_start3A_207 = arith.constant 0 : i32
      %dma_start3A_208 = arith.constant 0 : i32
      %dma_start3A_209 = tpu.memref_slice %arg8[%dma_start3A_206, %dma_start3A_207, %dma_start3A_208] : memref<8x104x64xf32, #tpu.memory_space<vmem>> -> memref<1x104x64xf32, #tpu.memory_space<vmem>>
      %dma_start3A_210 = tpu.memref_squeeze %dma_start3A_209 : memref<1x104x64xf32, #tpu.memory_space<vmem>> -> memref<104x64xf32, #tpu.memory_space<vmem>>
      %dma_start3A_211 = arith.constant 0 : i32
      %dma_start3A_212 = arith.constant 0 : i32
      %dma_start3A_213 = tpu.memref_slice %arg5[%add3A_205, %dma_start3A_211, %dma_start3A_212] : memref<4096x200x64xf32, #tpu.memory_space<hbm>> -> memref<1x104x64xf32, #tpu.memory_space<hbm>>
      %dma_start3A_214 = tpu.memref_squeeze %dma_start3A_213 : memref<1x104x64xf32, #tpu.memory_space<hbm>> -> memref<104x64xf32, #tpu.memory_space<hbm>>
      %dma_start3A_215 = arith.constant 0 : i32
      %dma_start3A_216 = arith.constant 0 : i32
      %dma_start3A_217 = tpu.memref_slice %arg5[%add3A_205, %dma_start3A_215, %dma_start3A_216] : memref<4096x200x64xf32, #tpu.memory_space<hbm>> -> memref<1x104x64xf32, #tpu.memory_space<hbm>>
      %dma_start3A_218 = tpu.memref_squeeze %dma_start3A_217 : memref<1x104x64xf32, #tpu.memory_space<hbm>> -> memref<104x64xf32, #tpu.memory_space<hbm>>
      %dma_start3A_219 = arith.constant 0 : i32
      %dma_start3A_220 = arith.constant 0 : i32
      %dma_start3A_221 = tpu.memref_slice %arg8[%dma_start3A_206, %dma_start3A_219, %dma_start3A_220] : memref<8x104x64xf32, #tpu.memory_space<vmem>> -> memref<1x104x64xf32, #tpu.memory_space<vmem>>
      %dma_start3A_222 = tpu.memref_squeeze %dma_start3A_221 : memref<1x104x64xf32, #tpu.memory_space<vmem>> -> memref<104x64xf32, #tpu.memory_space<vmem>>
      tpu.enqueue_dma source(%dma_start3A_222 : memref<104x64xf32, #tpu.memory_space<vmem>>) target(%dma_start3A_218 : memref<104x64xf32, #tpu.memory_space<hbm>>) target_semaphore(%arg11 : memref<!tpu.dma_semaphore, #tpu.memory_space<semaphore_mem>>)
      %mul3A_223 = arith.constant 2 : i32
      %mul3A_224 = arith.muli %mul3A_223, %add3A_126 : i32
      %add3A_225 = arith.addi %mul3A_2, %mul3A_224 : i32
      %add3A_226 = arith.constant 0 : i32
      %add3A_227 = arith.addi %add3A_225, %add3A_226 : i32
      %dma_start3A_228 = arith.constant 1 : i32
      %dma_start3A_229 = arith.constant 0 : i32
      %dma_start3A_230 = arith.constant 0 : i32
      %dma_start3A_231 = tpu.memref_slice %arg8[%dma_start3A_228, %dma_start3A_229, %dma_start3A_230] : memref<8x104x64xf32, #tpu.memory_space<vmem>> -> memref<1x104x64xf32, #tpu.memory_space<vmem>>
      %dma_start3A_232 = tpu.memref_squeeze %dma_start3A_231 : memref<1x104x64xf32, #tpu.memory_space<vmem>> -> memref<104x64xf32, #tpu.memory_space<vmem>>
      %dma_start3A_233 = arith.constant 96 : i32
      %dma_start3A_234 = arith.constant 0 : i32
      %dma_start3A_235 = tpu.memref_slice %arg5[%add3A_227, %dma_start3A_233, %dma_start3A_234] : memref<4096x200x64xf32, #tpu.memory_space<hbm>> -> memref<1x104x64xf32, #tpu.memory_space<hbm>>
      %dma_start3A_236 = tpu.memref_squeeze %dma_start3A_235 : memref<1x104x64xf32, #tpu.memory_space<hbm>> -> memref<104x64xf32, #tpu.memory_space<hbm>>
      %dma_start3A_237 = arith.constant 96 : i32
      %dma_start3A_238 = arith.constant 0 : i32
      %dma_start3A_239 = tpu.memref_slice %arg5[%add3A_227, %dma_start3A_237, %dma_start3A_238] : memref<4096x200x64xf32, #tpu.memory_space<hbm>> -> memref<1x104x64xf32, #tpu.memory_space<hbm>>
      %dma_start3A_240 = tpu.memref_squeeze %dma_start3A_239 : memref<1x104x64xf32, #tpu.memory_space<hbm>> -> memref<104x64xf32, #tpu.memory_space<hbm>>
      %dma_start3A_241 = arith.constant 0 : i32
      %dma_start3A_242 = arith.constant 0 : i32
      %dma_start3A_243 = tpu.memref_slice %arg8[%dma_start3A_228, %dma_start3A_241, %dma_start3A_242] : memref<8x104x64xf32, #tpu.memory_space<vmem>> -> memref<1x104x64xf32, #tpu.memory_space<vmem>>
      %dma_start3A_244 = tpu.memref_squeeze %dma_start3A_243 : memref<1x104x64xf32, #tpu.memory_space<vmem>> -> memref<104x64xf32, #tpu.memory_space<vmem>>
      tpu.enqueue_dma source(%dma_start3A_244 : memref<104x64xf32, #tpu.memory_space<vmem>>) target(%dma_start3A_240 : memref<104x64xf32, #tpu.memory_space<hbm>>) target_semaphore(%arg11 : memref<!tpu.dma_semaphore, #tpu.memory_space<semaphore_mem>>)
      %mul3A_245 = arith.constant 2 : i32
      %mul3A_246 = arith.muli %mul3A_245, %add3A_126 : i32
      %add3A_247 = arith.addi %mul3A_2, %mul3A_246 : i32
      %add3A_248 = arith.constant 1 : i32
      %add3A_249 = arith.addi %add3A_247, %add3A_248 : i32
      %dma_start3A_250 = arith.constant 2 : i32
      %dma_start3A_251 = arith.constant 0 : i32
      %dma_start3A_252 = arith.constant 0 : i32
      %dma_start3A_253 = tpu.memref_slice %arg8[%dma_start3A_250, %dma_start3A_251, %dma_start3A_252] : memref<8x104x64xf32, #tpu.memory_space<vmem>> -> memref<1x104x64xf32, #tpu.memory_space<vmem>>
      %dma_start3A_254 = tpu.memref_squeeze %dma_start3A_253 : memref<1x104x64xf32, #tpu.memory_space<vmem>> -> memref<104x64xf32, #tpu.memory_space<vmem>>
      %dma_start3A_255 = arith.constant 0 : i32
      %dma_start3A_256 = arith.constant 0 : i32
      %dma_start3A_257 = tpu.memref_slice %arg5[%add3A_249, %dma_start3A_255, %dma_start3A_256] : memref<4096x200x64xf32, #tpu.memory_space<hbm>> -> memref<1x104x64xf32, #tpu.memory_space<hbm>>
      %dma_start3A_258 = tpu.memref_squeeze %dma_start3A_257 : memref<1x104x64xf32, #tpu.memory_space<hbm>> -> memref<104x64xf32, #tpu.memory_space<hbm>>
      %dma_start3A_259 = arith.constant 0 : i32
      %dma_start3A_260 = arith.constant 0 : i32
      %dma_start3A_261 = tpu.memref_slice %arg5[%add3A_249, %dma_start3A_259, %dma_start3A_260] : memref<4096x200x64xf32, #tpu.memory_space<hbm>> -> memref<1x104x64xf32, #tpu.memory_space<hbm>>
      %dma_start3A_262 = tpu.memref_squeeze %dma_start3A_261 : memref<1x104x64xf32, #tpu.memory_space<hbm>> -> memref<104x64xf32, #tpu.memory_space<hbm>>
      %dma_start3A_263 = arith.constant 0 : i32
      %dma_start3A_264 = arith.constant 0 : i32
      %dma_start3A_265 = tpu.memref_slice %arg8[%dma_start3A_250, %dma_start3A_263, %dma_start3A_264] : memref<8x104x64xf32, #tpu.memory_space<vmem>> -> memref<1x104x64xf32, #tpu.memory_space<vmem>>
      %dma_start3A_266 = tpu.memref_squeeze %dma_start3A_265 : memref<1x104x64xf32, #tpu.memory_space<vmem>> -> memref<104x64xf32, #tpu.memory_space<vmem>>
      tpu.enqueue_dma source(%dma_start3A_266 : memref<104x64xf32, #tpu.memory_space<vmem>>) target(%dma_start3A_262 : memref<104x64xf32, #tpu.memory_space<hbm>>) target_semaphore(%arg11 : memref<!tpu.dma_semaphore, #tpu.memory_space<semaphore_mem>>)
      %mul3A_267 = arith.constant 2 : i32
      %mul3A_268 = arith.muli %mul3A_267, %add3A_126 : i32
      %add3A_269 = arith.addi %mul3A_2, %mul3A_268 : i32
      %add3A_270 = arith.constant 1 : i32
      %add3A_271 = arith.addi %add3A_269, %add3A_270 : i32
      %dma_start3A_272 = arith.constant 3 : i32
      %dma_start3A_273 = arith.constant 0 : i32
      %dma_start3A_274 = arith.constant 0 : i32
      %dma_start3A_275 = tpu.memref_slice %arg8[%dma_start3A_272, %dma_start3A_273, %dma_start3A_274] : memref<8x104x64xf32, #tpu.memory_space<vmem>> -> memref<1x104x64xf32, #tpu.memory_space<vmem>>
      %dma_start3A_276 = tpu.memref_squeeze %dma_start3A_275 : memref<1x104x64xf32, #tpu.memory_space<vmem>> -> memref<104x64xf32, #tpu.memory_space<vmem>>
      %dma_start3A_277 = arith.constant 96 : i32
      %dma_start3A_278 = arith.constant 0 : i32
      %dma_start3A_279 = tpu.memref_slice %arg5[%add3A_271, %dma_start3A_277, %dma_start3A_278] : memref<4096x200x64xf32, #tpu.memory_space<hbm>> -> memref<1x104x64xf32, #tpu.memory_space<hbm>>
      %dma_start3A_280 = tpu.memref_squeeze %dma_start3A_279 : memref<1x104x64xf32, #tpu.memory_space<hbm>> -> memref<104x64xf32, #tpu.memory_space<hbm>>
      %dma_start3A_281 = arith.constant 96 : i32
      %dma_start3A_282 = arith.constant 0 : i32
      %dma_start3A_283 = tpu.memref_slice %arg5[%add3A_271, %dma_start3A_281, %dma_start3A_282] : memref<4096x200x64xf32, #tpu.memory_space<hbm>> -> memref<1x104x64xf32, #tpu.memory_space<hbm>>
      %dma_start3A_284 = tpu.memref_squeeze %dma_start3A_283 : memref<1x104x64xf32, #tpu.memory_space<hbm>> -> memref<104x64xf32, #tpu.memory_space<hbm>>
      %dma_start3A_285 = arith.constant 0 : i32
      %dma_start3A_286 = arith.constant 0 : i32
      %dma_start3A_287 = tpu.memref_slice %arg8[%dma_start3A_272, %dma_start3A_285, %dma_start3A_286] : memref<8x104x64xf32, #tpu.memory_space<vmem>> -> memref<1x104x64xf32, #tpu.memory_space<vmem>>
      %dma_start3A_288 = tpu.memref_squeeze %dma_start3A_287 : memref<1x104x64xf32, #tpu.memory_space<vmem>> -> memref<104x64xf32, #tpu.memory_space<vmem>>
      tpu.enqueue_dma source(%dma_start3A_288 : memref<104x64xf32, #tpu.memory_space<vmem>>) target(%dma_start3A_284 : memref<104x64xf32, #tpu.memory_space<hbm>>) target_semaphore(%arg11 : memref<!tpu.dma_semaphore, #tpu.memory_space<semaphore_mem>>)
      %mul3A_289 = arith.constant 2 : i32
      %mul3A_290 = arith.muli %mul3A_289, %scan3A_122 : i32
      %add3A_291 = arith.constant 1 : i32
      %add3A_292 = arith.addi %mul3A_290, %add3A_291 : i32
      %mul3A_293 = arith.constant 2 : i32
      %mul3A_294 = arith.muli %mul3A_293, %add3A_292 : i32
      %add3A_295 = arith.constant 0 : i32
      %add3A_296 = arith.addi %mul3A_294, %add3A_295 : i32
      %dma_wait3A_297 = arith.constant 4 : i32
      %dma_wait3A_298 = arith.constant 0 : i32
      %dma_wait3A_299 = arith.constant 0 : i32
      %dma_wait3A_300 = tpu.memref_slice %arg8[%dma_wait3A_297, %dma_wait3A_298, %dma_wait3A_299] : memref<8x104x64xf32, #tpu.memory_space<vmem>> -> memref<1x104x64xf32, #tpu.memory_space<vmem>>
      %dma_wait3A_301 = tpu.memref_squeeze %dma_wait3A_300 : memref<1x104x64xf32, #tpu.memory_space<vmem>> -> memref<104x64xf32, #tpu.memory_space<vmem>>
      %dma_wait3A_302 = arith.constant 0 : i32
      %dma_wait3A_303 = tpu.memref_slice %arg6[%add3A_296, %dma_wait3A_302] : memref<128x104xi32, #tpu.memory_space<vmem>> -> memref<1x104xi32, #tpu.memory_space<vmem>>
      %dma_wait3A_304 = tpu.memref_squeeze %dma_wait3A_303 : memref<1x104xi32, #tpu.memory_space<vmem>> -> memref<104xi32, #tpu.memory_space<vmem>>
      %dma_wait3A_305 = arith.constant 0 : i32
      %dma_wait3A_306 = arith.constant 0 : i32
      %dma_wait3A_307 = tpu.memref_slice %arg4[%dma_wait3A_305, %dma_wait3A_306] : memref<1000000x64xf32, #tpu.memory_space<hbm>> -> memref<1000000x64xf32, #tpu.memory_space<hbm>>
      tpu.wait_indirect_dma semaphore(%arg10 : memref<!tpu.dma_semaphore, #tpu.memory_space<semaphore_mem>>) src(%dma_wait3A_307 : memref<1000000x64xf32, #tpu.memory_space<hbm>>) dst(%dma_wait3A_301 : memref<104x64xf32, #tpu.memory_space<vmem>>)
      %mul3A_308 = arith.constant 2 : i32
      %mul3A_309 = arith.muli %mul3A_308, %add3A_292 : i32
      %add3A_310 = arith.constant 0 : i32
      %add3A_311 = arith.addi %mul3A_309, %add3A_310 : i32
      %dma_wait3A_312 = arith.constant 5 : i32
      %dma_wait3A_313 = arith.constant 0 : i32
      %dma_wait3A_314 = arith.constant 0 : i32
      %dma_wait3A_315 = tpu.memref_slice %arg8[%dma_wait3A_312, %dma_wait3A_313, %dma_wait3A_314] : memref<8x104x64xf32, #tpu.memory_space<vmem>> -> memref<1x104x64xf32, #tpu.memory_space<vmem>>
      %dma_wait3A_316 = tpu.memref_squeeze %dma_wait3A_315 : memref<1x104x64xf32, #tpu.memory_space<vmem>> -> memref<104x64xf32, #tpu.memory_space<vmem>>
      %dma_wait3A_317 = arith.constant 0 : i32
      %dma_wait3A_318 = tpu.memref_slice %arg7[%add3A_311, %dma_wait3A_317] : memref<128x104xi32, #tpu.memory_space<vmem>> -> memref<1x104xi32, #tpu.memory_space<vmem>>
      %dma_wait3A_319 = tpu.memref_squeeze %dma_wait3A_318 : memref<1x104xi32, #tpu.memory_space<vmem>> -> memref<104xi32, #tpu.memory_space<vmem>>
      %dma_wait3A_320 = arith.constant 0 : i32
      %dma_wait3A_321 = arith.constant 0 : i32
      %dma_wait3A_322 = tpu.memref_slice %arg4[%dma_wait3A_320, %dma_wait3A_321] : memref<1000000x64xf32, #tpu.memory_space<hbm>> -> memref<1000000x64xf32, #tpu.memory_space<hbm>>
      tpu.wait_indirect_dma semaphore(%arg10 : memref<!tpu.dma_semaphore, #tpu.memory_space<semaphore_mem>>) src(%dma_wait3A_322 : memref<1000000x64xf32, #tpu.memory_space<hbm>>) dst(%dma_wait3A_316 : memref<104x64xf32, #tpu.memory_space<vmem>>)
      %mul3A_323 = arith.constant 2 : i32
      %mul3A_324 = arith.muli %mul3A_323, %add3A_292 : i32
      %add3A_325 = arith.constant 1 : i32
      %add3A_326 = arith.addi %mul3A_324, %add3A_325 : i32
      %dma_wait3A_327 = arith.constant 6 : i32
      %dma_wait3A_328 = arith.constant 0 : i32
      %dma_wait3A_329 = arith.constant 0 : i32
      %dma_wait3A_330 = tpu.memref_slice %arg8[%dma_wait3A_327, %dma_wait3A_328, %dma_wait3A_329] : memref<8x104x64xf32, #tpu.memory_space<vmem>> -> memref<1x104x64xf32, #tpu.memory_space<vmem>>
      %dma_wait3A_331 = tpu.memref_squeeze %dma_wait3A_330 : memref<1x104x64xf32, #tpu.memory_space<vmem>> -> memref<104x64xf32, #tpu.memory_space<vmem>>
      %dma_wait3A_332 = arith.constant 0 : i32
      %dma_wait3A_333 = tpu.memref_slice %arg6[%add3A_326, %dma_wait3A_332] : memref<128x104xi32, #tpu.memory_space<vmem>> -> memref<1x104xi32, #tpu.memory_space<vmem>>
      %dma_wait3A_334 = tpu.memref_squeeze %dma_wait3A_333 : memref<1x104xi32, #tpu.memory_space<vmem>> -> memref<104xi32, #tpu.memory_space<vmem>>
      %dma_wait3A_335 = arith.constant 0 : i32
      %dma_wait3A_336 = arith.constant 0 : i32
      %dma_wait3A_337 = tpu.memref_slice %arg4[%dma_wait3A_335, %dma_wait3A_336] : memref<1000000x64xf32, #tpu.memory_space<hbm>> -> memref<1000000x64xf32, #tpu.memory_space<hbm>>
      tpu.wait_indirect_dma semaphore(%arg10 : memref<!tpu.dma_semaphore, #tpu.memory_space<semaphore_mem>>) src(%dma_wait3A_337 : memref<1000000x64xf32, #tpu.memory_space<hbm>>) dst(%dma_wait3A_331 : memref<104x64xf32, #tpu.memory_space<vmem>>)
      %mul3A_338 = arith.constant 2 : i32
      %mul3A_339 = arith.muli %mul3A_338, %add3A_292 : i32
      %add3A_340 = arith.constant 1 : i32
      %add3A_341 = arith.addi %mul3A_339, %add3A_340 : i32
      %dma_wait3A_342 = arith.constant 7 : i32
      %dma_wait3A_343 = arith.constant 0 : i32
      %dma_wait3A_344 = arith.constant 0 : i32
      %dma_wait3A_345 = tpu.memref_slice %arg8[%dma_wait3A_342, %dma_wait3A_343, %dma_wait3A_344] : memref<8x104x64xf32, #tpu.memory_space<vmem>> -> memref<1x104x64xf32, #tpu.memory_space<vmem>>
      %dma_wait3A_346 = tpu.memref_squeeze %dma_wait3A_345 : memref<1x104x64xf32, #tpu.memory_space<vmem>> -> memref<104x64xf32, #tpu.memory_space<vmem>>
      %dma_wait3A_347 = arith.constant 0 : i32
      %dma_wait3A_348 = tpu.memref_slice %arg7[%add3A_341, %dma_wait3A_347] : memref<128x104xi32, #tpu.memory_space<vmem>> -> memref<1x104xi32, #tpu.memory_space<vmem>>
      %dma_wait3A_349 = tpu.memref_squeeze %dma_wait3A_348 : memref<1x104xi32, #tpu.memory_space<vmem>> -> memref<104xi32, #tpu.memory_space<vmem>>
      %dma_wait3A_350 = arith.constant 0 : i32
      %dma_wait3A_351 = arith.constant 0 : i32
      %dma_wait3A_352 = tpu.memref_slice %arg4[%dma_wait3A_350, %dma_wait3A_351] : memref<1000000x64xf32, #tpu.memory_space<hbm>> -> memref<1000000x64xf32, #tpu.memory_space<hbm>>
      tpu.wait_indirect_dma semaphore(%arg10 : memref<!tpu.dma_semaphore, #tpu.memory_space<semaphore_mem>>) src(%dma_wait3A_352 : memref<1000000x64xf32, #tpu.memory_space<hbm>>) dst(%dma_wait3A_346 : memref<104x64xf32, #tpu.memory_space<vmem>>)
      %ge3A_353 = arith.constant 1 : i32
      %ge3A_354 = arith.cmpi sge, %add3A_292, %ge3A_353 : i32
      %convert_element_type3A_355 = arith.extui %ge3A_354 : i1 to i32
      %cond3A_356 = arith.constant 0 : i32
      %cond3A_357 = arith.cmpi ne, %convert_element_type3A_355, %cond3A_356 : i32
      scf.if %cond3A_357 {
        %dma_wait3A_459 = arith.constant 0 : i32
        %dma_wait3A_460 = arith.constant 0 : i32
        %dma_wait3A_461 = arith.constant 0 : i32
        %dma_wait3A_462 = tpu.memref_slice %arg8[%dma_wait3A_459, %dma_wait3A_460, %dma_wait3A_461] : memref<8x104x64xf32, #tpu.memory_space<vmem>> -> memref<1x104x64xf32, #tpu.memory_space<vmem>>
        %dma_wait3A_463 = tpu.memref_squeeze %dma_wait3A_462 : memref<1x104x64xf32, #tpu.memory_space<vmem>> -> memref<104x64xf32, #tpu.memory_space<vmem>>
        %dma_wait3A_464 = arith.constant 0 : i32
        %dma_wait3A_465 = arith.constant 0 : i32
        %dma_wait3A_466 = tpu.memref_slice %arg5[%mul3A_2, %dma_wait3A_464, %dma_wait3A_465] : memref<4096x200x64xf32, #tpu.memory_space<hbm>> -> memref<1x104x64xf32, #tpu.memory_space<hbm>>
        %dma_wait3A_467 = tpu.memref_squeeze %dma_wait3A_466 : memref<1x104x64xf32, #tpu.memory_space<hbm>> -> memref<104x64xf32, #tpu.memory_space<hbm>>
        %dma_wait3A_468 = arith.constant 0 : i32
        %dma_wait3A_469 = arith.constant 0 : i32
        %dma_wait3A_470 = tpu.memref_slice %arg5[%mul3A_2, %dma_wait3A_468, %dma_wait3A_469] : memref<4096x200x64xf32, #tpu.memory_space<hbm>> -> memref<1x104x64xf32, #tpu.memory_space<hbm>>
        %dma_wait3A_471 = tpu.memref_squeeze %dma_wait3A_470 : memref<1x104x64xf32, #tpu.memory_space<hbm>> -> memref<104x64xf32, #tpu.memory_space<hbm>>
        %dma_wait3A_472 = arith.constant 0 : i32
        %dma_wait3A_473 = arith.constant 0 : i32
        %dma_wait3A_474 = tpu.memref_slice %arg8[%dma_wait3A_459, %dma_wait3A_472, %dma_wait3A_473] : memref<8x104x64xf32, #tpu.memory_space<vmem>> -> memref<1x104x64xf32, #tpu.memory_space<vmem>>
        %dma_wait3A_475 = tpu.memref_squeeze %dma_wait3A_474 : memref<1x104x64xf32, #tpu.memory_space<vmem>> -> memref<104x64xf32, #tpu.memory_space<vmem>>
        tpu.wait_dma2 semaphore(%arg11 : memref<!tpu.dma_semaphore, #tpu.memory_space<semaphore_mem>>) src(%dma_wait3A_475 : memref<104x64xf32, #tpu.memory_space<vmem>>) dst(%dma_wait3A_471 : memref<104x64xf32, #tpu.memory_space<hbm>>)
        %dma_wait3A_476 = arith.constant 0 : i32
        %dma_wait3A_477 = arith.constant 0 : i32
        %dma_wait3A_478 = arith.constant 0 : i32
        %dma_wait3A_479 = tpu.memref_slice %arg8[%dma_wait3A_476, %dma_wait3A_477, %dma_wait3A_478] : memref<8x104x64xf32, #tpu.memory_space<vmem>> -> memref<1x104x64xf32, #tpu.memory_space<vmem>>
        %dma_wait3A_480 = tpu.memref_squeeze %dma_wait3A_479 : memref<1x104x64xf32, #tpu.memory_space<vmem>> -> memref<104x64xf32, #tpu.memory_space<vmem>>
        %dma_wait3A_481 = arith.constant 0 : i32
        %dma_wait3A_482 = arith.constant 0 : i32
        %dma_wait3A_483 = tpu.memref_slice %arg5[%mul3A_2, %dma_wait3A_481, %dma_wait3A_482] : memref<4096x200x64xf32, #tpu.memory_space<hbm>> -> memref<1x104x64xf32, #tpu.memory_space<hbm>>
        %dma_wait3A_484 = tpu.memref_squeeze %dma_wait3A_483 : memref<1x104x64xf32, #tpu.memory_space<hbm>> -> memref<104x64xf32, #tpu.memory_space<hbm>>
        %dma_wait3A_485 = arith.constant 0 : i32
        %dma_wait3A_486 = arith.constant 0 : i32
        %dma_wait3A_487 = tpu.memref_slice %arg5[%mul3A_2, %dma_wait3A_485, %dma_wait3A_486] : memref<4096x200x64xf32, #tpu.memory_space<hbm>> -> memref<1x104x64xf32, #tpu.memory_space<hbm>>
        %dma_wait3A_488 = tpu.memref_squeeze %dma_wait3A_487 : memref<1x104x64xf32, #tpu.memory_space<hbm>> -> memref<104x64xf32, #tpu.memory_space<hbm>>
        %dma_wait3A_489 = arith.constant 0 : i32
        %dma_wait3A_490 = arith.constant 0 : i32
        %dma_wait3A_491 = tpu.memref_slice %arg8[%dma_wait3A_476, %dma_wait3A_489, %dma_wait3A_490] : memref<8x104x64xf32, #tpu.memory_space<vmem>> -> memref<1x104x64xf32, #tpu.memory_space<vmem>>
        %dma_wait3A_492 = tpu.memref_squeeze %dma_wait3A_491 : memref<1x104x64xf32, #tpu.memory_space<vmem>> -> memref<104x64xf32, #tpu.memory_space<vmem>>
        tpu.wait_dma2 semaphore(%arg11 : memref<!tpu.dma_semaphore, #tpu.memory_space<semaphore_mem>>) src(%dma_wait3A_492 : memref<104x64xf32, #tpu.memory_space<vmem>>) dst(%dma_wait3A_488 : memref<104x64xf32, #tpu.memory_space<hbm>>)
        %dma_wait3A_493 = arith.constant 0 : i32
        %dma_wait3A_494 = arith.constant 0 : i32
        %dma_wait3A_495 = arith.constant 0 : i32
        %dma_wait3A_496 = tpu.memref_slice %arg8[%dma_wait3A_493, %dma_wait3A_494, %dma_wait3A_495] : memref<8x104x64xf32, #tpu.memory_space<vmem>> -> memref<1x104x64xf32, #tpu.memory_space<vmem>>
        %dma_wait3A_497 = tpu.memref_squeeze %dma_wait3A_496 : memref<1x104x64xf32, #tpu.memory_space<vmem>> -> memref<104x64xf32, #tpu.memory_space<vmem>>
        %dma_wait3A_498 = arith.constant 0 : i32
        %dma_wait3A_499 = arith.constant 0 : i32
        %dma_wait3A_500 = tpu.memref_slice %arg5[%mul3A_2, %dma_wait3A_498, %dma_wait3A_499] : memref<4096x200x64xf32, #tpu.memory_space<hbm>> -> memref<1x104x64xf32, #tpu.memory_space<hbm>>
        %dma_wait3A_501 = tpu.memref_squeeze %dma_wait3A_500 : memref<1x104x64xf32, #tpu.memory_space<hbm>> -> memref<104x64xf32, #tpu.memory_space<hbm>>
        %dma_wait3A_502 = arith.constant 0 : i32
        %dma_wait3A_503 = arith.constant 0 : i32
        %dma_wait3A_504 = tpu.memref_slice %arg5[%mul3A_2, %dma_wait3A_502, %dma_wait3A_503] : memref<4096x200x64xf32, #tpu.memory_space<hbm>> -> memref<1x104x64xf32, #tpu.memory_space<hbm>>
        %dma_wait3A_505 = tpu.memref_squeeze %dma_wait3A_504 : memref<1x104x64xf32, #tpu.memory_space<hbm>> -> memref<104x64xf32, #tpu.memory_space<hbm>>
        %dma_wait3A_506 = arith.constant 0 : i32
        %dma_wait3A_507 = arith.constant 0 : i32
        %dma_wait3A_508 = tpu.memref_slice %arg8[%dma_wait3A_493, %dma_wait3A_506, %dma_wait3A_507] : memref<8x104x64xf32, #tpu.memory_space<vmem>> -> memref<1x104x64xf32, #tpu.memory_space<vmem>>
        %dma_wait3A_509 = tpu.memref_squeeze %dma_wait3A_508 : memref<1x104x64xf32, #tpu.memory_space<vmem>> -> memref<104x64xf32, #tpu.memory_space<vmem>>
        tpu.wait_dma2 semaphore(%arg11 : memref<!tpu.dma_semaphore, #tpu.memory_space<semaphore_mem>>) src(%dma_wait3A_509 : memref<104x64xf32, #tpu.memory_space<vmem>>) dst(%dma_wait3A_505 : memref<104x64xf32, #tpu.memory_space<hbm>>)
        %dma_wait3A_510 = arith.constant 0 : i32
        %dma_wait3A_511 = arith.constant 0 : i32
        %dma_wait3A_512 = arith.constant 0 : i32
        %dma_wait3A_513 = tpu.memref_slice %arg8[%dma_wait3A_510, %dma_wait3A_511, %dma_wait3A_512] : memref<8x104x64xf32, #tpu.memory_space<vmem>> -> memref<1x104x64xf32, #tpu.memory_space<vmem>>
        %dma_wait3A_514 = tpu.memref_squeeze %dma_wait3A_513 : memref<1x104x64xf32, #tpu.memory_space<vmem>> -> memref<104x64xf32, #tpu.memory_space<vmem>>
        %dma_wait3A_515 = arith.constant 0 : i32
        %dma_wait3A_516 = arith.constant 0 : i32
        %dma_wait3A_517 = tpu.memref_slice %arg5[%mul3A_2, %dma_wait3A_515, %dma_wait3A_516] : memref<4096x200x64xf32, #tpu.memory_space<hbm>> -> memref<1x104x64xf32, #tpu.memory_space<hbm>>
        %dma_wait3A_518 = tpu.memref_squeeze %dma_wait3A_517 : memref<1x104x64xf32, #tpu.memory_space<hbm>> -> memref<104x64xf32, #tpu.memory_space<hbm>>
        %dma_wait3A_519 = arith.constant 0 : i32
        %dma_wait3A_520 = arith.constant 0 : i32
        %dma_wait3A_521 = tpu.memref_slice %arg5[%mul3A_2, %dma_wait3A_519, %dma_wait3A_520] : memref<4096x200x64xf32, #tpu.memory_space<hbm>> -> memref<1x104x64xf32, #tpu.memory_space<hbm>>
        %dma_wait3A_522 = tpu.memref_squeeze %dma_wait3A_521 : memref<1x104x64xf32, #tpu.memory_space<hbm>> -> memref<104x64xf32, #tpu.memory_space<hbm>>
        %dma_wait3A_523 = arith.constant 0 : i32
        %dma_wait3A_524 = arith.constant 0 : i32
        %dma_wait3A_525 = tpu.memref_slice %arg8[%dma_wait3A_510, %dma_wait3A_523, %dma_wait3A_524] : memref<8x104x64xf32, #tpu.memory_space<vmem>> -> memref<1x104x64xf32, #tpu.memory_space<vmem>>
        %dma_wait3A_526 = tpu.memref_squeeze %dma_wait3A_525 : memref<1x104x64xf32, #tpu.memory_space<vmem>> -> memref<104x64xf32, #tpu.memory_space<vmem>>
        tpu.wait_dma2 semaphore(%arg11 : memref<!tpu.dma_semaphore, #tpu.memory_space<semaphore_mem>>) src(%dma_wait3A_526 : memref<104x64xf32, #tpu.memory_space<vmem>>) dst(%dma_wait3A_522 : memref<104x64xf32, #tpu.memory_space<hbm>>)
      } else {
      }
      %add3A_358 = arith.constant 1 : i32
      %add3A_359 = arith.addi %add3A_292, %add3A_358 : i32
      %lt3A_360 = arith.constant 64 : i32
      %lt3A_361 = arith.cmpi slt, %add3A_359, %lt3A_360 : i32
      %convert_element_type3A_362 = arith.extui %lt3A_361 : i1 to i32
      %cond3A_363 = arith.constant 0 : i32
      %cond3A_364 = arith.cmpi ne, %convert_element_type3A_362, %cond3A_363 : i32
      scf.if %cond3A_364 {
        %add3A_459 = arith.constant 1 : i32
        %add3A_460 = arith.addi %add3A_292, %add3A_459 : i32
        %mul3A_461 = arith.constant 2 : i32
        %mul3A_462 = arith.muli %mul3A_461, %add3A_460 : i32
        %add3A_463 = arith.constant 0 : i32
        %add3A_464 = arith.addi %mul3A_462, %add3A_463 : i32
        %dma_start3A_465 = arith.constant 0 : i32
        %dma_start3A_466 = arith.constant 0 : i32
        %dma_start3A_467 = arith.constant 0 : i32
        %dma_start3A_468 = tpu.memref_slice %arg8[%dma_start3A_465, %dma_start3A_466, %dma_start3A_467] : memref<8x104x64xf32, #tpu.memory_space<vmem>> -> memref<1x104x64xf32, #tpu.memory_space<vmem>>
        %dma_start3A_469 = tpu.memref_squeeze %dma_start3A_468 : memref<1x104x64xf32, #tpu.memory_space<vmem>> -> memref<104x64xf32, #tpu.memory_space<vmem>>
        %dma_start3A_470 = arith.constant 0 : i32
        %dma_start3A_471 = tpu.memref_slice %arg6[%add3A_464, %dma_start3A_470] : memref<128x104xi32, #tpu.memory_space<vmem>> -> memref<1x104xi32, #tpu.memory_space<vmem>>
        %dma_start3A_472 = tpu.memref_squeeze %dma_start3A_471 : memref<1x104xi32, #tpu.memory_space<vmem>> -> memref<104xi32, #tpu.memory_space<vmem>>
        %dma_start3A_473 = arith.constant 0 : i32
        %dma_start3A_474 = arith.constant 0 : i32
        %dma_start3A_475 = tpu.memref_slice %arg4[%dma_start3A_473, %dma_start3A_474] : memref<1000000x64xf32, #tpu.memory_space<hbm>> -> memref<1000000x64xf32, #tpu.memory_space<hbm>>
        tpu.enqueue_indirect_dma source(%dma_start3A_475 : memref<1000000x64xf32, #tpu.memory_space<hbm>>) target(%dma_start3A_469 : memref<104x64xf32, #tpu.memory_space<vmem>>) offsets(%dma_start3A_472 : memref<104xi32, #tpu.memory_space<vmem>>) semaphore(%arg10 : memref<!tpu.dma_semaphore, #tpu.memory_space<semaphore_mem>>)
        %mul3A_476 = arith.constant 2 : i32
        %mul3A_477 = arith.muli %mul3A_476, %add3A_460 : i32
        %add3A_478 = arith.constant 0 : i32
        %add3A_479 = arith.addi %mul3A_477, %add3A_478 : i32
        %dma_start3A_480 = arith.constant 1 : i32
        %dma_start3A_481 = arith.constant 0 : i32
        %dma_start3A_482 = arith.constant 0 : i32
        %dma_start3A_483 = tpu.memref_slice %arg8[%dma_start3A_480, %dma_start3A_481, %dma_start3A_482] : memref<8x104x64xf32, #tpu.memory_space<vmem>> -> memref<1x104x64xf32, #tpu.memory_space<vmem>>
        %dma_start3A_484 = tpu.memref_squeeze %dma_start3A_483 : memref<1x104x64xf32, #tpu.memory_space<vmem>> -> memref<104x64xf32, #tpu.memory_space<vmem>>
        %dma_start3A_485 = arith.constant 0 : i32
        %dma_start3A_486 = tpu.memref_slice %arg7[%add3A_479, %dma_start3A_485] : memref<128x104xi32, #tpu.memory_space<vmem>> -> memref<1x104xi32, #tpu.memory_space<vmem>>
        %dma_start3A_487 = tpu.memref_squeeze %dma_start3A_486 : memref<1x104xi32, #tpu.memory_space<vmem>> -> memref<104xi32, #tpu.memory_space<vmem>>
        %dma_start3A_488 = arith.constant 0 : i32
        %dma_start3A_489 = arith.constant 0 : i32
        %dma_start3A_490 = tpu.memref_slice %arg4[%dma_start3A_488, %dma_start3A_489] : memref<1000000x64xf32, #tpu.memory_space<hbm>> -> memref<1000000x64xf32, #tpu.memory_space<hbm>>
        tpu.enqueue_indirect_dma source(%dma_start3A_490 : memref<1000000x64xf32, #tpu.memory_space<hbm>>) target(%dma_start3A_484 : memref<104x64xf32, #tpu.memory_space<vmem>>) offsets(%dma_start3A_487 : memref<104xi32, #tpu.memory_space<vmem>>) semaphore(%arg10 : memref<!tpu.dma_semaphore, #tpu.memory_space<semaphore_mem>>)
        %mul3A_491 = arith.constant 2 : i32
        %mul3A_492 = arith.muli %mul3A_491, %add3A_460 : i32
        %add3A_493 = arith.constant 1 : i32
        %add3A_494 = arith.addi %mul3A_492, %add3A_493 : i32
        %dma_start3A_495 = arith.constant 2 : i32
        %dma_start3A_496 = arith.constant 0 : i32
        %dma_start3A_497 = arith.constant 0 : i32
        %dma_start3A_498 = tpu.memref_slice %arg8[%dma_start3A_495, %dma_start3A_496, %dma_start3A_497] : memref<8x104x64xf32, #tpu.memory_space<vmem>> -> memref<1x104x64xf32, #tpu.memory_space<vmem>>
        %dma_start3A_499 = tpu.memref_squeeze %dma_start3A_498 : memref<1x104x64xf32, #tpu.memory_space<vmem>> -> memref<104x64xf32, #tpu.memory_space<vmem>>
        %dma_start3A_500 = arith.constant 0 : i32
        %dma_start3A_501 = tpu.memref_slice %arg6[%add3A_494, %dma_start3A_500] : memref<128x104xi32, #tpu.memory_space<vmem>> -> memref<1x104xi32, #tpu.memory_space<vmem>>
        %dma_start3A_502 = tpu.memref_squeeze %dma_start3A_501 : memref<1x104xi32, #tpu.memory_space<vmem>> -> memref<104xi32, #tpu.memory_space<vmem>>
        %dma_start3A_503 = arith.constant 0 : i32
        %dma_start3A_504 = arith.constant 0 : i32
        %dma_start3A_505 = tpu.memref_slice %arg4[%dma_start3A_503, %dma_start3A_504] : memref<1000000x64xf32, #tpu.memory_space<hbm>> -> memref<1000000x64xf32, #tpu.memory_space<hbm>>
        tpu.enqueue_indirect_dma source(%dma_start3A_505 : memref<1000000x64xf32, #tpu.memory_space<hbm>>) target(%dma_start3A_499 : memref<104x64xf32, #tpu.memory_space<vmem>>) offsets(%dma_start3A_502 : memref<104xi32, #tpu.memory_space<vmem>>) semaphore(%arg10 : memref<!tpu.dma_semaphore, #tpu.memory_space<semaphore_mem>>)
        %mul3A_506 = arith.constant 2 : i32
        %mul3A_507 = arith.muli %mul3A_506, %add3A_460 : i32
        %add3A_508 = arith.constant 1 : i32
        %add3A_509 = arith.addi %mul3A_507, %add3A_508 : i32
        %dma_start3A_510 = arith.constant 3 : i32
        %dma_start3A_511 = arith.constant 0 : i32
        %dma_start3A_512 = arith.constant 0 : i32
        %dma_start3A_513 = tpu.memref_slice %arg8[%dma_start3A_510, %dma_start3A_511, %dma_start3A_512] : memref<8x104x64xf32, #tpu.memory_space<vmem>> -> memref<1x104x64xf32, #tpu.memory_space<vmem>>
        %dma_start3A_514 = tpu.memref_squeeze %dma_start3A_513 : memref<1x104x64xf32, #tpu.memory_space<vmem>> -> memref<104x64xf32, #tpu.memory_space<vmem>>
        %dma_start3A_515 = arith.constant 0 : i32
        %dma_start3A_516 = tpu.memref_slice %arg7[%add3A_509, %dma_start3A_515] : memref<128x104xi32, #tpu.memory_space<vmem>> -> memref<1x104xi32, #tpu.memory_space<vmem>>
        %dma_start3A_517 = tpu.memref_squeeze %dma_start3A_516 : memref<1x104xi32, #tpu.memory_space<vmem>> -> memref<104xi32, #tpu.memory_space<vmem>>
        %dma_start3A_518 = arith.constant 0 : i32
        %dma_start3A_519 = arith.constant 0 : i32
        %dma_start3A_520 = tpu.memref_slice %arg4[%dma_start3A_518, %dma_start3A_519] : memref<1000000x64xf32, #tpu.memory_space<hbm>> -> memref<1000000x64xf32, #tpu.memory_space<hbm>>
        tpu.enqueue_indirect_dma source(%dma_start3A_520 : memref<1000000x64xf32, #tpu.memory_space<hbm>>) target(%dma_start3A_514 : memref<104x64xf32, #tpu.memory_space<vmem>>) offsets(%dma_start3A_517 : memref<104xi32, #tpu.memory_space<vmem>>) semaphore(%arg10 : memref<!tpu.dma_semaphore, #tpu.memory_space<semaphore_mem>>)
      } else {
      }
      %scan3A_365 = arith.constant 0 : i32
      %scan3A_366 = arith.constant 0 : i32
      %scan3A_367 = arith.constant 104 : i32
      %scan3A_368 = arith.addi %scan3A_366, %scan3A_367 : i32
      %scan3A_369 = arith.constant 2 : i32
      scf.for %scan3A_459 = %scan3A_366 to %scan3A_368 step %scan3A_369  : i32 {
        %add3A_460 = arith.constant 0 : i32
        %add3A_461 = arith.addi %add3A_460, %scan3A_459 : i32
        %get3A = arith.index_cast %add3A_461 : i32 to index
        %get3A_462 = arith.constant 0 : index
        %get3A_463 = tpu.vector_load %arg9[%get3A, %get3A_462] {strides = array<i32>} : memref<200x64xf32, #tpu.memory_space<vmem>>, vector<1x16xf32>,
        %get3A_464 = vector.shape_cast %get3A_463 : vector<1x16xf32> to vector<16xf32>
        %add3A_465 = arith.constant 96 : i32
        %add3A_466 = arith.addi %add3A_465, %scan3A_459 : i32
        %get3A_467 = arith.index_cast %add3A_466 : i32 to index
        %get3A_468 = arith.constant 0 : index
        %get3A_469 = tpu.vector_load %arg9[%get3A_467, %get3A_468] {strides = array<i32>} : memref<200x64xf32, #tpu.memory_space<vmem>>, vector<1x16xf32>,
        %get3A_470 = vector.shape_cast %get3A_469 : vector<1x16xf32> to vector<16xf32>
        %get3A_471 = arith.constant 4 : i32
        %get3A_472 = arith.index_cast %get3A_471 : i32 to index
        %get3A_473 = arith.index_cast %scan3A_459 : i32 to index
        %get3A_474 = arith.constant 0 : index
        %get3A_475 = tpu.vector_load %arg8[%get3A_472, %get3A_473, %get3A_474] {strides = array<i32>} : memref<8x104x64xf32, #tpu.memory_space<vmem>>, vector<1x1x16xf32>,
        %get3A_476 = vector.shape_cast %get3A_475 : vector<1x1x16xf32> to vector<16xf32>
        %add3A_477 = arith.addf %get3A_476, %get3A_464 : vector<16xf32>
        %swap3A = arith.constant 4 : i32
        %swap3A_478 = arith.index_cast %swap3A : i32 to index
        %swap3A_479 = arith.index_cast %scan3A_459 : i32 to index
        %swap3A_480 = arith.constant 0 : index
        %swap3A_481 = tpu.vector_load %arg8[%swap3A_478, %swap3A_479, %swap3A_480] {strides = array<i32>} : memref<8x104x64xf32, #tpu.memory_space<vmem>>, vector<1x1x16xf32>,
        %swap3A_482 = vector.shape_cast %swap3A_481 : vector<1x1x16xf32> to vector<16xf32>
        %swap3A_483 = vector.shape_cast %add3A_477 : vector<16xf32> to vector<1x1x16xf32>
        tpu.vector_store %arg8[%swap3A_478, %swap3A_479, %swap3A_480], %swap3A_483 {strides = array<i32>} : memref<8x104x64xf32, #tpu.memory_space<vmem>>, vector<1x1x16xf32>,
        %get3A_484 = arith.constant 6 : i32
        %get3A_485 = arith.index_cast %get3A_484 : i32 to index
        %get3A_486 = arith.index_cast %scan3A_459 : i32 to index
        %get3A_487 = arith.constant 0 : index
        %get3A_488 = tpu.vector_load %arg8[%get3A_485, %get3A_486, %get3A_487] {strides = array<i32>} : memref<8x104x64xf32, #tpu.memory_space<vmem>>, vector<1x1x16xf32>,
        %get3A_489 = vector.shape_cast %get3A_488 : vector<1x1x16xf32> to vector<16xf32>
        %add3A_490 = arith.addf %get3A_489, %get3A_464 : vector<16xf32>
        %swap3A_491 = arith.constant 6 : i32
        %swap3A_492 = arith.index_cast %swap3A_491 : i32 to index
        %swap3A_493 = arith.index_cast %scan3A_459 : i32 to index
        %swap3A_494 = arith.constant 0 : index
        %swap3A_495 = tpu.vector_load %arg8[%swap3A_492, %swap3A_493, %swap3A_494] {strides = array<i32>} : memref<8x104x64xf32, #tpu.memory_space<vmem>>, vector<1x1x16xf32>,
        %swap3A_496 = vector.shape_cast %swap3A_495 : vector<1x1x16xf32> to vector<16xf32>
        %swap3A_497 = vector.shape_cast %add3A_490 : vector<16xf32> to vector<1x1x16xf32>
        tpu.vector_store %arg8[%swap3A_492, %swap3A_493, %swap3A_494], %swap3A_497 {strides = array<i32>} : memref<8x104x64xf32, #tpu.memory_space<vmem>>, vector<1x1x16xf32>,
        %get3A_498 = arith.constant 5 : i32
        %get3A_499 = arith.index_cast %get3A_498 : i32 to index
        %get3A_500 = arith.index_cast %scan3A_459 : i32 to index
        %get3A_501 = arith.constant 0 : index
        %get3A_502 = tpu.vector_load %arg8[%get3A_499, %get3A_500, %get3A_501] {strides = array<i32>} : memref<8x104x64xf32, #tpu.memory_space<vmem>>, vector<1x1x16xf32>,
        %get3A_503 = vector.shape_cast %get3A_502 : vector<1x1x16xf32> to vector<16xf32>
        %add3A_504 = arith.addf %get3A_503, %get3A_470 : vector<16xf32>
        %swap3A_505 = arith.constant 5 : i32
        %swap3A_506 = arith.index_cast %swap3A_505 : i32 to index
        %swap3A_507 = arith.index_cast %scan3A_459 : i32 to index
        %swap3A_508 = arith.constant 0 : index
        %swap3A_509 = tpu.vector_load %arg8[%swap3A_506, %swap3A_507, %swap3A_508] {strides = array<i32>} : memref<8x104x64xf32, #tpu.memory_space<vmem>>, vector<1x1x16xf32>,
        %swap3A_510 = vector.shape_cast %swap3A_509 : vector<1x1x16xf32> to vector<16xf32>
        %swap3A_511 = vector.shape_cast %add3A_504 : vector<16xf32> to vector<1x1x16xf32>
        tpu.vector_store %arg8[%swap3A_506, %swap3A_507, %swap3A_508], %swap3A_511 {strides = array<i32>} : memref<8x104x64xf32, #tpu.memory_space<vmem>>, vector<1x1x16xf32>,
        %get3A_512 = arith.constant 7 : i32
        %get3A_513 = arith.index_cast %get3A_512 : i32 to index
        %get3A_514 = arith.index_cast %scan3A_459 : i32 to index
        %get3A_515 = arith.constant 0 : index
        %get3A_516 = tpu.vector_load %arg8[%get3A_513, %get3A_514, %get3A_515] {strides = array<i32>} : memref<8x104x64xf32, #tpu.memory_space<vmem>>, vector<1x1x16xf32>,
        %get3A_517 = vector.shape_cast %get3A_516 : vector<1x1x16xf32> to vector<16xf32>
        %add3A_518 = arith.addf %get3A_517, %get3A_470 : vector<16xf32>
        %swap3A_519 = arith.constant 7 : i32
        %swap3A_520 = arith.index_cast %swap3A_519 : i32 to index
        %swap3A_521 = arith.index_cast %scan3A_459 : i32 to index
        %swap3A_522 = arith.constant 0 : index
        %swap3A_523 = tpu.vector_load %arg8[%swap3A_520, %swap3A_521, %swap3A_522] {strides = array<i32>} : memref<8x104x64xf32, #tpu.memory_space<vmem>>, vector<1x1x16xf32>,
        %swap3A_524 = vector.shape_cast %swap3A_523 : vector<1x1x16xf32> to vector<16xf32>
        %swap3A_525 = vector.shape_cast %add3A_518 : vector<16xf32> to vector<1x1x16xf32>
        tpu.vector_store %arg8[%swap3A_520, %swap3A_521, %swap3A_522], %swap3A_525 {strides = array<i32>} : memref<8x104x64xf32, #tpu.memory_space<vmem>>, vector<1x1x16xf32>,
        %add3A_526 = arith.constant 0 : i32
        %add3A_527 = arith.addi %add3A_526, %scan3A_459 : i32
        %get3A_528 = arith.index_cast %add3A_527 : i32 to index
        %get3A_529 = arith.constant 16 : index
        %get3A_530 = tpu.vector_load %arg9[%get3A_528, %get3A_529] {strides = array<i32>} : memref<200x64xf32, #tpu.memory_space<vmem>>, vector<1x16xf32>,
        %get3A_531 = vector.shape_cast %get3A_530 : vector<1x16xf32> to vector<16xf32>
        %add3A_532 = arith.constant 96 : i32
        %add3A_533 = arith.addi %add3A_532, %scan3A_459 : i32
        %get3A_534 = arith.index_cast %add3A_533 : i32 to index
        %get3A_535 = arith.constant 16 : index
        %get3A_536 = tpu.vector_load %arg9[%get3A_534, %get3A_535] {strides = array<i32>} : memref<200x64xf32, #tpu.memory_space<vmem>>, vector<1x16xf32>,
        %get3A_537 = vector.shape_cast %get3A_536 : vector<1x16xf32> to vector<16xf32>
        %get3A_538 = arith.constant 4 : i32
        %get3A_539 = arith.index_cast %get3A_538 : i32 to index
        %get3A_540 = arith.index_cast %scan3A_459 : i32 to index
        %get3A_541 = arith.constant 16 : index
        %get3A_542 = tpu.vector_load %arg8[%get3A_539, %get3A_540, %get3A_541] {strides = array<i32>} : memref<8x104x64xf32, #tpu.memory_space<vmem>>, vector<1x1x16xf32>,
        %get3A_543 = vector.shape_cast %get3A_542 : vector<1x1x16xf32> to vector<16xf32>
        %add3A_544 = arith.addf %get3A_543, %get3A_531 : vector<16xf32>
        %swap3A_545 = arith.constant 4 : i32
        %swap3A_546 = arith.index_cast %swap3A_545 : i32 to index
        %swap3A_547 = arith.index_cast %scan3A_459 : i32 to index
        %swap3A_548 = arith.constant 16 : index
        %swap3A_549 = tpu.vector_load %arg8[%swap3A_546, %swap3A_547, %swap3A_548] {strides = array<i32>} : memref<8x104x64xf32, #tpu.memory_space<vmem>>, vector<1x1x16xf32>,
        %swap3A_550 = vector.shape_cast %swap3A_549 : vector<1x1x16xf32> to vector<16xf32>
        %swap3A_551 = vector.shape_cast %add3A_544 : vector<16xf32> to vector<1x1x16xf32>
        tpu.vector_store %arg8[%swap3A_546, %swap3A_547, %swap3A_548], %swap3A_551 {strides = array<i32>} : memref<8x104x64xf32, #tpu.memory_space<vmem>>, vector<1x1x16xf32>,
        %get3A_552 = arith.constant 6 : i32
        %get3A_553 = arith.index_cast %get3A_552 : i32 to index
        %get3A_554 = arith.index_cast %scan3A_459 : i32 to index
        %get3A_555 = arith.constant 16 : index
        %get3A_556 = tpu.vector_load %arg8[%get3A_553, %get3A_554, %get3A_555] {strides = array<i32>} : memref<8x104x64xf32, #tpu.memory_space<vmem>>, vector<1x1x16xf32>,
        %get3A_557 = vector.shape_cast %get3A_556 : vector<1x1x16xf32> to vector<16xf32>
        %add3A_558 = arith.addf %get3A_557, %get3A_531 : vector<16xf32>
        %swap3A_559 = arith.constant 6 : i32
        %swap3A_560 = arith.index_cast %swap3A_559 : i32 to index
        %swap3A_561 = arith.index_cast %scan3A_459 : i32 to index
        %swap3A_562 = arith.constant 16 : index
        %swap3A_563 = tpu.vector_load %arg8[%swap3A_560, %swap3A_561, %swap3A_562] {strides = array<i32>} : memref<8x104x64xf32, #tpu.memory_space<vmem>>, vector<1x1x16xf32>,
        %swap3A_564 = vector.shape_cast %swap3A_563 : vector<1x1x16xf32> to vector<16xf32>
        %swap3A_565 = vector.shape_cast %add3A_558 : vector<16xf32> to vector<1x1x16xf32>
        tpu.vector_store %arg8[%swap3A_560, %swap3A_561, %swap3A_562], %swap3A_565 {strides = array<i32>} : memref<8x104x64xf32, #tpu.memory_space<vmem>>, vector<1x1x16xf32>,
        %get3A_566 = arith.constant 5 : i32
        %get3A_567 = arith.index_cast %get3A_566 : i32 to index
        %get3A_568 = arith.index_cast %scan3A_459 : i32 to index
        %get3A_569 = arith.constant 16 : index
        %get3A_570 = tpu.vector_load %arg8[%get3A_567, %get3A_568, %get3A_569] {strides = array<i32>} : memref<8x104x64xf32, #tpu.memory_space<vmem>>, vector<1x1x16xf32>,
        %get3A_571 = vector.shape_cast %get3A_570 : vector<1x1x16xf32> to vector<16xf32>
        %add3A_572 = arith.addf %get3A_571, %get3A_537 : vector<16xf32>
        %swap3A_573 = arith.constant 5 : i32
        %swap3A_574 = arith.index_cast %swap3A_573 : i32 to index
        %swap3A_575 = arith.index_cast %scan3A_459 : i32 to index
        %swap3A_576 = arith.constant 16 : index
        %swap3A_577 = tpu.vector_load %arg8[%swap3A_574, %swap3A_575, %swap3A_576] {strides = array<i32>} : memref<8x104x64xf32, #tpu.memory_space<vmem>>, vector<1x1x16xf32>,
        %swap3A_578 = vector.shape_cast %swap3A_577 : vector<1x1x16xf32> to vector<16xf32>
        %swap3A_579 = vector.shape_cast %add3A_572 : vector<16xf32> to vector<1x1x16xf32>
        tpu.vector_store %arg8[%swap3A_574, %swap3A_575, %swap3A_576], %swap3A_579 {strides = array<i32>} : memref<8x104x64xf32, #tpu.memory_space<vmem>>, vector<1x1x16xf32>,
        %get3A_580 = arith.constant 7 : i32
        %get3A_581 = arith.index_cast %get3A_580 : i32 to index
        %get3A_582 = arith.index_cast %scan3A_459 : i32 to index
        %get3A_583 = arith.constant 16 : index
        %get3A_584 = tpu.vector_load %arg8[%get3A_581, %get3A_582, %get3A_583] {strides = array<i32>} : memref<8x104x64xf32, #tpu.memory_space<vmem>>, vector<1x1x16xf32>,
        %get3A_585 = vector.shape_cast %get3A_584 : vector<1x1x16xf32> to vector<16xf32>
        %add3A_586 = arith.addf %get3A_585, %get3A_537 : vector<16xf32>
        %swap3A_587 = arith.constant 7 : i32
        %swap3A_588 = arith.index_cast %swap3A_587 : i32 to index
        %swap3A_589 = arith.index_cast %scan3A_459 : i32 to index
        %swap3A_590 = arith.constant 16 : index
        %swap3A_591 = tpu.vector_load %arg8[%swap3A_588, %swap3A_589, %swap3A_590] {strides = array<i32>} : memref<8x104x64xf32, #tpu.memory_space<vmem>>, vector<1x1x16xf32>,
        %swap3A_592 = vector.shape_cast %swap3A_591 : vector<1x1x16xf32> to vector<16xf32>
        %swap3A_593 = vector.shape_cast %add3A_586 : vector<16xf32> to vector<1x1x16xf32>
        tpu.vector_store %arg8[%swap3A_588, %swap3A_589, %swap3A_590], %swap3A_593 {strides = array<i32>} : memref<8x104x64xf32, #tpu.memory_space<vmem>>, vector<1x1x16xf32>,
        %add3A_594 = arith.constant 0 : i32
        %add3A_595 = arith.addi %add3A_594, %scan3A_459 : i32
        %get3A_596 = arith.index_cast %add3A_595 : i32 to index
        %get3A_597 = arith.constant 32 : index
        %get3A_598 = tpu.vector_load %arg9[%get3A_596, %get3A_597] {strides = array<i32>} : memref<200x64xf32, #tpu.memory_space<vmem>>, vector<1x16xf32>,
        %get3A_599 = vector.shape_cast %get3A_598 : vector<1x16xf32> to vector<16xf32>
        %add3A_600 = arith.constant 96 : i32
        %add3A_601 = arith.addi %add3A_600, %scan3A_459 : i32
        %get3A_602 = arith.index_cast %add3A_601 : i32 to index
        %get3A_603 = arith.constant 32 : index
        %get3A_604 = tpu.vector_load %arg9[%get3A_602, %get3A_603] {strides = array<i32>} : memref<200x64xf32, #tpu.memory_space<vmem>>, vector<1x16xf32>,
        %get3A_605 = vector.shape_cast %get3A_604 : vector<1x16xf32> to vector<16xf32>
        %get3A_606 = arith.constant 4 : i32
        %get3A_607 = arith.index_cast %get3A_606 : i32 to index
        %get3A_608 = arith.index_cast %scan3A_459 : i32 to index
        %get3A_609 = arith.constant 32 : index
        %get3A_610 = tpu.vector_load %arg8[%get3A_607, %get3A_608, %get3A_609] {strides = array<i32>} : memref<8x104x64xf32, #tpu.memory_space<vmem>>, vector<1x1x16xf32>,
        %get3A_611 = vector.shape_cast %get3A_610 : vector<1x1x16xf32> to vector<16xf32>
        %add3A_612 = arith.addf %get3A_611, %get3A_599 : vector<16xf32>
        %swap3A_613 = arith.constant 4 : i32
        %swap3A_614 = arith.index_cast %swap3A_613 : i32 to index
        %swap3A_615 = arith.index_cast %scan3A_459 : i32 to index
        %swap3A_616 = arith.constant 32 : index
        %swap3A_617 = tpu.vector_load %arg8[%swap3A_614, %swap3A_615, %swap3A_616] {strides = array<i32>} : memref<8x104x64xf32, #tpu.memory_space<vmem>>, vector<1x1x16xf32>,
        %swap3A_618 = vector.shape_cast %swap3A_617 : vector<1x1x16xf32> to vector<16xf32>
        %swap3A_619 = vector.shape_cast %add3A_612 : vector<16xf32> to vector<1x1x16xf32>
        tpu.vector_store %arg8[%swap3A_614, %swap3A_615, %swap3A_616], %swap3A_619 {strides = array<i32>} : memref<8x104x64xf32, #tpu.memory_space<vmem>>, vector<1x1x16xf32>,
        %get3A_620 = arith.constant 6 : i32
        %get3A_621 = arith.index_cast %get3A_620 : i32 to index
        %get3A_622 = arith.index_cast %scan3A_459 : i32 to index
        %get3A_623 = arith.constant 32 : index
        %get3A_624 = tpu.vector_load %arg8[%get3A_621, %get3A_622, %get3A_623] {strides = array<i32>} : memref<8x104x64xf32, #tpu.memory_space<vmem>>, vector<1x1x16xf32>,
        %get3A_625 = vector.shape_cast %get3A_624 : vector<1x1x16xf32> to vector<16xf32>
        %add3A_626 = arith.addf %get3A_625, %get3A_599 : vector<16xf32>
        %swap3A_627 = arith.constant 6 : i32
        %swap3A_628 = arith.index_cast %swap3A_627 : i32 to index
        %swap3A_629 = arith.index_cast %scan3A_459 : i32 to index
        %swap3A_630 = arith.constant 32 : index
        %swap3A_631 = tpu.vector_load %arg8[%swap3A_628, %swap3A_629, %swap3A_630] {strides = array<i32>} : memref<8x104x64xf32, #tpu.memory_space<vmem>>, vector<1x1x16xf32>,
        %swap3A_632 = vector.shape_cast %swap3A_631 : vector<1x1x16xf32> to vector<16xf32>
        %swap3A_633 = vector.shape_cast %add3A_626 : vector<16xf32> to vector<1x1x16xf32>
        tpu.vector_store %arg8[%swap3A_628, %swap3A_629, %swap3A_630], %swap3A_633 {strides = array<i32>} : memref<8x104x64xf32, #tpu.memory_space<vmem>>, vector<1x1x16xf32>,
        %get3A_634 = arith.constant 5 : i32
        %get3A_635 = arith.index_cast %get3A_634 : i32 to index
        %get3A_636 = arith.index_cast %scan3A_459 : i32 to index
        %get3A_637 = arith.constant 32 : index
        %get3A_638 = tpu.vector_load %arg8[%get3A_635, %get3A_636, %get3A_637] {strides = array<i32>} : memref<8x104x64xf32, #tpu.memory_space<vmem>>, vector<1x1x16xf32>,
        %get3A_639 = vector.shape_cast %get3A_638 : vector<1x1x16xf32> to vector<16xf32>
        %add3A_640 = arith.addf %get3A_639, %get3A_605 : vector<16xf32>
        %swap3A_641 = arith.constant 5 : i32
        %swap3A_642 = arith.index_cast %swap3A_641 : i32 to index
        %swap3A_643 = arith.index_cast %scan3A_459 : i32 to index
        %swap3A_644 = arith.constant 32 : index
        %swap3A_645 = tpu.vector_load %arg8[%swap3A_642, %swap3A_643, %swap3A_644] {strides = array<i32>} : memref<8x104x64xf32, #tpu.memory_space<vmem>>, vector<1x1x16xf32>,
        %swap3A_646 = vector.shape_cast %swap3A_645 : vector<1x1x16xf32> to vector<16xf32>
        %swap3A_647 = vector.shape_cast %add3A_640 : vector<16xf32> to vector<1x1x16xf32>
        tpu.vector_store %arg8[%swap3A_642, %swap3A_643, %swap3A_644], %swap3A_647 {strides = array<i32>} : memref<8x104x64xf32, #tpu.memory_space<vmem>>, vector<1x1x16xf32>,
        %get3A_648 = arith.constant 7 : i32
        %get3A_649 = arith.index_cast %get3A_648 : i32 to index
        %get3A_650 = arith.index_cast %scan3A_459 : i32 to index
        %get3A_651 = arith.constant 32 : index
        %get3A_652 = tpu.vector_load %arg8[%get3A_649, %get3A_650, %get3A_651] {strides = array<i32>} : memref<8x104x64xf32, #tpu.memory_space<vmem>>, vector<1x1x16xf32>,
        %get3A_653 = vector.shape_cast %get3A_652 : vector<1x1x16xf32> to vector<16xf32>
        %add3A_654 = arith.addf %get3A_653, %get3A_605 : vector<16xf32>
        %swap3A_655 = arith.constant 7 : i32
        %swap3A_656 = arith.index_cast %swap3A_655 : i32 to index
        %swap3A_657 = arith.index_cast %scan3A_459 : i32 to index
        %swap3A_658 = arith.constant 32 : index
        %swap3A_659 = tpu.vector_load %arg8[%swap3A_656, %swap3A_657, %swap3A_658] {strides = array<i32>} : memref<8x104x64xf32, #tpu.memory_space<vmem>>, vector<1x1x16xf32>,
        %swap3A_660 = vector.shape_cast %swap3A_659 : vector<1x1x16xf32> to vector<16xf32>
        %swap3A_661 = vector.shape_cast %add3A_654 : vector<16xf32> to vector<1x1x16xf32>
        tpu.vector_store %arg8[%swap3A_656, %swap3A_657, %swap3A_658], %swap3A_661 {strides = array<i32>} : memref<8x104x64xf32, #tpu.memory_space<vmem>>, vector<1x1x16xf32>,
        %add3A_662 = arith.constant 0 : i32
        %add3A_663 = arith.addi %add3A_662, %scan3A_459 : i32
        %get3A_664 = arith.index_cast %add3A_663 : i32 to index
        %get3A_665 = arith.constant 48 : index
        %get3A_666 = tpu.vector_load %arg9[%get3A_664, %get3A_665] {strides = array<i32>} : memref<200x64xf32, #tpu.memory_space<vmem>>, vector<1x16xf32>,
        %get3A_667 = vector.shape_cast %get3A_666 : vector<1x16xf32> to vector<16xf32>
        %add3A_668 = arith.constant 96 : i32
        %add3A_669 = arith.addi %add3A_668, %scan3A_459 : i32
        %get3A_670 = arith.index_cast %add3A_669 : i32 to index
        %get3A_671 = arith.constant 48 : index
        %get3A_672 = tpu.vector_load %arg9[%get3A_670, %get3A_671] {strides = array<i32>} : memref<200x64xf32, #tpu.memory_space<vmem>>, vector<1x16xf32>,
        %get3A_673 = vector.shape_cast %get3A_672 : vector<1x16xf32> to vector<16xf32>
        %get3A_674 = arith.constant 4 : i32
        %get3A_675 = arith.index_cast %get3A_674 : i32 to index
        %get3A_676 = arith.index_cast %scan3A_459 : i32 to index
        %get3A_677 = arith.constant 48 : index
        %get3A_678 = tpu.vector_load %arg8[%get3A_675, %get3A_676, %get3A_677] {strides = array<i32>} : memref<8x104x64xf32, #tpu.memory_space<vmem>>, vector<1x1x16xf32>,
        %get3A_679 = vector.shape_cast %get3A_678 : vector<1x1x16xf32> to vector<16xf32>
        %add3A_680 = arith.addf %get3A_679, %get3A_667 : vector<16xf32>
        %swap3A_681 = arith.constant 4 : i32
        %swap3A_682 = arith.index_cast %swap3A_681 : i32 to index
        %swap3A_683 = arith.index_cast %scan3A_459 : i32 to index
        %swap3A_684 = arith.constant 48 : index
        %swap3A_685 = tpu.vector_load %arg8[%swap3A_682, %swap3A_683, %swap3A_684] {strides = array<i32>} : memref<8x104x64xf32, #tpu.memory_space<vmem>>, vector<1x1x16xf32>,
        %swap3A_686 = vector.shape_cast %swap3A_685 : vector<1x1x16xf32> to vector<16xf32>
        %swap3A_687 = vector.shape_cast %add3A_680 : vector<16xf32> to vector<1x1x16xf32>
        tpu.vector_store %arg8[%swap3A_682, %swap3A_683, %swap3A_684], %swap3A_687 {strides = array<i32>} : memref<8x104x64xf32, #tpu.memory_space<vmem>>, vector<1x1x16xf32>,
        %get3A_688 = arith.constant 6 : i32
        %get3A_689 = arith.index_cast %get3A_688 : i32 to index
        %get3A_690 = arith.index_cast %scan3A_459 : i32 to index
        %get3A_691 = arith.constant 48 : index
        %get3A_692 = tpu.vector_load %arg8[%get3A_689, %get3A_690, %get3A_691] {strides = array<i32>} : memref<8x104x64xf32, #tpu.memory_space<vmem>>, vector<1x1x16xf32>,
        %get3A_693 = vector.shape_cast %get3A_692 : vector<1x1x16xf32> to vector<16xf32>
        %add3A_694 = arith.addf %get3A_693, %get3A_667 : vector<16xf32>
        %swap3A_695 = arith.constant 6 : i32
        %swap3A_696 = arith.index_cast %swap3A_695 : i32 to index
        %swap3A_697 = arith.index_cast %scan3A_459 : i32 to index
        %swap3A_698 = arith.constant 48 : index
        %swap3A_699 = tpu.vector_load %arg8[%swap3A_696, %swap3A_697, %swap3A_698] {strides = array<i32>} : memref<8x104x64xf32, #tpu.memory_space<vmem>>, vector<1x1x16xf32>,
        %swap3A_700 = vector.shape_cast %swap3A_699 : vector<1x1x16xf32> to vector<16xf32>
        %swap3A_701 = vector.shape_cast %add3A_694 : vector<16xf32> to vector<1x1x16xf32>
        tpu.vector_store %arg8[%swap3A_696, %swap3A_697, %swap3A_698], %swap3A_701 {strides = array<i32>} : memref<8x104x64xf32, #tpu.memory_space<vmem>>, vector<1x1x16xf32>,
        %get3A_702 = arith.constant 5 : i32
        %get3A_703 = arith.index_cast %get3A_702 : i32 to index
        %get3A_704 = arith.index_cast %scan3A_459 : i32 to index
        %get3A_705 = arith.constant 48 : index
        %get3A_706 = tpu.vector_load %arg8[%get3A_703, %get3A_704, %get3A_705] {strides = array<i32>} : memref<8x104x64xf32, #tpu.memory_space<vmem>>, vector<1x1x16xf32>,
        %get3A_707 = vector.shape_cast %get3A_706 : vector<1x1x16xf32> to vector<16xf32>
        %add3A_708 = arith.addf %get3A_707, %get3A_673 : vector<16xf32>
        %swap3A_709 = arith.constant 5 : i32
        %swap3A_710 = arith.index_cast %swap3A_709 : i32 to index
        %swap3A_711 = arith.index_cast %scan3A_459 : i32 to index
        %swap3A_712 = arith.constant 48 : index
        %swap3A_713 = tpu.vector_load %arg8[%swap3A_710, %swap3A_711, %swap3A_712] {strides = array<i32>} : memref<8x104x64xf32, #tpu.memory_space<vmem>>, vector<1x1x16xf32>,
        %swap3A_714 = vector.shape_cast %swap3A_713 : vector<1x1x16xf32> to vector<16xf32>
        %swap3A_715 = vector.shape_cast %add3A_708 : vector<16xf32> to vector<1x1x16xf32>
        tpu.vector_store %arg8[%swap3A_710, %swap3A_711, %swap3A_712], %swap3A_715 {strides = array<i32>} : memref<8x104x64xf32, #tpu.memory_space<vmem>>, vector<1x1x16xf32>,
        %get3A_716 = arith.constant 7 : i32
        %get3A_717 = arith.index_cast %get3A_716 : i32 to index
        %get3A_718 = arith.index_cast %scan3A_459 : i32 to index
        %get3A_719 = arith.constant 48 : index
        %get3A_720 = tpu.vector_load %arg8[%get3A_717, %get3A_718, %get3A_719] {strides = array<i32>} : memref<8x104x64xf32, #tpu.memory_space<vmem>>, vector<1x1x16xf32>,
        %get3A_721 = vector.shape_cast %get3A_720 : vector<1x1x16xf32> to vector<16xf32>
        %add3A_722 = arith.addf %get3A_721, %get3A_673 : vector<16xf32>
        %swap3A_723 = arith.constant 7 : i32
        %swap3A_724 = arith.index_cast %swap3A_723 : i32 to index
        %swap3A_725 = arith.index_cast %scan3A_459 : i32 to index
        %swap3A_726 = arith.constant 48 : index
        %swap3A_727 = tpu.vector_load %arg8[%swap3A_724, %swap3A_725, %swap3A_726] {strides = array<i32>} : memref<8x104x64xf32, #tpu.memory_space<vmem>>, vector<1x1x16xf32>,
        %swap3A_728 = vector.shape_cast %swap3A_727 : vector<1x1x16xf32> to vector<16xf32>
        %swap3A_729 = vector.shape_cast %add3A_722 : vector<16xf32> to vector<1x1x16xf32>
        tpu.vector_store %arg8[%swap3A_724, %swap3A_725, %swap3A_726], %swap3A_729 {strides = array<i32>} : memref<8x104x64xf32, #tpu.memory_space<vmem>>, vector<1x1x16xf32>,
        %scan3A_730 = arith.constant 1 : i32
        %scan3A_731 = arith.addi %scan3A_459, %scan3A_730 : i32
        %add3A_732 = arith.constant 0 : i32
        %add3A_733 = arith.addi %add3A_732, %scan3A_731 : i32
        %get3A_734 = arith.index_cast %add3A_733 : i32 to index
        %get3A_735 = arith.constant 0 : index
        %get3A_736 = tpu.vector_load %arg9[%get3A_734, %get3A_735] {strides = array<i32>} : memref<200x64xf32, #tpu.memory_space<vmem>>, vector<1x16xf32>,
        %get3A_737 = vector.shape_cast %get3A_736 : vector<1x16xf32> to vector<16xf32>
        %add3A_738 = arith.constant 96 : i32
        %add3A_739 = arith.addi %add3A_738, %scan3A_731 : i32
        %get3A_740 = arith.index_cast %add3A_739 : i32 to index
        %get3A_741 = arith.constant 0 : index
        %get3A_742 = tpu.vector_load %arg9[%get3A_740, %get3A_741] {strides = array<i32>} : memref<200x64xf32, #tpu.memory_space<vmem>>, vector<1x16xf32>,
        %get3A_743 = vector.shape_cast %get3A_742 : vector<1x16xf32> to vector<16xf32>
        %get3A_744 = arith.constant 4 : i32
        %get3A_745 = arith.index_cast %get3A_744 : i32 to index
        %get3A_746 = arith.index_cast %scan3A_731 : i32 to index
        %get3A_747 = arith.constant 0 : index
        %get3A_748 = tpu.vector_load %arg8[%get3A_745, %get3A_746, %get3A_747] {strides = array<i32>} : memref<8x104x64xf32, #tpu.memory_space<vmem>>, vector<1x1x16xf32>,
        %get3A_749 = vector.shape_cast %get3A_748 : vector<1x1x16xf32> to vector<16xf32>
        %add3A_750 = arith.addf %get3A_749, %get3A_737 : vector<16xf32>
        %swap3A_751 = arith.constant 4 : i32
        %swap3A_752 = arith.index_cast %swap3A_751 : i32 to index
        %swap3A_753 = arith.index_cast %scan3A_731 : i32 to index
        %swap3A_754 = arith.constant 0 : index
        %swap3A_755 = tpu.vector_load %arg8[%swap3A_752, %swap3A_753, %swap3A_754] {strides = array<i32>} : memref<8x104x64xf32, #tpu.memory_space<vmem>>, vector<1x1x16xf32>,
        %swap3A_756 = vector.shape_cast %swap3A_755 : vector<1x1x16xf32> to vector<16xf32>
        %swap3A_757 = vector.shape_cast %add3A_750 : vector<16xf32> to vector<1x1x16xf32>
        tpu.vector_store %arg8[%swap3A_752, %swap3A_753, %swap3A_754], %swap3A_757 {strides = array<i32>} : memref<8x104x64xf32, #tpu.memory_space<vmem>>, vector<1x1x16xf32>,
        %get3A_758 = arith.constant 6 : i32
        %get3A_759 = arith.index_cast %get3A_758 : i32 to index
        %get3A_760 = arith.index_cast %scan3A_731 : i32 to index
        %get3A_761 = arith.constant 0 : index
        %get3A_762 = tpu.vector_load %arg8[%get3A_759, %get3A_760, %get3A_761] {strides = array<i32>} : memref<8x104x64xf32, #tpu.memory_space<vmem>>, vector<1x1x16xf32>,
        %get3A_763 = vector.shape_cast %get3A_762 : vector<1x1x16xf32> to vector<16xf32>
        %add3A_764 = arith.addf %get3A_763, %get3A_737 : vector<16xf32>
        %swap3A_765 = arith.constant 6 : i32
        %swap3A_766 = arith.index_cast %swap3A_765 : i32 to index
        %swap3A_767 = arith.index_cast %scan3A_731 : i32 to index
        %swap3A_768 = arith.constant 0 : index
        %swap3A_769 = tpu.vector_load %arg8[%swap3A_766, %swap3A_767, %swap3A_768] {strides = array<i32>} : memref<8x104x64xf32, #tpu.memory_space<vmem>>, vector<1x1x16xf32>,
        %swap3A_770 = vector.shape_cast %swap3A_769 : vector<1x1x16xf32> to vector<16xf32>
        %swap3A_771 = vector.shape_cast %add3A_764 : vector<16xf32> to vector<1x1x16xf32>
        tpu.vector_store %arg8[%swap3A_766, %swap3A_767, %swap3A_768], %swap3A_771 {strides = array<i32>} : memref<8x104x64xf32, #tpu.memory_space<vmem>>, vector<1x1x16xf32>,
        %get3A_772 = arith.constant 5 : i32
        %get3A_773 = arith.index_cast %get3A_772 : i32 to index
        %get3A_774 = arith.index_cast %scan3A_731 : i32 to index
        %get3A_775 = arith.constant 0 : index
        %get3A_776 = tpu.vector_load %arg8[%get3A_773, %get3A_774, %get3A_775] {strides = array<i32>} : memref<8x104x64xf32, #tpu.memory_space<vmem>>, vector<1x1x16xf32>,
        %get3A_777 = vector.shape_cast %get3A_776 : vector<1x1x16xf32> to vector<16xf32>
        %add3A_778 = arith.addf %get3A_777, %get3A_743 : vector<16xf32>
        %swap3A_779 = arith.constant 5 : i32
        %swap3A_780 = arith.index_cast %swap3A_779 : i32 to index
        %swap3A_781 = arith.index_cast %scan3A_731 : i32 to index
        %swap3A_782 = arith.constant 0 : index
        %swap3A_783 = tpu.vector_load %arg8[%swap3A_780, %swap3A_781, %swap3A_782] {strides = array<i32>} : memref<8x104x64xf32, #tpu.memory_space<vmem>>, vector<1x1x16xf32>,
        %swap3A_784 = vector.shape_cast %swap3A_783 : vector<1x1x16xf32> to vector<16xf32>
        %swap3A_785 = vector.shape_cast %add3A_778 : vector<16xf32> to vector<1x1x16xf32>
        tpu.vector_store %arg8[%swap3A_780, %swap3A_781, %swap3A_782], %swap3A_785 {strides = array<i32>} : memref<8x104x64xf32, #tpu.memory_space<vmem>>, vector<1x1x16xf32>,
        %get3A_786 = arith.constant 7 : i32
        %get3A_787 = arith.index_cast %get3A_786 : i32 to index
        %get3A_788 = arith.index_cast %scan3A_731 : i32 to index
        %get3A_789 = arith.constant 0 : index
        %get3A_790 = tpu.vector_load %arg8[%get3A_787, %get3A_788, %get3A_789] {strides = array<i32>} : memref<8x104x64xf32, #tpu.memory_space<vmem>>, vector<1x1x16xf32>,
        %get3A_791 = vector.shape_cast %get3A_790 : vector<1x1x16xf32> to vector<16xf32>
        %add3A_792 = arith.addf %get3A_791, %get3A_743 : vector<16xf32>
        %swap3A_793 = arith.constant 7 : i32
        %swap3A_794 = arith.index_cast %swap3A_793 : i32 to index
        %swap3A_795 = arith.index_cast %scan3A_731 : i32 to index
        %swap3A_796 = arith.constant 0 : index
        %swap3A_797 = tpu.vector_load %arg8[%swap3A_794, %swap3A_795, %swap3A_796] {strides = array<i32>} : memref<8x104x64xf32, #tpu.memory_space<vmem>>, vector<1x1x16xf32>,
        %swap3A_798 = vector.shape_cast %swap3A_797 : vector<1x1x16xf32> to vector<16xf32>
        %swap3A_799 = vector.shape_cast %add3A_792 : vector<16xf32> to vector<1x1x16xf32>
        tpu.vector_store %arg8[%swap3A_794, %swap3A_795, %swap3A_796], %swap3A_799 {strides = array<i32>} : memref<8x104x64xf32, #tpu.memory_space<vmem>>, vector<1x1x16xf32>,
        %add3A_800 = arith.constant 0 : i32
        %add3A_801 = arith.addi %add3A_800, %scan3A_731 : i32
        %get3A_802 = arith.index_cast %add3A_801 : i32 to index
        %get3A_803 = arith.constant 16 : index
        %get3A_804 = tpu.vector_load %arg9[%get3A_802, %get3A_803] {strides = array<i32>} : memref<200x64xf32, #tpu.memory_space<vmem>>, vector<1x16xf32>,
        %get3A_805 = vector.shape_cast %get3A_804 : vector<1x16xf32> to vector<16xf32>
        %add3A_806 = arith.constant 96 : i32
        %add3A_807 = arith.addi %add3A_806, %scan3A_731 : i32
        %get3A_808 = arith.index_cast %add3A_807 : i32 to index
        %get3A_809 = arith.constant 16 : index
        %get3A_810 = tpu.vector_load %arg9[%get3A_808, %get3A_809] {strides = array<i32>} : memref<200x64xf32, #tpu.memory_space<vmem>>, vector<1x16xf32>,
        %get3A_811 = vector.shape_cast %get3A_810 : vector<1x16xf32> to vector<16xf32>
        %get3A_812 = arith.constant 4 : i32
        %get3A_813 = arith.index_cast %get3A_812 : i32 to index
        %get3A_814 = arith.index_cast %scan3A_731 : i32 to index
        %get3A_815 = arith.constant 16 : index
        %get3A_816 = tpu.vector_load %arg8[%get3A_813, %get3A_814, %get3A_815] {strides = array<i32>} : memref<8x104x64xf32, #tpu.memory_space<vmem>>, vector<1x1x16xf32>,
        %get3A_817 = vector.shape_cast %get3A_816 : vector<1x1x16xf32> to vector<16xf32>
        %add3A_818 = arith.addf %get3A_817, %get3A_805 : vector<16xf32>
        %swap3A_819 = arith.constant 4 : i32
        %swap3A_820 = arith.index_cast %swap3A_819 : i32 to index
        %swap3A_821 = arith.index_cast %scan3A_731 : i32 to index
        %swap3A_822 = arith.constant 16 : index
        %swap3A_823 = tpu.vector_load %arg8[%swap3A_820, %swap3A_821, %swap3A_822] {strides = array<i32>} : memref<8x104x64xf32, #tpu.memory_space<vmem>>, vector<1x1x16xf32>,
        %swap3A_824 = vector.shape_cast %swap3A_823 : vector<1x1x16xf32> to vector<16xf32>
        %swap3A_825 = vector.shape_cast %add3A_818 : vector<16xf32> to vector<1x1x16xf32>
        tpu.vector_store %arg8[%swap3A_820, %swap3A_821, %swap3A_822], %swap3A_825 {strides = array<i32>} : memref<8x104x64xf32, #tpu.memory_space<vmem>>, vector<1x1x16xf32>,
        %get3A_826 = arith.constant 6 : i32
        %get3A_827 = arith.index_cast %get3A_826 : i32 to index
        %get3A_828 = arith.index_cast %scan3A_731 : i32 to index
        %get3A_829 = arith.constant 16 : index
        %get3A_830 = tpu.vector_load %arg8[%get3A_827, %get3A_828, %get3A_829] {strides = array<i32>} : memref<8x104x64xf32, #tpu.memory_space<vmem>>, vector<1x1x16xf32>,
        %get3A_831 = vector.shape_cast %get3A_830 : vector<1x1x16xf32> to vector<16xf32>
        %add3A_832 = arith.addf %get3A_831, %get3A_805 : vector<16xf32>
        %swap3A_833 = arith.constant 6 : i32
        %swap3A_834 = arith.index_cast %swap3A_833 : i32 to index
        %swap3A_835 = arith.index_cast %scan3A_731 : i32 to index
        %swap3A_836 = arith.constant 16 : index
        %swap3A_837 = tpu.vector_load %arg8[%swap3A_834, %swap3A_835, %swap3A_836] {strides = array<i32>} : memref<8x104x64xf32, #tpu.memory_space<vmem>>, vector<1x1x16xf32>,
        %swap3A_838 = vector.shape_cast %swap3A_837 : vector<1x1x16xf32> to vector<16xf32>
        %swap3A_839 = vector.shape_cast %add3A_832 : vector<16xf32> to vector<1x1x16xf32>
        tpu.vector_store %arg8[%swap3A_834, %swap3A_835, %swap3A_836], %swap3A_839 {strides = array<i32>} : memref<8x104x64xf32, #tpu.memory_space<vmem>>, vector<1x1x16xf32>,
        %get3A_840 = arith.constant 5 : i32
        %get3A_841 = arith.index_cast %get3A_840 : i32 to index
        %get3A_842 = arith.index_cast %scan3A_731 : i32 to index
        %get3A_843 = arith.constant 16 : index
        %get3A_844 = tpu.vector_load %arg8[%get3A_841, %get3A_842, %get3A_843] {strides = array<i32>} : memref<8x104x64xf32, #tpu.memory_space<vmem>>, vector<1x1x16xf32>,
        %get3A_845 = vector.shape_cast %get3A_844 : vector<1x1x16xf32> to vector<16xf32>
        %add3A_846 = arith.addf %get3A_845, %get3A_811 : vector<16xf32>
        %swap3A_847 = arith.constant 5 : i32
        %swap3A_848 = arith.index_cast %swap3A_847 : i32 to index
        %swap3A_849 = arith.index_cast %scan3A_731 : i32 to index
        %swap3A_850 = arith.constant 16 : index
        %swap3A_851 = tpu.vector_load %arg8[%swap3A_848, %swap3A_849, %swap3A_850] {strides = array<i32>} : memref<8x104x64xf32, #tpu.memory_space<vmem>>, vector<1x1x16xf32>,
        %swap3A_852 = vector.shape_cast %swap3A_851 : vector<1x1x16xf32> to vector<16xf32>
        %swap3A_853 = vector.shape_cast %add3A_846 : vector<16xf32> to vector<1x1x16xf32>
        tpu.vector_store %arg8[%swap3A_848, %swap3A_849, %swap3A_850], %swap3A_853 {strides = array<i32>} : memref<8x104x64xf32, #tpu.memory_space<vmem>>, vector<1x1x16xf32>,
        %get3A_854 = arith.constant 7 : i32
        %get3A_855 = arith.index_cast %get3A_854 : i32 to index
        %get3A_856 = arith.index_cast %scan3A_731 : i32 to index
        %get3A_857 = arith.constant 16 : index
        %get3A_858 = tpu.vector_load %arg8[%get3A_855, %get3A_856, %get3A_857] {strides = array<i32>} : memref<8x104x64xf32, #tpu.memory_space<vmem>>, vector<1x1x16xf32>,
        %get3A_859 = vector.shape_cast %get3A_858 : vector<1x1x16xf32> to vector<16xf32>
        %add3A_860 = arith.addf %get3A_859, %get3A_811 : vector<16xf32>
        %swap3A_861 = arith.constant 7 : i32
        %swap3A_862 = arith.index_cast %swap3A_861 : i32 to index
        %swap3A_863 = arith.index_cast %scan3A_731 : i32 to index
        %swap3A_864 = arith.constant 16 : index
        %swap3A_865 = tpu.vector_load %arg8[%swap3A_862, %swap3A_863, %swap3A_864] {strides = array<i32>} : memref<8x104x64xf32, #tpu.memory_space<vmem>>, vector<1x1x16xf32>,
        %swap3A_866 = vector.shape_cast %swap3A_865 : vector<1x1x16xf32> to vector<16xf32>
        %swap3A_867 = vector.shape_cast %add3A_860 : vector<16xf32> to vector<1x1x16xf32>
        tpu.vector_store %arg8[%swap3A_862, %swap3A_863, %swap3A_864], %swap3A_867 {strides = array<i32>} : memref<8x104x64xf32, #tpu.memory_space<vmem>>, vector<1x1x16xf32>,
        %add3A_868 = arith.constant 0 : i32
        %add3A_869 = arith.addi %add3A_868, %scan3A_731 : i32
        %get3A_870 = arith.index_cast %add3A_869 : i32 to index
        %get3A_871 = arith.constant 32 : index
        %get3A_872 = tpu.vector_load %arg9[%get3A_870, %get3A_871] {strides = array<i32>} : memref<200x64xf32, #tpu.memory_space<vmem>>, vector<1x16xf32>,
        %get3A_873 = vector.shape_cast %get3A_872 : vector<1x16xf32> to vector<16xf32>
        %add3A_874 = arith.constant 96 : i32
        %add3A_875 = arith.addi %add3A_874, %scan3A_731 : i32
        %get3A_876 = arith.index_cast %add3A_875 : i32 to index
        %get3A_877 = arith.constant 32 : index
        %get3A_878 = tpu.vector_load %arg9[%get3A_876, %get3A_877] {strides = array<i32>} : memref<200x64xf32, #tpu.memory_space<vmem>>, vector<1x16xf32>,
        %get3A_879 = vector.shape_cast %get3A_878 : vector<1x16xf32> to vector<16xf32>
        %get3A_880 = arith.constant 4 : i32
        %get3A_881 = arith.index_cast %get3A_880 : i32 to index
        %get3A_882 = arith.index_cast %scan3A_731 : i32 to index
        %get3A_883 = arith.constant 32 : index
        %get3A_884 = tpu.vector_load %arg8[%get3A_881, %get3A_882, %get3A_883] {strides = array<i32>} : memref<8x104x64xf32, #tpu.memory_space<vmem>>, vector<1x1x16xf32>,
        %get3A_885 = vector.shape_cast %get3A_884 : vector<1x1x16xf32> to vector<16xf32>
        %add3A_886 = arith.addf %get3A_885, %get3A_873 : vector<16xf32>
        %swap3A_887 = arith.constant 4 : i32
        %swap3A_888 = arith.index_cast %swap3A_887 : i32 to index
        %swap3A_889 = arith.index_cast %scan3A_731 : i32 to index
        %swap3A_890 = arith.constant 32 : index
        %swap3A_891 = tpu.vector_load %arg8[%swap3A_888, %swap3A_889, %swap3A_890] {strides = array<i32>} : memref<8x104x64xf32, #tpu.memory_space<vmem>>, vector<1x1x16xf32>,
        %swap3A_892 = vector.shape_cast %swap3A_891 : vector<1x1x16xf32> to vector<16xf32>
        %swap3A_893 = vector.shape_cast %add3A_886 : vector<16xf32> to vector<1x1x16xf32>
        tpu.vector_store %arg8[%swap3A_888, %swap3A_889, %swap3A_890], %swap3A_893 {strides = array<i32>} : memref<8x104x64xf32, #tpu.memory_space<vmem>>, vector<1x1x16xf32>,
        %get3A_894 = arith.constant 6 : i32
        %get3A_895 = arith.index_cast %get3A_894 : i32 to index
        %get3A_896 = arith.index_cast %scan3A_731 : i32 to index
        %get3A_897 = arith.constant 32 : index
        %get3A_898 = tpu.vector_load %arg8[%get3A_895, %get3A_896, %get3A_897] {strides = array<i32>} : memref<8x104x64xf32, #tpu.memory_space<vmem>>, vector<1x1x16xf32>,
        %get3A_899 = vector.shape_cast %get3A_898 : vector<1x1x16xf32> to vector<16xf32>
        %add3A_900 = arith.addf %get3A_899, %get3A_873 : vector<16xf32>
        %swap3A_901 = arith.constant 6 : i32
        %swap3A_902 = arith.index_cast %swap3A_901 : i32 to index
        %swap3A_903 = arith.index_cast %scan3A_731 : i32 to index
        %swap3A_904 = arith.constant 32 : index
        %swap3A_905 = tpu.vector_load %arg8[%swap3A_902, %swap3A_903, %swap3A_904] {strides = array<i32>} : memref<8x104x64xf32, #tpu.memory_space<vmem>>, vector<1x1x16xf32>,
        %swap3A_906 = vector.shape_cast %swap3A_905 : vector<1x1x16xf32> to vector<16xf32>
        %swap3A_907 = vector.shape_cast %add3A_900 : vector<16xf32> to vector<1x1x16xf32>
        tpu.vector_store %arg8[%swap3A_902, %swap3A_903, %swap3A_904], %swap3A_907 {strides = array<i32>} : memref<8x104x64xf32, #tpu.memory_space<vmem>>, vector<1x1x16xf32>,
        %get3A_908 = arith.constant 5 : i32
        %get3A_909 = arith.index_cast %get3A_908 : i32 to index
        %get3A_910 = arith.index_cast %scan3A_731 : i32 to index
        %get3A_911 = arith.constant 32 : index
        %get3A_912 = tpu.vector_load %arg8[%get3A_909, %get3A_910, %get3A_911] {strides = array<i32>} : memref<8x104x64xf32, #tpu.memory_space<vmem>>, vector<1x1x16xf32>,
        %get3A_913 = vector.shape_cast %get3A_912 : vector<1x1x16xf32> to vector<16xf32>
        %add3A_914 = arith.addf %get3A_913, %get3A_879 : vector<16xf32>
        %swap3A_915 = arith.constant 5 : i32
        %swap3A_916 = arith.index_cast %swap3A_915 : i32 to index
        %swap3A_917 = arith.index_cast %scan3A_731 : i32 to index
        %swap3A_918 = arith.constant 32 : index
        %swap3A_919 = tpu.vector_load %arg8[%swap3A_916, %swap3A_917, %swap3A_918] {strides = array<i32>} : memref<8x104x64xf32, #tpu.memory_space<vmem>>, vector<1x1x16xf32>,
        %swap3A_920 = vector.shape_cast %swap3A_919 : vector<1x1x16xf32> to vector<16xf32>
        %swap3A_921 = vector.shape_cast %add3A_914 : vector<16xf32> to vector<1x1x16xf32>
        tpu.vector_store %arg8[%swap3A_916, %swap3A_917, %swap3A_918], %swap3A_921 {strides = array<i32>} : memref<8x104x64xf32, #tpu.memory_space<vmem>>, vector<1x1x16xf32>,
        %get3A_922 = arith.constant 7 : i32
        %get3A_923 = arith.index_cast %get3A_922 : i32 to index
        %get3A_924 = arith.index_cast %scan3A_731 : i32 to index
        %get3A_925 = arith.constant 32 : index
        %get3A_926 = tpu.vector_load %arg8[%get3A_923, %get3A_924, %get3A_925] {strides = array<i32>} : memref<8x104x64xf32, #tpu.memory_space<vmem>>, vector<1x1x16xf32>,
        %get3A_927 = vector.shape_cast %get3A_926 : vector<1x1x16xf32> to vector<16xf32>
        %add3A_928 = arith.addf %get3A_927, %get3A_879 : vector<16xf32>
        %swap3A_929 = arith.constant 7 : i32
        %swap3A_930 = arith.index_cast %swap3A_929 : i32 to index
        %swap3A_931 = arith.index_cast %scan3A_731 : i32 to index
        %swap3A_932 = arith.constant 32 : index
        %swap3A_933 = tpu.vector_load %arg8[%swap3A_930, %swap3A_931, %swap3A_932] {strides = array<i32>} : memref<8x104x64xf32, #tpu.memory_space<vmem>>, vector<1x1x16xf32>,
        %swap3A_934 = vector.shape_cast %swap3A_933 : vector<1x1x16xf32> to vector<16xf32>
        %swap3A_935 = vector.shape_cast %add3A_928 : vector<16xf32> to vector<1x1x16xf32>
        tpu.vector_store %arg8[%swap3A_930, %swap3A_931, %swap3A_932], %swap3A_935 {strides = array<i32>} : memref<8x104x64xf32, #tpu.memory_space<vmem>>, vector<1x1x16xf32>,
        %add3A_936 = arith.constant 0 : i32
        %add3A_937 = arith.addi %add3A_936, %scan3A_731 : i32
        %get3A_938 = arith.index_cast %add3A_937 : i32 to index
        %get3A_939 = arith.constant 48 : index
        %get3A_940 = tpu.vector_load %arg9[%get3A_938, %get3A_939] {strides = array<i32>} : memref<200x64xf32, #tpu.memory_space<vmem>>, vector<1x16xf32>,
        %get3A_941 = vector.shape_cast %get3A_940 : vector<1x16xf32> to vector<16xf32>
        %add3A_942 = arith.constant 96 : i32
        %add3A_943 = arith.addi %add3A_942, %scan3A_731 : i32
        %get3A_944 = arith.index_cast %add3A_943 : i32 to index
        %get3A_945 = arith.constant 48 : index
        %get3A_946 = tpu.vector_load %arg9[%get3A_944, %get3A_945] {strides = array<i32>} : memref<200x64xf32, #tpu.memory_space<vmem>>, vector<1x16xf32>,
        %get3A_947 = vector.shape_cast %get3A_946 : vector<1x16xf32> to vector<16xf32>
        %get3A_948 = arith.constant 4 : i32
        %get3A_949 = arith.index_cast %get3A_948 : i32 to index
        %get3A_950 = arith.index_cast %scan3A_731 : i32 to index
        %get3A_951 = arith.constant 48 : index
        %get3A_952 = tpu.vector_load %arg8[%get3A_949, %get3A_950, %get3A_951] {strides = array<i32>} : memref<8x104x64xf32, #tpu.memory_space<vmem>>, vector<1x1x16xf32>,
        %get3A_953 = vector.shape_cast %get3A_952 : vector<1x1x16xf32> to vector<16xf32>
        %add3A_954 = arith.addf %get3A_953, %get3A_941 : vector<16xf32>
        %swap3A_955 = arith.constant 4 : i32
        %swap3A_956 = arith.index_cast %swap3A_955 : i32 to index
        %swap3A_957 = arith.index_cast %scan3A_731 : i32 to index
        %swap3A_958 = arith.constant 48 : index
        %swap3A_959 = tpu.vector_load %arg8[%swap3A_956, %swap3A_957, %swap3A_958] {strides = array<i32>} : memref<8x104x64xf32, #tpu.memory_space<vmem>>, vector<1x1x16xf32>,
        %swap3A_960 = vector.shape_cast %swap3A_959 : vector<1x1x16xf32> to vector<16xf32>
        %swap3A_961 = vector.shape_cast %add3A_954 : vector<16xf32> to vector<1x1x16xf32>
        tpu.vector_store %arg8[%swap3A_956, %swap3A_957, %swap3A_958], %swap3A_961 {strides = array<i32>} : memref<8x104x64xf32, #tpu.memory_space<vmem>>, vector<1x1x16xf32>,
        %get3A_962 = arith.constant 6 : i32
        %get3A_963 = arith.index_cast %get3A_962 : i32 to index
        %get3A_964 = arith.index_cast %scan3A_731 : i32 to index
        %get3A_965 = arith.constant 48 : index
        %get3A_966 = tpu.vector_load %arg8[%get3A_963, %get3A_964, %get3A_965] {strides = array<i32>} : memref<8x104x64xf32, #tpu.memory_space<vmem>>, vector<1x1x16xf32>,
        %get3A_967 = vector.shape_cast %get3A_966 : vector<1x1x16xf32> to vector<16xf32>
        %add3A_968 = arith.addf %get3A_967, %get3A_941 : vector<16xf32>
        %swap3A_969 = arith.constant 6 : i32
        %swap3A_970 = arith.index_cast %swap3A_969 : i32 to index
        %swap3A_971 = arith.index_cast %scan3A_731 : i32 to index
        %swap3A_972 = arith.constant 48 : index
        %swap3A_973 = tpu.vector_load %arg8[%swap3A_970, %swap3A_971, %swap3A_972] {strides = array<i32>} : memref<8x104x64xf32, #tpu.memory_space<vmem>>, vector<1x1x16xf32>,
        %swap3A_974 = vector.shape_cast %swap3A_973 : vector<1x1x16xf32> to vector<16xf32>
        %swap3A_975 = vector.shape_cast %add3A_968 : vector<16xf32> to vector<1x1x16xf32>
        tpu.vector_store %arg8[%swap3A_970, %swap3A_971, %swap3A_972], %swap3A_975 {strides = array<i32>} : memref<8x104x64xf32, #tpu.memory_space<vmem>>, vector<1x1x16xf32>,
        %get3A_976 = arith.constant 5 : i32
        %get3A_977 = arith.index_cast %get3A_976 : i32 to index
        %get3A_978 = arith.index_cast %scan3A_731 : i32 to index
        %get3A_979 = arith.constant 48 : index
        %get3A_980 = tpu.vector_load %arg8[%get3A_977, %get3A_978, %get3A_979] {strides = array<i32>} : memref<8x104x64xf32, #tpu.memory_space<vmem>>, vector<1x1x16xf32>,
        %get3A_981 = vector.shape_cast %get3A_980 : vector<1x1x16xf32> to vector<16xf32>
        %add3A_982 = arith.addf %get3A_981, %get3A_947 : vector<16xf32>
        %swap3A_983 = arith.constant 5 : i32
        %swap3A_984 = arith.index_cast %swap3A_983 : i32 to index
        %swap3A_985 = arith.index_cast %scan3A_731 : i32 to index
        %swap3A_986 = arith.constant 48 : index
        %swap3A_987 = tpu.vector_load %arg8[%swap3A_984, %swap3A_985, %swap3A_986] {strides = array<i32>} : memref<8x104x64xf32, #tpu.memory_space<vmem>>, vector<1x1x16xf32>,
        %swap3A_988 = vector.shape_cast %swap3A_987 : vector<1x1x16xf32> to vector<16xf32>
        %swap3A_989 = vector.shape_cast %add3A_982 : vector<16xf32> to vector<1x1x16xf32>
        tpu.vector_store %arg8[%swap3A_984, %swap3A_985, %swap3A_986], %swap3A_989 {strides = array<i32>} : memref<8x104x64xf32, #tpu.memory_space<vmem>>, vector<1x1x16xf32>,
        %get3A_990 = arith.constant 7 : i32
        %get3A_991 = arith.index_cast %get3A_990 : i32 to index
        %get3A_992 = arith.index_cast %scan3A_731 : i32 to index
        %get3A_993 = arith.constant 48 : index
        %get3A_994 = tpu.vector_load %arg8[%get3A_991, %get3A_992, %get3A_993] {strides = array<i32>} : memref<8x104x64xf32, #tpu.memory_space<vmem>>, vector<1x1x16xf32>,
        %get3A_995 = vector.shape_cast %get3A_994 : vector<1x1x16xf32> to vector<16xf32>
        %add3A_996 = arith.addf %get3A_995, %get3A_947 : vector<16xf32>
        %swap3A_997 = arith.constant 7 : i32
        %swap3A_998 = arith.index_cast %swap3A_997 : i32 to index
        %swap3A_999 = arith.index_cast %scan3A_731 : i32 to index
        %swap3A_1000 = arith.constant 48 : index
        %swap3A_1001 = tpu.vector_load %arg8[%swap3A_998, %swap3A_999, %swap3A_1000] {strides = array<i32>} : memref<8x104x64xf32, #tpu.memory_space<vmem>>, vector<1x1x16xf32>,
        %swap3A_1002 = vector.shape_cast %swap3A_1001 : vector<1x1x16xf32> to vector<16xf32>
        %swap3A_1003 = vector.shape_cast %add3A_996 : vector<16xf32> to vector<1x1x16xf32>
        tpu.vector_store %arg8[%swap3A_998, %swap3A_999, %swap3A_1000], %swap3A_1003 {strides = array<i32>} : memref<8x104x64xf32, #tpu.memory_space<vmem>>, vector<1x1x16xf32>,
      }
      %scan3A_370 = arith.constant 104 : i32
      %mul3A_371 = arith.constant 2 : i32
      %mul3A_372 = arith.muli %mul3A_371, %add3A_292 : i32
      %add3A_373 = arith.addi %mul3A_2, %mul3A_372 : i32
      %add3A_374 = arith.constant 0 : i32
      %add3A_375 = arith.addi %add3A_373, %add3A_374 : i32
      %dma_start3A_376 = arith.constant 4 : i32
      %dma_start3A_377 = arith.constant 0 : i32
      %dma_start3A_378 = arith.constant 0 : i32
      %dma_start3A_379 = tpu.memref_slice %arg8[%dma_start3A_376, %dma_start3A_377, %dma_start3A_378] : memref<8x104x64xf32, #tpu.memory_space<vmem>> -> memref<1x104x64xf32, #tpu.memory_space<vmem>>
      %dma_start3A_380 = tpu.memref_squeeze %dma_start3A_379 : memref<1x104x64xf32, #tpu.memory_space<vmem>> -> memref<104x64xf32, #tpu.memory_space<vmem>>
      %dma_start3A_381 = arith.constant 0 : i32
      %dma_start3A_382 = arith.constant 0 : i32
      %dma_start3A_383 = tpu.memref_slice %arg5[%add3A_375, %dma_start3A_381, %dma_start3A_382] : memref<4096x200x64xf32, #tpu.memory_space<hbm>> -> memref<1x104x64xf32, #tpu.memory_space<hbm>>
      %dma_start3A_384 = tpu.memref_squeeze %dma_start3A_383 : memref<1x104x64xf32, #tpu.memory_space<hbm>> -> memref<104x64xf32, #tpu.memory_space<hbm>>
      %dma_start3A_385 = arith.constant 0 : i32
      %dma_start3A_386 = arith.constant 0 : i32
      %dma_start3A_387 = tpu.memref_slice %arg5[%add3A_375, %dma_start3A_385, %dma_start3A_386] : memref<4096x200x64xf32, #tpu.memory_space<hbm>> -> memref<1x104x64xf32, #tpu.memory_space<hbm>>
      %dma_start3A_388 = tpu.memref_squeeze %dma_start3A_387 : memref<1x104x64xf32, #tpu.memory_space<hbm>> -> memref<104x64xf32, #tpu.memory_space<hbm>>
      %dma_start3A_389 = arith.constant 0 : i32
      %dma_start3A_390 = arith.constant 0 : i32
      %dma_start3A_391 = tpu.memref_slice %arg8[%dma_start3A_376, %dma_start3A_389, %dma_start3A_390] : memref<8x104x64xf32, #tpu.memory_space<vmem>> -> memref<1x104x64xf32, #tpu.memory_space<vmem>>
      %dma_start3A_392 = tpu.memref_squeeze %dma_start3A_391 : memref<1x104x64xf32, #tpu.memory_space<vmem>> -> memref<104x64xf32, #tpu.memory_space<vmem>>
      tpu.enqueue_dma source(%dma_start3A_392 : memref<104x64xf32, #tpu.memory_space<vmem>>) target(%dma_start3A_388 : memref<104x64xf32, #tpu.memory_space<hbm>>) target_semaphore(%arg11 : memref<!tpu.dma_semaphore, #tpu.memory_space<semaphore_mem>>)
      %mul3A_393 = arith.constant 2 : i32
      %mul3A_394 = arith.muli %mul3A_393, %add3A_292 : i32
      %add3A_395 = arith.addi %mul3A_2, %mul3A_394 : i32
      %add3A_396 = arith.constant 0 : i32
      %add3A_397 = arith.addi %add3A_395, %add3A_396 : i32
      %dma_start3A_398 = arith.constant 5 : i32
      %dma_start3A_399 = arith.constant 0 : i32
      %dma_start3A_400 = arith.constant 0 : i32
      %dma_start3A_401 = tpu.memref_slice %arg8[%dma_start3A_398, %dma_start3A_399, %dma_start3A_400] : memref<8x104x64xf32, #tpu.memory_space<vmem>> -> memref<1x104x64xf32, #tpu.memory_space<vmem>>
      %dma_start3A_402 = tpu.memref_squeeze %dma_start3A_401 : memref<1x104x64xf32, #tpu.memory_space<vmem>> -> memref<104x64xf32, #tpu.memory_space<vmem>>
      %dma_start3A_403 = arith.constant 96 : i32
      %dma_start3A_404 = arith.constant 0 : i32
      %dma_start3A_405 = tpu.memref_slice %arg5[%add3A_397, %dma_start3A_403, %dma_start3A_404] : memref<4096x200x64xf32, #tpu.memory_space<hbm>> -> memref<1x104x64xf32, #tpu.memory_space<hbm>>
      %dma_start3A_406 = tpu.memref_squeeze %dma_start3A_405 : memref<1x104x64xf32, #tpu.memory_space<hbm>> -> memref<104x64xf32, #tpu.memory_space<hbm>>
      %dma_start3A_407 = arith.constant 96 : i32
      %dma_start3A_408 = arith.constant 0 : i32
      %dma_start3A_409 = tpu.memref_slice %arg5[%add3A_397, %dma_start3A_407, %dma_start3A_408] : memref<4096x200x64xf32, #tpu.memory_space<hbm>> -> memref<1x104x64xf32, #tpu.memory_space<hbm>>
      %dma_start3A_410 = tpu.memref_squeeze %dma_start3A_409 : memref<1x104x64xf32, #tpu.memory_space<hbm>> -> memref<104x64xf32, #tpu.memory_space<hbm>>
      %dma_start3A_411 = arith.constant 0 : i32
      %dma_start3A_412 = arith.constant 0 : i32
      %dma_start3A_413 = tpu.memref_slice %arg8[%dma_start3A_398, %dma_start3A_411, %dma_start3A_412] : memref<8x104x64xf32, #tpu.memory_space<vmem>> -> memref<1x104x64xf32, #tpu.memory_space<vmem>>
      %dma_start3A_414 = tpu.memref_squeeze %dma_start3A_413 : memref<1x104x64xf32, #tpu.memory_space<vmem>> -> memref<104x64xf32, #tpu.memory_space<vmem>>
      tpu.enqueue_dma source(%dma_start3A_414 : memref<104x64xf32, #tpu.memory_space<vmem>>) target(%dma_start3A_410 : memref<104x64xf32, #tpu.memory_space<hbm>>) target_semaphore(%arg11 : memref<!tpu.dma_semaphore, #tpu.memory_space<semaphore_mem>>)
      %mul3A_415 = arith.constant 2 : i32
      %mul3A_416 = arith.muli %mul3A_415, %add3A_292 : i32
      %add3A_417 = arith.addi %mul3A_2, %mul3A_416 : i32
      %add3A_418 = arith.constant 1 : i32
      %add3A_419 = arith.addi %add3A_417, %add3A_418 : i32
      %dma_start3A_420 = arith.constant 6 : i32
      %dma_start3A_421 = arith.constant 0 : i32
      %dma_start3A_422 = arith.constant 0 : i32
      %dma_start3A_423 = tpu.memref_slice %arg8[%dma_start3A_420, %dma_start3A_421, %dma_start3A_422] : memref<8x104x64xf32, #tpu.memory_space<vmem>> -> memref<1x104x64xf32, #tpu.memory_space<vmem>>
      %dma_start3A_424 = tpu.memref_squeeze %dma_start3A_423 : memref<1x104x64xf32, #tpu.memory_space<vmem>> -> memref<104x64xf32, #tpu.memory_space<vmem>>
      %dma_start3A_425 = arith.constant 0 : i32
      %dma_start3A_426 = arith.constant 0 : i32
      %dma_start3A_427 = tpu.memref_slice %arg5[%add3A_419, %dma_start3A_425, %dma_start3A_426] : memref<4096x200x64xf32, #tpu.memory_space<hbm>> -> memref<1x104x64xf32, #tpu.memory_space<hbm>>
      %dma_start3A_428 = tpu.memref_squeeze %dma_start3A_427 : memref<1x104x64xf32, #tpu.memory_space<hbm>> -> memref<104x64xf32, #tpu.memory_space<hbm>>
      %dma_start3A_429 = arith.constant 0 : i32
      %dma_start3A_430 = arith.constant 0 : i32
      %dma_start3A_431 = tpu.memref_slice %arg5[%add3A_419, %dma_start3A_429, %dma_start3A_430] : memref<4096x200x64xf32, #tpu.memory_space<hbm>> -> memref<1x104x64xf32, #tpu.memory_space<hbm>>
      %dma_start3A_432 = tpu.memref_squeeze %dma_start3A_431 : memref<1x104x64xf32, #tpu.memory_space<hbm>> -> memref<104x64xf32, #tpu.memory_space<hbm>>
      %dma_start3A_433 = arith.constant 0 : i32
      %dma_start3A_434 = arith.constant 0 : i32
      %dma_start3A_435 = tpu.memref_slice %arg8[%dma_start3A_420, %dma_start3A_433, %dma_start3A_434] : memref<8x104x64xf32, #tpu.memory_space<vmem>> -> memref<1x104x64xf32, #tpu.memory_space<vmem>>
      %dma_start3A_436 = tpu.memref_squeeze %dma_start3A_435 : memref<1x104x64xf32, #tpu.memory_space<vmem>> -> memref<104x64xf32, #tpu.memory_space<vmem>>
      tpu.enqueue_dma source(%dma_start3A_436 : memref<104x64xf32, #tpu.memory_space<vmem>>) target(%dma_start3A_432 : memref<104x64xf32, #tpu.memory_space<hbm>>) target_semaphore(%arg11 : memref<!tpu.dma_semaphore, #tpu.memory_space<semaphore_mem>>)
      %mul3A_437 = arith.constant 2 : i32
      %mul3A_438 = arith.muli %mul3A_437, %add3A_292 : i32
      %add3A_439 = arith.addi %mul3A_2, %mul3A_438 : i32
      %add3A_440 = arith.constant 1 : i32
      %add3A_441 = arith.addi %add3A_439, %add3A_440 : i32
      %dma_start3A_442 = arith.constant 7 : i32
      %dma_start3A_443 = arith.constant 0 : i32
      %dma_start3A_444 = arith.constant 0 : i32
      %dma_start3A_445 = tpu.memref_slice %arg8[%dma_start3A_442, %dma_start3A_443, %dma_start3A_444] : memref<8x104x64xf32, #tpu.memory_space<vmem>> -> memref<1x104x64xf32, #tpu.memory_space<vmem>>
      %dma_start3A_446 = tpu.memref_squeeze %dma_start3A_445 : memref<1x104x64xf32, #tpu.memory_space<vmem>> -> memref<104x64xf32, #tpu.memory_space<vmem>>
      %dma_start3A_447 = arith.constant 96 : i32
      %dma_start3A_448 = arith.constant 0 : i32
      %dma_start3A_449 = tpu.memref_slice %arg5[%add3A_441, %dma_start3A_447, %dma_start3A_448] : memref<4096x200x64xf32, #tpu.memory_space<hbm>> -> memref<1x104x64xf32, #tpu.memory_space<hbm>>
      %dma_start3A_450 = tpu.memref_squeeze %dma_start3A_449 : memref<1x104x64xf32, #tpu.memory_space<hbm>> -> memref<104x64xf32, #tpu.memory_space<hbm>>
      %dma_start3A_451 = arith.constant 96 : i32
      %dma_start3A_452 = arith.constant 0 : i32
      %dma_start3A_453 = tpu.memref_slice %arg5[%add3A_441, %dma_start3A_451, %dma_start3A_452] : memref<4096x200x64xf32, #tpu.memory_space<hbm>> -> memref<1x104x64xf32, #tpu.memory_space<hbm>>
      %dma_start3A_454 = tpu.memref_squeeze %dma_start3A_453 : memref<1x104x64xf32, #tpu.memory_space<hbm>> -> memref<104x64xf32, #tpu.memory_space<hbm>>
      %dma_start3A_455 = arith.constant 0 : i32
      %dma_start3A_456 = arith.constant 0 : i32
      %dma_start3A_457 = tpu.memref_slice %arg8[%dma_start3A_442, %dma_start3A_455, %dma_start3A_456] : memref<8x104x64xf32, #tpu.memory_space<vmem>> -> memref<1x104x64xf32, #tpu.memory_space<vmem>>
      %dma_start3A_458 = tpu.memref_squeeze %dma_start3A_457 : memref<1x104x64xf32, #tpu.memory_space<vmem>> -> memref<104x64xf32, #tpu.memory_space<vmem>>
      tpu.enqueue_dma source(%dma_start3A_458 : memref<104x64xf32, #tpu.memory_space<vmem>>) target(%dma_start3A_454 : memref<104x64xf32, #tpu.memory_space<hbm>>) target_semaphore(%arg11 : memref<!tpu.dma_semaphore, #tpu.memory_space<semaphore_mem>>)
    }
    %scan3A_54 = arith.constant 32 : i32
    %dma_wait3A = arith.constant 0 : i32
    %dma_wait3A_55 = arith.constant 0 : i32
    %dma_wait3A_56 = arith.constant 0 : i32
    %dma_wait3A_57 = tpu.memref_slice %arg8[%dma_wait3A, %dma_wait3A_55, %dma_wait3A_56] : memref<8x104x64xf32, #tpu.memory_space<vmem>> -> memref<1x104x64xf32, #tpu.memory_space<vmem>>
    %dma_wait3A_58 = tpu.memref_squeeze %dma_wait3A_57 : memref<1x104x64xf32, #tpu.memory_space<vmem>> -> memref<104x64xf32, #tpu.memory_space<vmem>>
    %dma_wait3A_59 = arith.constant 0 : i32
    %dma_wait3A_60 = arith.constant 0 : i32
    %dma_wait3A_61 = tpu.memref_slice %arg5[%mul3A_2, %dma_wait3A_59, %dma_wait3A_60] : memref<4096x200x64xf32, #tpu.memory_space<hbm>> -> memref<1x104x64xf32, #tpu.memory_space<hbm>>
    %dma_wait3A_62 = tpu.memref_squeeze %dma_wait3A_61 : memref<1x104x64xf32, #tpu.memory_space<hbm>> -> memref<104x64xf32, #tpu.memory_space<hbm>>
    %dma_wait3A_63 = arith.constant 0 : i32
    %dma_wait3A_64 = arith.constant 0 : i32
    %dma_wait3A_65 = tpu.memref_slice %arg5[%mul3A_2, %dma_wait3A_63, %dma_wait3A_64] : memref<4096x200x64xf32, #tpu.memory_space<hbm>> -> memref<1x104x64xf32, #tpu.memory_space<hbm>>
    %dma_wait3A_66 = tpu.memref_squeeze %dma_wait3A_65 : memref<1x104x64xf32, #tpu.memory_space<hbm>> -> memref<104x64xf32, #tpu.memory_space<hbm>>
    %dma_wait3A_67 = arith.constant 0 : i32
    %dma_wait3A_68 = arith.constant 0 : i32
    %dma_wait3A_69 = tpu.memref_slice %arg8[%dma_wait3A, %dma_wait3A_67, %dma_wait3A_68] : memref<8x104x64xf32, #tpu.memory_space<vmem>> -> memref<1x104x64xf32, #tpu.memory_space<vmem>>
    %dma_wait3A_70 = tpu.memref_squeeze %dma_wait3A_69 : memref<1x104x64xf32, #tpu.memory_space<vmem>> -> memref<104x64xf32, #tpu.memory_space<vmem>>
    tpu.wait_dma2 semaphore(%arg11 : memref<!tpu.dma_semaphore, #tpu.memory_space<semaphore_mem>>) src(%dma_wait3A_70 : memref<104x64xf32, #tpu.memory_space<vmem>>) dst(%dma_wait3A_66 : memref<104x64xf32, #tpu.memory_space<hbm>>)
    %dma_wait3A_71 = arith.constant 0 : i32
    %dma_wait3A_72 = arith.constant 0 : i32
    %dma_wait3A_73 = arith.constant 0 : i32
    %dma_wait3A_74 = tpu.memref_slice %arg8[%dma_wait3A_71, %dma_wait3A_72, %dma_wait3A_73] : memref<8x104x64xf32, #tpu.memory_space<vmem>> -> memref<1x104x64xf32, #tpu.memory_space<vmem>>
    %dma_wait3A_75 = tpu.memref_squeeze %dma_wait3A_74 : memref<1x104x64xf32, #tpu.memory_space<vmem>> -> memref<104x64xf32, #tpu.memory_space<vmem>>
    %dma_wait3A_76 = arith.constant 0 : i32
    %dma_wait3A_77 = arith.constant 0 : i32
    %dma_wait3A_78 = tpu.memref_slice %arg5[%mul3A_2, %dma_wait3A_76, %dma_wait3A_77] : memref<4096x200x64xf32, #tpu.memory_space<hbm>> -> memref<1x104x64xf32, #tpu.memory_space<hbm>>
    %dma_wait3A_79 = tpu.memref_squeeze %dma_wait3A_78 : memref<1x104x64xf32, #tpu.memory_space<hbm>> -> memref<104x64xf32, #tpu.memory_space<hbm>>
    %dma_wait3A_80 = arith.constant 0 : i32
    %dma_wait3A_81 = arith.constant 0 : i32
    %dma_wait3A_82 = tpu.memref_slice %arg5[%mul3A_2, %dma_wait3A_80, %dma_wait3A_81] : memref<4096x200x64xf32, #tpu.memory_space<hbm>> -> memref<1x104x64xf32, #tpu.memory_space<hbm>>
    %dma_wait3A_83 = tpu.memref_squeeze %dma_wait3A_82 : memref<1x104x64xf32, #tpu.memory_space<hbm>> -> memref<104x64xf32, #tpu.memory_space<hbm>>
    %dma_wait3A_84 = arith.constant 0 : i32
    %dma_wait3A_85 = arith.constant 0 : i32
    %dma_wait3A_86 = tpu.memref_slice %arg8[%dma_wait3A_71, %dma_wait3A_84, %dma_wait3A_85] : memref<8x104x64xf32, #tpu.memory_space<vmem>> -> memref<1x104x64xf32, #tpu.memory_space<vmem>>
    %dma_wait3A_87 = tpu.memref_squeeze %dma_wait3A_86 : memref<1x104x64xf32, #tpu.memory_space<vmem>> -> memref<104x64xf32, #tpu.memory_space<vmem>>
    tpu.wait_dma2 semaphore(%arg11 : memref<!tpu.dma_semaphore, #tpu.memory_space<semaphore_mem>>) src(%dma_wait3A_87 : memref<104x64xf32, #tpu.memory_space<vmem>>) dst(%dma_wait3A_83 : memref<104x64xf32, #tpu.memory_space<hbm>>)
    %dma_wait3A_88 = arith.constant 0 : i32
    %dma_wait3A_89 = arith.constant 0 : i32
    %dma_wait3A_90 = arith.constant 0 : i32
    %dma_wait3A_91 = tpu.memref_slice %arg8[%dma_wait3A_88, %dma_wait3A_89, %dma_wait3A_90] : memref<8x104x64xf32, #tpu.memory_space<vmem>> -> memref<1x104x64xf32, #tpu.memory_space<vmem>>
    %dma_wait3A_92 = tpu.memref_squeeze %dma_wait3A_91 : memref<1x104x64xf32, #tpu.memory_space<vmem>> -> memref<104x64xf32, #tpu.memory_space<vmem>>
    %dma_wait3A_93 = arith.constant 0 : i32
    %dma_wait3A_94 = arith.constant 0 : i32
    %dma_wait3A_95 = tpu.memref_slice %arg5[%mul3A_2, %dma_wait3A_93, %dma_wait3A_94] : memref<4096x200x64xf32, #tpu.memory_space<hbm>> -> memref<1x104x64xf32, #tpu.memory_space<hbm>>
    %dma_wait3A_96 = tpu.memref_squeeze %dma_wait3A_95 : memref<1x104x64xf32, #tpu.memory_space<hbm>> -> memref<104x64xf32, #tpu.memory_space<hbm>>
    %dma_wait3A_97 = arith.constant 0 : i32
    %dma_wait3A_98 = arith.constant 0 : i32
    %dma_wait3A_99 = tpu.memref_slice %arg5[%mul3A_2, %dma_wait3A_97, %dma_wait3A_98] : memref<4096x200x64xf32, #tpu.memory_space<hbm>> -> memref<1x104x64xf32, #tpu.memory_space<hbm>>
    %dma_wait3A_100 = tpu.memref_squeeze %dma_wait3A_99 : memref<1x104x64xf32, #tpu.memory_space<hbm>> -> memref<104x64xf32, #tpu.memory_space<hbm>>
    %dma_wait3A_101 = arith.constant 0 : i32
    %dma_wait3A_102 = arith.constant 0 : i32
    %dma_wait3A_103 = tpu.memref_slice %arg8[%dma_wait3A_88, %dma_wait3A_101, %dma_wait3A_102] : memref<8x104x64xf32, #tpu.memory_space<vmem>> -> memref<1x104x64xf32, #tpu.memory_space<vmem>>
    %dma_wait3A_104 = tpu.memref_squeeze %dma_wait3A_103 : memref<1x104x64xf32, #tpu.memory_space<vmem>> -> memref<104x64xf32, #tpu.memory_space<vmem>>
    tpu.wait_dma2 semaphore(%arg11 : memref<!tpu.dma_semaphore, #tpu.memory_space<semaphore_mem>>) src(%dma_wait3A_104 : memref<104x64xf32, #tpu.memory_space<vmem>>) dst(%dma_wait3A_100 : memref<104x64xf32, #tpu.memory_space<hbm>>)
    %dma_wait3A_105 = arith.constant 0 : i32
    %dma_wait3A_106 = arith.constant 0 : i32
    %dma_wait3A_107 = arith.constant 0 : i32
    %dma_wait3A_108 = tpu.memref_slice %arg8[%dma_wait3A_105, %dma_wait3A_106, %dma_wait3A_107] : memref<8x104x64xf32, #tpu.memory_space<vmem>> -> memref<1x104x64xf32, #tpu.memory_space<vmem>>
    %dma_wait3A_109 = tpu.memref_squeeze %dma_wait3A_108 : memref<1x104x64xf32, #tpu.memory_space<vmem>> -> memref<104x64xf32, #tpu.memory_space<vmem>>
    %dma_wait3A_110 = arith.constant 0 : i32
    %dma_wait3A_111 = arith.constant 0 : i32
    %dma_wait3A_112 = tpu.memref_slice %arg5[%mul3A_2, %dma_wait3A_110, %dma_wait3A_111] : memref<4096x200x64xf32, #tpu.memory_space<hbm>> -> memref<1x104x64xf32, #tpu.memory_space<hbm>>
    %dma_wait3A_113 = tpu.memref_squeeze %dma_wait3A_112 : memref<1x104x64xf32, #tpu.memory_space<hbm>> -> memref<104x64xf32, #tpu.memory_space<hbm>>
    %dma_wait3A_114 = arith.constant 0 : i32
    %dma_wait3A_115 = arith.constant 0 : i32
    %dma_wait3A_116 = tpu.memref_slice %arg5[%mul3A_2, %dma_wait3A_114, %dma_wait3A_115] : memref<4096x200x64xf32, #tpu.memory_space<hbm>> -> memref<1x104x64xf32, #tpu.memory_space<hbm>>
    %dma_wait3A_117 = tpu.memref_squeeze %dma_wait3A_116 : memref<1x104x64xf32, #tpu.memory_space<hbm>> -> memref<104x64xf32, #tpu.memory_space<hbm>>
    %dma_wait3A_118 = arith.constant 0 : i32
    %dma_wait3A_119 = arith.constant 0 : i32
    %dma_wait3A_120 = tpu.memref_slice %arg8[%dma_wait3A_105, %dma_wait3A_118, %dma_wait3A_119] : memref<8x104x64xf32, #tpu.memory_space<vmem>> -> memref<1x104x64xf32, #tpu.memory_space<vmem>>
    %dma_wait3A_121 = tpu.memref_squeeze %dma_wait3A_120 : memref<1x104x64xf32, #tpu.memory_space<vmem>> -> memref<104x64xf32, #tpu.memory_space<vmem>>
    tpu.wait_dma2 semaphore(%arg11 : memref<!tpu.dma_semaphore, #tpu.memory_space<semaphore_mem>>) src(%dma_wait3A_121 : memref<104x64xf32, #tpu.memory_space<vmem>>) dst(%dma_wait3A_117 : memref<104x64xf32, #tpu.memory_space<hbm>>)
    return
  }
}

</mosaic_0001>

<sc_bundles>
// kernel: kernel.3.cloned.1.call-start
scs
__scs_entry_jumppad:
0x0: {  	(pc) =	sbr.rel $0x88, $3  }
0x1: {  	(tag) =	ssettag $0x0;
	lr =	simm.s32 $0x1  }
0x2: {  	[smem:$0x3F9F] =	sst lr;
	_ =	strace $0xD0000000  }
0x3: {  	_ = 	snop  }
0x4: {  	_ = 	snop  }
0x5: {  	_ = 	snop  }
0x6: {  	_ = 	snop  }
0x7: {  	_ = 	snop  }
__scs_overlays_trampoline_lowered:
0x8: {  	[smem:$0x3FAE] =	sst s0  }
0x9: {  	[smem:$0x3FAF] =	sst s1  }
0xa: {  	[smem:$0x3FB0] =	sst s2  }
0xb: {  	[smem:$0x3FB1] =	sst s3  }
0xc: {  	[smem:$0x3FB2] =	sst s4  }
0xd: {  	[smem:$0x3FB3] =	sst s5  }
0xe: {  	[smem:$0x3FB4] =	sst s6  }
0xf: {  	[smem:$0x3FB5] =	sst s7  }
0x10: {  	[smem:$0x3FB6] =	sst s8  }
0x11: {  	[smem:$0x3FB7] =	sst s9;
	s0 =	simm.s32 @!p0 $0x0  }
0x12: {  	s1 =	sld [smem:$0x3F9D];
	s0 =	simm.s32 @p0 $0x1  }
0x13: {  	[smem:$0x3FB8] =	sst s0;
	s0 =	simm.s32 @!p1 $0x0  }
0x14: {  	s2 =	sld [smem:$0x3F9C];
	s0 =	simm.s32 @p1 $0x1  }
0x15: {  	[smem:$0x3FB9] =	sst s0;
	s0 =	simm.s32 @!p2 $0x0  }
0x16: {  	s3 =	sld [smem:$0x3FDB];
	s0 =	simm.s32 @p2 $0x1  }
0x17: {  	s4 =	simm.s32 $0x1BF5;
	[smem:$0x3FBB] =	sst s0  }
0x18: {  	s0 =	sld [smem:$0x3F9E];
	_ =	swait.ge [sflag:s4], $0x0  }
0x19: {  	s7 =	sld [smem:$0x3F9F]  }
0x1a: {  	s8 =	sadd.s32 $0xFFFFE003, lr  }
0x1b: {  	s9 =	sadd.s32 $0xFFFFFEF7, lr;
	s5 =	simm.s32 $0xFFFFFFFF;
	p2 =	slt.u32 s8, $0xFFFFF086  }
0x1c: {  	p1 =	slt.u32 s9, $0xF7A;
	s5 =	simm.s32 @!p2 $0x0  }
0x1d: {  	s5 =	simm.s32 @p1 $0x1;
	p0 =	seq.s32 s7, s2  }
0x1e: {  	s7 =	smul.u32 @!p0 $0xF7A, s2;
	p2 =	seq.s32 @!p0 s5, $0x0  }
0x1f: {  	s9 =	smul.u32 $0xF7A, s1;
	s8 =	simm.s32 @!p0 $0x1BF5;
	p2 =	por !p2, p0  }
0x20: {  	[sflag:s8] =	ssyncset.s32 @!p0 $0xFFFFF086;
	s6 =	sadd.s32 @!p0 s3, s7;
	s7 =	simm.s32 @!p0 $0x108  }
0x21: {  	s3 =	sadd.s32 s3, s9;
	s6 =	sadd.s32 @!p0 $0x88, s6;
	s7 =	simm.s32 @p2 $0x1082  }
0x22: {  	[simem:s7], [sflag:s8] =	dma.local @!p0 [hbm:s6], $0xF7A  }
0x23: {  	s9 =	sor.u32 $0xD0000000, s2;
	s6 =	simm.s32 $0x108;
	_ =	swait.ge @!p0 [sflag:s8], $0x0  }
0x24: {  	s3 =	sadd.s32 $0x88, s3;
	s6 =	simm.s32 @!p1 $0x1082;
	[sflag:s4] =	ssyncset.s32 $0xFFFFF086  }
0x25: {  	[simem:s6], [sflag:s4] =	dma.local [hbm:s3], $0xF7A  }
0x26: {  	[smem:$0x3F9F] =	sst s1;
	(tag) =	ssettag s2;
	_ =	strace s9  }
0x27: {  	s1 =	sld [smem:$0x3FAF]  }
0x28: {  	s2 =	sld [smem:$0x3FB0]  }
0x29: {  	s4 =	sld [smem:$0x3FB2]  }
0x2a: {  	p0 =	seq.s32 s5, $0x0;
	s5 =	sld [smem:$0x3FB3]  }
0x2b: {  	s6 =	sld [smem:$0x3FB4]  }
0x2c: {  	s7 =	sld [smem:$0x3FB5]  }
0x2d: {  	s3 =	simm.s32 $0x108;
	s8 =	sld [smem:$0x3FB6]  }
0x2e: {  	s3 =	simm.s32 @!p0 $0x1082;
	s9 =	sld [smem:$0x3FB7]  }
0x2f: {  	lr =	sadd.s32 s0, s3;
	s0 =	sld [smem:$0x3FAE]  }
0x30: {  	s3 =	sld [smem:$0x3FB1]  }
0x31: {  	[smem:$0x3FBA] =	sst s10  }
0x32: {  	s10 =	sld [smem:$0x3FB8];
	_ =	sdelay $0x3  }
0x33: {  	p0 =	seq.s32 s10, $0x1;
	s10 =	sld [smem:$0x3FBA];
	_ =	sdelay $0x3  }
0x34: {  	[smem:$0x3FBA] =	sst s10  }
0x35: {  	s10 =	sld [smem:$0x3FB9];
	_ =	sdelay $0x3  }
0x36: {  	p1 =	seq.s32 s10, $0x1;
	s10 =	sld [smem:$0x3FBA];
	_ =	sdelay $0x3  }
0x37: {  	[smem:$0x3FBA] =	sst s10  }
0x38: {  	s10 =	sld [smem:$0x3FBB]  }
0x39: {  	_ = 	snop;
	(pc) =	sbr.ind lr, $3  }
0x3a: {  	_ = 	snop  }
0x3b: {  	_ = 	snop  }
0x3c: {  	p2 =	seq.s32 s10, $0x1;
	s10 =	sld [smem:$0x3FBA]  }
0x3d: {  	_ =	shalt  }
0x3e: {  	_ =	shalt  }
0x3f: {  	_ =	shalt  }
0x40: {  	_ =	shalt  }
0x41: {  	_ =	shalt  }
0x42: {  	_ =	shalt  }
0x43: {  	_ =	shalt  }
0x44: {  	_ =	shalt  }
0x45: {  	_ =	shalt  }
0x46: {  	_ =	shalt  }
0x47: {  	_ =	shalt  }
0x48: {  	_ =	shalt  }
0x49: {  	_ =	shalt  }
0x4a: {  	_ =	shalt  }
0x4b: {  	_ =	shalt  }
0x4c: {  	_ =	shalt  }
0x4d: {  	_ =	shalt  }
0x4e: {  	_ =	shalt  }
0x4f: {  	_ =	shalt  }
0x50: {  	_ =	shalt  }
0x51: {  	_ =	shalt  }
0x52: {  	_ =	shalt  }
0x53: {  	_ =	shalt  }
0x54: {  	_ =	shalt  }
0x55: {  	_ =	shalt  }
0x56: {  	_ =	shalt  }
0x57: {  	_ =	shalt  }
0x58: {  	_ =	shalt  }
0x59: {  	_ =	shalt  }
0x5a: {  	_ =	shalt  }
0x5b: {  	_ =	shalt  }
0x5c: {  	_ =	shalt  }
0x5d: {  	_ =	shalt  }
0x5e: {  	_ =	shalt  }
0x5f: {  	_ =	shalt  }
0x60: {  	_ =	shalt  }
0x61: {  	_ =	shalt  }
0x62: {  	_ =	shalt  }
0x63: {  	_ =	shalt  }
0x64: {  	_ =	shalt  }
0x65: {  	_ =	shalt  }
0x66: {  	_ =	shalt  }
0x67: {  	_ =	shalt  }
0x68: {  	_ =	shalt  }
0x69: {  	_ =	shalt  }
0x6a: {  	_ =	shalt  }
0x6b: {  	_ =	shalt  }
0x6c: {  	_ =	shalt  }
0x6d: {  	_ =	shalt  }
0x6e: {  	_ =	shalt  }
0x6f: {  	_ =	shalt  }
0x70: {  	_ =	shalt  }
0x71: {  	_ =	shalt  }
0x72: {  	_ =	shalt  }
0x73: {  	_ =	shalt  }
0x74: {  	_ =	shalt  }
0x75: {  	_ =	shalt  }
0x76: {  	_ =	shalt  }
0x77: {  	_ =	shalt  }
0x78: {  	_ =	shalt  }
0x79: {  	_ =	shalt  }
0x7a: {  	_ =	shalt  }
0x7b: {  	_ =	shalt  }
0x7c: {  	_ =	shalt  }
0x7d: {  	_ =	shalt  }
0x7e: {  	_ =	shalt  }
0x7f: {  	_ =	shalt  }
0x80: {  	_ =	shalt  }
0x81: {  	_ =	shalt  }
0x82: {  	_ =	shalt  }
0x83: {  	_ =	shalt  }
0x84: {  	_ =	shalt  }
0x85: {  	_ =	shalt  }
0x86: {  	_ =	shalt  }
0x87: {  	_ =	shalt  }
.Lfunc_end0:
.L_simem_size_0:
called_computation.1_lowered:
.L_overlay_start_0:
0x88: {  	s2 =	sld [smem:$0x3FD9]  }
0x89: {  	s3 =	sld [smem:$0x3FFE];
	_ =	sdelay $0x1  }
0x8a: {  	s1 =	srdreg.scid  }
0x8b: {  	s0 =	sand.u32 $0x1, s1  }
0x8c: {  	s17 =	sshll.u32 s0, $0xA;
	s2 =	sadd.s32 s3, s2  }
0x8d: {  	s2 =	sadd.s32 s2, s17  }
0x8e: {  	[smem:$0x3FC6] =	sst s2  }
0x8f: {  	_ = 	snop  }
0x90: {  	s2 =	sld [smem:$0x3FD0];
	(tm) =	ssettm $0x1  }
0x91: {  	s18 =	sld [smem:$0x3FFB];
	_ =	sdelay $0x3  }
0x92: {  	_ =	strace s18  }
0x93: {  	s3 =	sld [smem:$0x3FFC];
	_ =	sdelay $0x3  }
0x94: {  	_ =	strace s3  }
0x95: {  	s3 =	sld [smem:$0x3FFD];
	_ =	sdelay $0x3  }
0x96: {  	_ =	strace s3  }
0x97: {  	_ =	strace $0x8FFFFFFF  }
0x98: {  	s19 =	sld [smem:$0x3FDB];
	_ =	sdelay $0x1  }
0x99: {  	s4 =	simm.s32 $_scs_section_size  }
0x9a: {  	s5 =	simm.s32 $_size__tile_overlayer_lowered;
	s6 =	simm.s32 $_tile_overlayer_lowered  }
0x9b: {  	s22 =	simm.s32 $0x1BFF;
	s21 =	sshll.u32 s6, $0x1;
	s3 =	sadd.s32 s4, s19  }
0x9c: {  	s7 =	simm.s32 $0x0;
	s20 =	sshll.u32 s5, $0x1;
	s5 =	sadd.s32 s21, s3  }
0x9d: {  	[timem:s7], [sflag:s22] =	dma.local [hbm:s5], s20  }
0x9e: {  	_ =	swait.ge [sflag:s22], s20  }
0x9f: {  	s4 =	ssub.s32 $0x0, s20;
	[sflag:s22] =	ssyncset.done $0x0  }
0xa0: {  	[sflag:s22] =	ssyncadd.s32 s4;
	_ =	sdelay $0x1  }
0xa1: {  	s23 =	simm.s32 $0x1B8B  }
0xa2: {  	_ =	swait.ge [sflag:s23], $0x1  }
0xa3: {  	[sflag:s23] =	ssyncset.done $0x0  }
0xa4: {  	s25 =	simm.s32 $0x1B8E;
	s24 =	sld [smem:$0x3FFE];
	[sflag:s23] =	ssyncadd.s32 $0xFFFFFFFF  }
0xa5: {  	s26 =	simm.s32 $execute0_lowered;
	[smem:$0x3FD2] =	sst s25  }
0xa6: {  	s5 =	sshll.u32 s26, $0x1;
	_ =	strace $0x80000046;
	[dreg:$0x1] =	wrdreg $0xFFFFFFFF  }
0xa7: {  	s28 =	simm.s32 $_size_execute0_lowered;
	s3 =	sadd.s32 s3, s5;
	[dreg:$0x0] =	wrdreg $0x0  }
0xa8: {  	s5 =	sshll.u32 s28, $0x1;
	[dreg:$0x2] =	wrdreg s3  }
0xa9: {  	[dreg:$0x3] =	wrdreg s5  }
0xaa: {  	[dreg:$0x4] =	wrdreg $0xC0  }
0xab: {  	_ =	task [dreg:s7], $0x5FFFF  }
0xac: {  	[dreg:$0x1] =	wrdreg $0xFFFFFFFF  }
0xad: {  	[dreg:$0x0] =	wrdreg $0x60  }
0xae: {  	[dreg:$0x2] =	wrdreg s24  }
0xaf: {  	[dreg:$0x3] =	wrdreg s2  }
0xb0: {  	[dreg:$0x4] =	wrdreg $0x9  }
0xb1: {  	_ =	task.clear_ibuf [dreg:s7], $0x5FFFF;
	_ =	strace $0x90000046  }
0xb2: {  	s29 =	simm.s32 $0x9;
	_ =	strace $0x80000048  }
0xb3: {  	_ =	swait.ge [sflag:s29], $0x1  }
0xb4: {  	[sflag:s29] =	ssyncadd.s32 $0xFFFFFFFF  }
0xb5: {  	_ =	strace $0x90000048  }
0xb6: {  	_ =	sfence  }
0xb7: {  	s30 =	sld [smem:$0x0];
	_ =	sdelay $0x2  }
0xb8: {  	s31 =	sshll.u32 s1, $0xD;
	s1 =	sshrl.u32 s1, $0x2  }
0xb9: {  	s3 =	sand.u32 $0x4000, s31;
	s1 =	sadd.s32 s1, s30  }
0xba: {  	s0 =	sor.u32 s3, s0;
	s1 =	sshll.u32 s1, $0x11  }
0xbb: {  	s0 =	sor.u32 s1, s0  }
0xbc: {  	s0 =	sadd.s32 $0x8F2B, s0  }
0xbd: {  	[sflag:s0] =	ssyncadd.remote.s32 $0x1  }
0xbe: {  	_ =	sfence.sel $0xFFFF  }
0xbf: {  	[dreg:$0x0] =	wrdreg $0xFFFFFFFF;
	(pc) =	sbr.abs _section_cstart, $3  }
0xc0: {  	[dreg:$0x1] =	wrdreg $0xFFFFFFFF  }
0xc1: {  	_ =	task.clear_ibuf [dreg:s7], $0x2FFFF;
	_ =	strace $0x9FFFFFFF  }
0xc2: {  	(tm) =	ssettm $0x7FFFFFFF  }
0xc3: {  	_ =	shalt  }
tec
execute0_lowered:
.L_overlay_start_1:
0x0: {  	(tag) =	ssettag $0x1  }
0x1: {  	s1 =	srdreg.scid;
	s6 =	rddreg [dreg:$0x0]  }
0x2: {  	s0 =	stileid.u32;
	s2 =	rddreg [dreg:$0x1];
	s10 =	simm.s32 $0x13800  }
0x3: {  	s11 =	simm.s32 $0x3;
	s12 =	simm.s32 $0x68;
	s13 =	simm.s32 $0xC8  }
0x4: {  	s14 =	simm.s32 $0x3400;
	s15 =	simm.s32 $0x6800;
	s16 =	simm.s32 $0x8200  }
0x5: {  	s17 =	simm.s32 $0x9C00;
	s18 =	simm.s32 $0x3468;
	s19 =	simm.s32 $0xB600  }
0x6: {  	s20 =	simm.s32 $0x1;
	s21 =	simm.s32 $0xD000;
	s22 =	simm.s32 $0xEA00  }
0x7: {  	s23 =	simm.s32 $0x10400;
	s24 =	simm.s32 $0x11E00;
	s1 =	sand.u32 $0x1, s1  }
0x8: {  	s25 =	simm.s32 $0x2;
	s3 =	sshll.u32 s0, $0x8;
	s4 =	sshll.u32 s1, $0x7  }
0x9: {  	s1 =	ssub.s32 $0x2, s1;
	s3 =	sor.u32 s4, s3;
	s4 =	simm.s32 $0x0  }
0xa: {  	s7 =	sshrl.u32 s1, $0x1;
	s5 =	smul.u32 $0x19, s3;
	[smem:$0x7FF] =	sst s4  }
0xb: {  	s26 =	simm.s32 $0x0;
	s1 =	ssub.s32 s1, s7;
	_ =	strace $0x80000047  }
0xc: {  	s9 =	smax.u32 s1, $0x1;
	s8 =	sadd.s32 s5, s6;
	s5 =	sadd.s32 $0x19C00, s6  }
0xd: {  	s6 =	sadd.s32 $0xF43000, s6;
	s7 =	sadd.s32 $0xC00, s8;
	s8 =	sadd.s32 $0xC0C, s8  }
.LBB2_1:
0xe: {  	[tilespmem:s10], [sflag:$0x3] =	stream.linear.gather [hbm4b:s5+s4], $0x3200, $0x38;
	[tilespmem:$0x16A00] =	vst v63  }
0xf: {  	_ =	swait.ge [sflag:s11], $0x3200  }
0x10: {  	[sflag:s11] =	ssyncset.done $0x0  }
0x11: {  	[sflag:s11] =	ssyncadd.s32 $0xFFFFCE00  }
0x12: {  	[tilespmem:s4], [sflag:$0x3] =	stream.strided.gather [hbm4b:s7+s12], $0x3400, s13, s12, $0x38;
	[tilespmem:$0x16A00] =	vst v63  }
0x13: {  	_ =	swait.ge [sflag:s11], $0x3400  }
0x14: {  	[sflag:s11] =	ssyncset.done $0x0  }
0x15: {  	[sflag:s11] =	ssyncadd.s32 $0xFFFFCC00  }
0x16: {  	[tilespmem:s14], [sflag:$0x3] =	stream.strided.gather [hbm4b:s8+s12], $0x3400, s13, s12, $0x38;
	[tilespmem:$0x16A00] =	vst v63  }
0x17: {  	_ =	swait.ge [sflag:s11], $0x3400  }
0x18: {  	[sflag:s11] =	ssyncset.done $0x0  }
0x19: {  	[sflag:s11] =	ssyncadd.s32 $0xFFFFCC00  }
0x1a: {  	[tilespmem:s15], [sflag:$0x1] =	stream.indirect.gather [hbm4b:s6+s12], $0x40, s4, s12, $0xb8;
	[tilespmem:$0x16A00] =	vst v63  }
0x1b: {  	_ = 	snop  }
0x1c: {  	[tilespmem:s16], [sflag:$0x1] =	stream.indirect.gather [hbm4b:s6+s12], $0x40, s14, s12, $0xb8;
	[tilespmem:$0x16A00] =	vst v63  }
0x1d: {  	_ = 	snop  }
0x1e: {  	[tilespmem:s17], [sflag:$0x1] =	stream.indirect.gather [hbm4b:s6+s12], $0x40, s12, s12, $0xb8;
	[tilespmem:$0x16A00] =	vst v63  }
0x1f: {  	s28 =	simm.s32 $0x0  }
0x20: {  	[tilespmem:s19], [sflag:$0x1] =	stream.indirect.gather [hbm4b:s6+s12], $0x40, s18, s12, $0xb8;
	[tilespmem:$0x16A00] =	vst v63  }
.LBB2_2:
0x21: {  	_ =	swait.ge [sflag:s20], $0x1A00  }
0x22: {  	[sflag:s20] =	ssyncset.done $0x0  }
0x23: {  	[sflag:s20] =	ssyncadd.s32 $0xFFFFE600  }
0x24: {  	_ =	swait.ge [sflag:s20], $0x1A00  }
0x25: {  	[sflag:s20] =	ssyncset.done $0x0  }
0x26: {  	[sflag:s20] =	ssyncadd.s32 $0xFFFFE600  }
0x27: {  	_ =	swait.ge [sflag:s20], $0x1A00  }
0x28: {  	[sflag:s20] =	ssyncset.done $0x0  }
0x29: {  	[sflag:s20] =	ssyncadd.s32 $0xFFFFE600  }
0x2a: {  	_ =	swait.ge [sflag:s20], $0x1A00  }
0x2b: {  	p0 =	seq.s32 s28, $0x0;
	[sflag:s20] =	ssyncset.done $0x0  }
0x2c: {  	s1 =	simm.s32 @!p0 $0x2;
	[sflag:s20] =	ssyncadd.s32 $0xFFFFE600  }
0x2d: {  	_ =	swait.ge @!p0 [sflag:s1], $0x1A00  }
0x2e: {  	[sflag:s1] =	ssyncset.done @!p0 $0x0  }
0x2f: {  	[sflag:s1] =	ssyncadd.s32 @!p0 $0xFFFFE600  }
0x30: {  	_ =	swait.ge @!p0 [sflag:s1], $0x1A00  }
0x31: {  	[sflag:s1] =	ssyncset.done @!p0 $0x0  }
0x32: {  	[sflag:s1] =	ssyncadd.s32 @!p0 $0xFFFFE600  }
0x33: {  	_ =	swait.ge @!p0 [sflag:s1], $0x1A00  }
0x34: {  	[sflag:s1] =	ssyncset.done @!p0 $0x0  }
0x35: {  	s29 =	sshll.u32 s28, $0x1;
	[sflag:s1] =	ssyncadd.s32 @!p0 $0xFFFFE600  }
0x36: {  	s29 =	sor.u32 $0x1, s29;
	_ =	swait.ge @!p0 [sflag:s1], $0x1A00  }
0x37: {  	s30 =	smul.u32 $0xD0, s29;
	[sflag:s1] =	ssyncset.done @!p0 $0x0  }
0x38: {  	[sflag:s1] =	ssyncadd.s32 @!p0 $0xFFFFE600  }
0x39: {  	[tilespmem:s21], [sflag:$0x1] =	stream.indirect.gather [hbm4b:s6+s12], $0x40, s30, s12, $0xb8;
	[tilespmem:$0x16A00] =	vst v63  }
0x3a: {  	s0 =	sadd.s32 $0x3400, s30  }
0x3b: {  	[tilespmem:s22], [sflag:$0x1] =	stream.indirect.gather [hbm4b:s6+s12], $0x40, s0, s12, $0xb8;
	[tilespmem:$0x16A00] =	vst v63  }
0x3c: {  	s0 =	sadd.s32 $0x68, s30  }
0x3d: {  	[tilespmem:s23], [sflag:$0x1] =	stream.indirect.gather [hbm4b:s6+s12], $0x40, s0, s12, $0xb8;
	[tilespmem:$0x16A00] =	vst v63  }
0x3e: {  	s0 =	sadd.s32 $0x3468, s30;
	s30 =	simm.s32 $0x0  }
0x3f: {  	[tilespmem:s24], [sflag:$0x1] =	stream.indirect.gather [hbm4b:s6+s12], $0x40, s0, s12, $0xb8;
	[tilespmem:$0x16A00] =	vst v63  }
0x40: {  	v6 =	vld [tilespmem:s30+$0x15020]  }
0x41: {  	v1 =	vld [tilespmem:s30+$0x15010]  }
0x42: {  	v3 =	vld [tilespmem:s30+$0x8270]  }
0x43: {  	v0 =	vld [tilespmem:s30+$0x15070]  }
0x44: {  	v15 =	vld [tilespmem:s30+$0x9C10]  }
0x45: {  	v7 =	vld [tilespmem:s30+$0xB600]  }
0x46: {  	v2 =	vld [tilespmem:s30+$0x9C70]  }
0x47: {  	v9 =	vld [tilespmem:s30+$0x8200]  }
0x48: {  	v8 =	vld [tilespmem:s30+$0x9C00]  }
0x49: {  	v11 =	vld [tilespmem:s30+$0xB660]  }
0x4a: {  	v10 =	vld [tilespmem:s30+$0xB650]  }
0x4b: {  	v13 =	vld [tilespmem:s30+$0x6800]  }
0x4c: {  	v12 =	vld [tilespmem:s30+$0x8250]  }
0x4d: {  	v5 =	vld [tilespmem:s30+$0x9C20]  }
0x4e: {  	v14 =	vld [tilespmem:s30+$0x8220]  }
0x4f: {  	v16 =	vld [tilespmem:s30+$0xB620]  }
0x50: {  	v17 =	vld [tilespmem:s30+$0x13830]  }
0x51: {  	v18 =	vld [tilespmem:s30+$0x15030]  }
0x52: {  	v19 =	vld [tilespmem:s30+$0x6830]  }
0x53: {  	v20 =	vld [tilespmem:s30+$0x9C30]  }
0x54: {  	v21 =	vld [tilespmem:s30+$0x8230]  }
0x55: {  	v53 =	vld [tilespmem:s30+$0x15040]  }
0x56: {  	v22 =	vld [tilespmem:s30+$0x6840]  }
0x57: {  	v55 =	vld [tilespmem:s30+$0xB640]  }
0x58: {  	v57 =	vld [tilespmem:s30+$0x15050];
	v14 =	vadd.f32 v14, v6  }
0x59: {  	v58 =	vld [tilespmem:s30+$0x6850];
	v6 =	vadd.f32 v16, v6  }
0x5a: {  	v16 =	vadd.f32 v19, v17;
	[tilespmem:s30+$0x8220] =	vst v14;
	v14 =	vld [tilespmem:s30+$0xB630]  }
0x5b: {  	[tilespmem:s30+$0xB620] =	vst v6;
	v6 =	vld [tilespmem:s30+$0x13840]  }
0x5c: {  	v4 =	vadd.f32 v3, v0;
	[tilespmem:s30+$0x6830] =	vst v16;
	v16 =	vld [tilespmem:s30+$0x9C40]  }
0x5d: {  	v60 =	vld [tilespmem:s30+$0x15000];
	v17 =	vadd.f32 v20, v17  }
0x5e: {  	v59 =	vld [tilespmem:s30+$0x13800];
	v54 =	vadd.f32 v21, v18;
	[tilespmem:s30+$0x8270] =	vst v4  }
0x5f: {  	v10 =	vadd.f32 v10, v57;
	[tilespmem:s30+$0x9C30] =	vst v17;
	v17 =	vld [tilespmem:s30+$0x8240]  }
0x60: {  	v61 =	vld [tilespmem:s30+$0x15060];
	[tilespmem:s30+$0x8230] =	vst v54;
	v14 =	vadd.f32 v14, v18  }
0x61: {  	v62 =	vld [tilespmem:s30+$0x8260];
	[tilespmem:s30+$0xB650] =	vst v10;
	v56 =	vadd.f32 v22, v6;
	v6 =	vadd.f32 v16, v6  }
0x62: {  	v7 =	vadd.f32 v7, v60;
	[tilespmem:s30+$0xB630] =	vst v14;
	v14 =	vld [tilespmem:s30+$0x13850]  }
0x63: {  	v16 =	vld [tilespmem:s30+$0x9C50];
	[tilespmem:s30+$0x9C40] =	vst v6;
	v6 =	vadd.f32 v55, v53  }
0x64: {  	v3 =	vld [tilespmem:s30+$0x6870];
	[tilespmem:s30+$0xB600] =	vst v7;
	v17 =	vadd.f32 v17, v53  }
0x65: {  	v4 =	vld [tilespmem:s30+$0x6820];
	[tilespmem:s30+$0xB640] =	vst v6;
	v6 =	vadd.f32 v12, v57  }
0x66: {  	v9 =	vadd.f32 v9, v60;
	[tilespmem:s30+$0x8240] =	vst v17;
	v17 =	vld [tilespmem:s30+$0x13860]  }
0x67: {  	[tilespmem:s30+$0x8250] =	vst v6;
	v6 =	vld [tilespmem:s30+$0x6860];
	v12 =	vadd.f32 v58, v14  }
0x68: {  	[tilespmem:s30+$0x8200] =	vst v9;
	v7 =	vadd.f32 v11, v61;
	v14 =	vadd.f32 v16, v14;
	v16 =	vld [tilespmem:s30+$0x9C60]  }
0x69: {  	[tilespmem:s30+$0x6850] =	vst v12;
	v12 =	vadd.f32 v8, v59;
	v8 =	vld [tilespmem:s30+$0x13810]  }
0x6a: {  	v10 =	vld [tilespmem:s30+$0x6810];
	[tilespmem:s30+$0xB660] =	vst v7  }
0x6b: {  	[tilespmem:s30+$0x9C00] =	vst v12;
	v12 =	vld [tilespmem:s30+$0x8210]  }
0x6c: {  	v9 =	vld [tilespmem:s30+$0x13870];
	[tilespmem:s30+$0x6840] =	vst v56;
	v63 =	vadd.f32 v6, v17  }
0x6d: {  	v11 =	vld [tilespmem:s30+$0xB610];
	v7 =	vadd.f32 v13, v59;
	[tilespmem:s30+$0x9C50] =	vst v14;
	v14 =	vadd.f32 v16, v17  }
0x6e: {  	s31 =	simm.s32 $0x0;
	s1 =	simm.s32 $0x200;
	v13 =	vadd.f32 v62, v61;
	v6 =	vld [tilespmem:s30+$0x13820];
	[tilespmem:s30+$0x6860] =	vst v63;
	v15 =	vadd.f32 v15, v8  }
.LBB2_3:
0x6f: {  	s0 =	sshra.s32 s1, $0x2;
	s31 =	sadd.s32 $0x2, s31;
	v8 =	vadd.f32 v10, v8;
	[tilespmem:s30+$0x9C60] =	vst v14;
	v10 =	vld [tilespmem:s30+$0xB670]  }
0x70: {  	v14 =	vld [tilespmem:s0+$0x15020];
	p0 =	slt.u32 s31, $0x66;
	[tilespmem:s30+$0x9C10] =	vst v15;
	v12 =	vadd.f32 v12, v1  }
0x71: {  	v15 =	vld [tilespmem:s0+$0x15010];
	[tilespmem:s30+$0x8260] =	vst v13;
	v3 =	vadd.f32 v3, v9;
	v2 =	vadd.f32 v2, v9  }
0x72: {  	v9 =	vld [tilespmem:s0+$0x8270];
	[tilespmem:s30+$0x8210] =	vst v12;
	v1 =	vadd.f32 v11, v1  }
0x73: {  	v11 =	vld [tilespmem:s0+$0x15070];
	[tilespmem:s30+$0x6800] =	vst v7;
	v4 =	vadd.f32 v4, v6;
	v5 =	vadd.f32 v5, v6  }
0x74: {  	v6 =	vld [tilespmem:s0+$0x9C10];
	[tilespmem:s30+$0xB610] =	vst v1;
	v0 =	vadd.f32 v10, v0  }
0x75: {  	v10 =	vld [tilespmem:s0+$0xB600];
	[tilespmem:s30+$0x9C70] =	vst v2  }
0x76: {  	v2 =	vld [tilespmem:s0+$0x9C70];
	[tilespmem:s30+$0xB670] =	vst v0;
	v1 =	vmov v15  }
0x77: {  	v12 =	vld [tilespmem:s0+$0x8200];
	[tilespmem:s30+$0x6810] =	vst v8  }
0x78: {  	v8 =	vld [tilespmem:s0+$0x9C00];
	v7 =	vadd.f32 v9, v11;
	[tilespmem:s30+$0x9C20] =	vst v5;
	v0 =	vmov v11  }
0x79: {  	v9 =	vld [tilespmem:s0+$0xB660];
	[tilespmem:s30+$0x6870] =	vst v3  }
0x7a: {  	v3 =	vld [tilespmem:s0+$0x6870];
	[tilespmem:s30+$0x6820] =	vst v4;
	s30 =	smov.u32 s0  }
0x7b: {  	v11 =	vld [tilespmem:s30+$0xB650];
	[tilespmem:s30+$0x8270] =	vst v7  }
0x7c: {  	v7 =	vld [tilespmem:s30+$0x6800]  }
0x7d: {  	v13 =	vld [tilespmem:s30+$0x8250]  }
0x7e: {  	v4 =	vld [tilespmem:s30+$0x6820]  }
0x7f: {  	v5 =	vld [tilespmem:s30+$0x9C20]  }
0x80: {  	v15 =	vld [tilespmem:s30+$0x8220]  }
0x81: {  	v16 =	vld [tilespmem:s30+$0xB620]  }
0x82: {  	v17 =	vld [tilespmem:s30+$0x13830]  }
0x83: {  	v18 =	vld [tilespmem:s30+$0x15030]  }
0x84: {  	v19 =	vld [tilespmem:s30+$0x6830]  }
0x85: {  	v15 =	vadd.f32 v15, v14;
	v20 =	vld [tilespmem:s30+$0x9C30]  }
0x86: {  	v14 =	vadd.f32 v16, v14;
	v16 =	vld [tilespmem:s30+$0x8230]  }
0x87: {  	[tilespmem:s30+$0x8220] =	vst v15;
	v15 =	vld [tilespmem:s30+$0xB630]  }
0x88: {  	[tilespmem:s30+$0xB620] =	vst v14;
	v14 =	vld [tilespmem:s30+$0x13840]  }
0x89: {  	v19 =	vadd.f32 v19, v17;
	v21 =	vld [tilespmem:s30+$0x15040]  }
0x8a: {  	v17 =	vadd.f32 v20, v17;
	v20 =	vld [tilespmem:s30+$0x6840]  }
0x8b: {  	[tilespmem:s30+$0x6830] =	vst v19;
	v16 =	vadd.f32 v16, v18;
	v19 =	vld [tilespmem:s30+$0x9C40]  }
0x8c: {  	[tilespmem:s30+$0x9C30] =	vst v17;
	v15 =	vadd.f32 v15, v18;
	v17 =	vld [tilespmem:s30+$0x8240]  }
0x8d: {  	[tilespmem:s30+$0x8230] =	vst v16;
	v16 =	vld [tilespmem:s30+$0xB640]  }
0x8e: {  	[tilespmem:s30+$0xB630] =	vst v15;
	v15 =	vld [tilespmem:s30+$0x13850]  }
0x8f: {  	v18 =	vadd.f32 v20, v14;
	v20 =	vld [tilespmem:s30+$0x15050]  }
0x90: {  	v14 =	vadd.f32 v19, v14;
	v19 =	vld [tilespmem:s30+$0x6850]  }
0x91: {  	[tilespmem:s30+$0x6840] =	vst v18;
	v17 =	vadd.f32 v17, v21;
	v18 =	vld [tilespmem:s30+$0x9C50]  }
0x92: {  	v22 =	vld [tilespmem:s30+$0x13800];
	[tilespmem:s30+$0x9C40] =	vst v14;
	v14 =	vadd.f32 v16, v21  }
0x93: {  	v16 =	vld [tilespmem:s30+$0x15000];
	[tilespmem:s30+$0x8240] =	vst v17  }
0x94: {  	[tilespmem:s30+$0xB640] =	vst v14;
	v13 =	vadd.f32 v13, v20;
	v11 =	vadd.f32 v11, v20;
	v14 =	vld [tilespmem:s30+$0x13860]  }
0x95: {  	v17 =	vadd.f32 v19, v15;
	v19 =	vld [tilespmem:s30+$0x15060]  }
0x96: {  	v15 =	vadd.f32 v18, v15;
	[tilespmem:s30+$0x8250] =	vst v13;
	v13 =	vld [tilespmem:s30+$0x6860]  }
0x97: {  	v7 =	vadd.f32 v7, v22;
	v18 =	vadd.f32 v8, v22;
	[tilespmem:s30+$0x6850] =	vst v17;
	v17 =	vld [tilespmem:s30+$0x9C60]  }
0x98: {  	v20 =	vadd.f32 v12, v16;
	v12 =	vadd.f32 v10, v16;
	[tilespmem:s30+$0x9C50] =	vst v15;
	v15 =	vld [tilespmem:s30+$0x8260]  }
0x99: {  	v8 =	vld [tilespmem:s30+$0x13810];
	[tilespmem:s30+$0xB650] =	vst v11  }
.Ltmp0:
0x9a: {  	[tilespmem:s30+$0x9C00] =	vst v18;
	v10 =	vld [tilespmem:s30+$0x6810];
	v16 =	vadd.f32 v9, v19;
	(pc) =	sbr.rel @p0 .LBB2_3-.Ltmp0, $4  }
0x9b: {  	[tilespmem:s30+$0xB600] =	vst v12;
	v12 =	vld [tilespmem:s30+$0x8210];
	v18 =	vadd.f32 v13, v14  }
0x9c: {  	[tilespmem:s30+$0x8200] =	vst v20;
	v14 =	vadd.f32 v17, v14;
	v9 =	vld [tilespmem:s30+$0x13870]  }
0x9d: {  	v11 =	vld [tilespmem:s30+$0xB610];
	v13 =	vadd.f32 v15, v19;
	[tilespmem:s30+$0xB660] =	vst v16  }
0x9e: {  	s1 =	sadd.s32 $0x200, s1;
	v15 =	vadd.f32 v6, v8;
	v6 =	vld [tilespmem:s30+$0x13820];
	[tilespmem:s30+$0x6860] =	vst v18  }
0x9f: {  	[tilespmem:s30+$0x9C60] =	vst v14  }
0xa0: {  	v14 =	vld [tilespmem:s30+$0xB670];
	[tilespmem:s30+$0x8260] =	vst v13  }
0xa1: {  	[tilespmem:s30+$0x6800] =	vst v7;
	v12 =	vadd.f32 v12, v1  }
0xa2: {  	[tilespmem:s30+$0x9C10] =	vst v15;
	v2 =	vadd.f32 v2, v9  }
0xa3: {  	[tilespmem:s30+$0x8210] =	vst v12;
	v1 =	vadd.f32 v11, v1  }
0xa4: {  	[tilespmem:s30+$0x9C70] =	vst v2;
	v2 =	vadd.f32 v5, v6  }
0xa5: {  	s0 =	sshll.u32 s28, $0x2;
	[tilespmem:s30+$0xB610] =	vst v1;
	v0 =	vadd.f32 v14, v0  }
0xa6: {  	s0 =	sadd.s32 s3, s0;
	v1 =	vadd.f32 v10, v8;
	[tilespmem:s30+$0x9C20] =	vst v2  }
0xa7: {  	s0 =	smul.u32 $0x3200, s0;
	[tilespmem:s30+$0xB670] =	vst v0;
	v0 =	vadd.f32 v3, v9  }
0xa8: {  	[tilespmem:s30+$0x6810] =	vst v1;
	v1 =	vadd.f32 v4, v6  }
0xa9: {  	s0 =	sshrl.u32 s0, $0x3;
	[tilespmem:s30+$0x6870] =	vst v0  }
0xaa: {  	s0 =	sadd.s32 s2, s0;
	[tilespmem:s30+$0x6820] =	vst v1  }
0xab: {  	[hbm4b:s0+s4] =	stream.linear.scatter [tilespmem:s15], [sflag:$0x2], $0x1A00, $0x38;
	[tilespmem:$0x16A00] =	vst v63  }
0xac: {  	s1 =	sadd.s32 $0x300, s0  }
0xad: {  	[hbm4b:s1+s4] =	stream.linear.scatter [tilespmem:s16], [sflag:$0x2], $0x1A00, $0x38;
	[tilespmem:$0x16A00] =	vst v63  }
0xae: {  	s1 =	sadd.s32 $0x640, s0  }
0xaf: {  	[hbm4b:s1+s4] =	stream.linear.scatter [tilespmem:s17], [sflag:$0x2], $0x1A00, $0x38;
	[tilespmem:$0x16A00] =	vst v63  }
0xb0: {  	s0 =	sadd.s32 $0x940, s0  }
0xb1: {  	[hbm4b:s0+s4] =	stream.linear.scatter [tilespmem:s19], [sflag:$0x2], $0x1A00, $0x38;
	[tilespmem:$0x16A00] =	vst v63  }
0xb2: {  	_ =	swait.ge [sflag:s20], $0x1A00  }
0xb3: {  	[sflag:s20] =	ssyncset.done $0x0  }
0xb4: {  	[sflag:s20] =	ssyncadd.s32 $0xFFFFE600  }
0xb5: {  	_ =	swait.ge [sflag:s20], $0x1A00  }
0xb6: {  	[sflag:s20] =	ssyncset.done $0x0  }
0xb7: {  	[sflag:s20] =	ssyncadd.s32 $0xFFFFE600  }
0xb8: {  	_ =	swait.ge [sflag:s20], $0x1A00  }
0xb9: {  	[sflag:s20] =	ssyncset.done $0x0  }
0xba: {  	[sflag:s20] =	ssyncadd.s32 $0xFFFFE600  }
0xbb: {  	_ =	swait.ge [sflag:s20], $0x1A00  }
0xbc: {  	[sflag:s20] =	ssyncset.done $0x0  }
0xbd: {  	[sflag:s20] =	ssyncadd.s32 $0xFFFFE600  }
0xbe: {  	_ =	swait.ge [sflag:s25], $0x1A00  }
0xbf: {  	[sflag:s25] =	ssyncset.done $0x0  }
0xc0: {  	[sflag:s25] =	ssyncadd.s32 $0xFFFFE600  }
0xc1: {  	_ =	swait.ge [sflag:s25], $0x1A00  }
0xc2: {  	[sflag:s25] =	ssyncset.done $0x0  }
0xc3: {  	[sflag:s25] =	ssyncadd.s32 $0xFFFFE600  }
0xc4: {  	_ =	swait.ge [sflag:s25], $0x1A00  }
0xc5: {  	[sflag:s25] =	ssyncset.done $0x0  }
0xc6: {  	p0 =	seq.s32 s28, $0x1F;
	[sflag:s25] =	ssyncadd.s32 $0xFFFFE600  }
0xc7: {  	s0 =	smul.u32 @!p0 $0x1A0, s28;
	_ =	swait.ge [sflag:s25], $0x1A00  }
0xc8: {  	s31 =	simm.s32 @!p0 $0x6800;
	[sflag:s25] =	ssyncset.done $0x0  }
0xc9: {  	s30 =	simm.s32 @!p0 $0x68;
	s1 =	sadd.s32 @!p0 $0x1A0, s0;
	[sflag:s25] =	ssyncadd.s32 $0xFFFFE600  }
0xca: {  	[tilespmem:s31], [sflag:$0x1] =	stream.indirect.gather @!p0 [hbm4b:s6+s30], $0x40, s1, s30, $0xb8;
	[tilespmem:$0x16A00] =	vst v63  }
0xcb: {  	s1 =	sadd.s32 @!p0 $0x35A0, s0;
	s31 =	simm.s32 @!p0 $0x8200  }
0xcc: {  	[tilespmem:s31], [sflag:$0x1] =	stream.indirect.gather @!p0 [hbm4b:s6+s30], $0x40, s1, s30, $0xb8;
	[tilespmem:$0x16A00] =	vst v63  }
0xcd: {  	s1 =	sadd.s32 @!p0 $0x208, s0;
	s31 =	simm.s32 @!p0 $0x9C00  }
0xce: {  	[tilespmem:s31], [sflag:$0x1] =	stream.indirect.gather @!p0 [hbm4b:s6+s30], $0x40, s1, s30, $0xb8;
	[tilespmem:$0x16A00] =	vst v63  }
0xcf: {  	s0 =	sadd.s32 @!p0 $0x3608, s0;
	s1 =	simm.s32 @!p0 $0xB600  }
0xd0: {  	[tilespmem:s1], [sflag:$0x1] =	stream.indirect.gather @!p0 [hbm4b:s6+s30], $0x40, s0, s30, $0xb8;
	[tilespmem:$0x16A00] =	vst v63  }
0xd1: {  	s30 =	simm.s32 $0x0  }
0xd2: {  	v6 =	vld [tilespmem:s30+$0x15020]  }
0xd3: {  	v1 =	vld [tilespmem:s30+$0x15010]  }
0xd4: {  	v3 =	vld [tilespmem:s30+$0xEA70]  }
0xd5: {  	v0 =	vld [tilespmem:s30+$0x15070]  }
0xd6: {  	v15 =	vld [tilespmem:s30+$0x10410]  }
0xd7: {  	v7 =	vld [tilespmem:s30+$0x11E00]  }
0xd8: {  	v2 =	vld [tilespmem:s30+$0x10470]  }
0xd9: {  	v9 =	vld [tilespmem:s30+$0xEA00]  }
0xda: {  	v8 =	vld [tilespmem:s30+$0x10400]  }
0xdb: {  	v11 =	vld [tilespmem:s30+$0x11E60]  }
0xdc: {  	v10 =	vld [tilespmem:s30+$0x11E50]  }
0xdd: {  	v13 =	vld [tilespmem:s30+$0xD000]  }
0xde: {  	v12 =	vld [tilespmem:s30+$0xEA50]  }
0xdf: {  	v5 =	vld [tilespmem:s30+$0x10420]  }
0xe0: {  	v14 =	vld [tilespmem:s30+$0xEA20]  }
0xe1: {  	v16 =	vld [tilespmem:s30+$0x11E20]  }
0xe2: {  	v17 =	vld [tilespmem:s30+$0x13830]  }
0xe3: {  	v18 =	vld [tilespmem:s30+$0x15030]  }
0xe4: {  	v19 =	vld [tilespmem:s30+$0xD030]  }
0xe5: {  	v20 =	vld [tilespmem:s30+$0x10430]  }
0xe6: {  	v21 =	vld [tilespmem:s30+$0xEA30]  }
0xe7: {  	v53 =	vld [tilespmem:s30+$0x15040]  }
0xe8: {  	v22 =	vld [tilespmem:s30+$0xD040]  }
0xe9: {  	v55 =	vld [tilespmem:s30+$0x11E40]  }
0xea: {  	v57 =	vld [tilespmem:s30+$0x15050];
	v14 =	vadd.f32 v14, v6  }
0xeb: {  	v58 =	vld [tilespmem:s30+$0xD050];
	v6 =	vadd.f32 v16, v6  }
0xec: {  	v16 =	vadd.f32 v19, v17;
	[tilespmem:s30+$0xEA20] =	vst v14;
	v14 =	vld [tilespmem:s30+$0x11E30]  }
0xed: {  	[tilespmem:s30+$0x11E20] =	vst v6;
	v6 =	vld [tilespmem:s30+$0x13840]  }
0xee: {  	v4 =	vadd.f32 v3, v0;
	[tilespmem:s30+$0xD030] =	vst v16;
	v16 =	vld [tilespmem:s30+$0x10440]  }
0xef: {  	v60 =	vld [tilespmem:s30+$0x15000];
	v17 =	vadd.f32 v20, v17  }
0xf0: {  	v59 =	vld [tilespmem:s30+$0x13800];
	v54 =	vadd.f32 v21, v18;
	[tilespmem:s30+$0xEA70] =	vst v4  }
0xf1: {  	v10 =	vadd.f32 v10, v57;
	[tilespmem:s30+$0x10430] =	vst v17;
	v17 =	vld [tilespmem:s30+$0xEA40]  }
0xf2: {  	v61 =	vld [tilespmem:s30+$0x15060];
	[tilespmem:s30+$0xEA30] =	vst v54;
	v14 =	vadd.f32 v14, v18  }
0xf3: {  	v62 =	vld [tilespmem:s30+$0xEA60];
	[tilespmem:s30+$0x11E50] =	vst v10;
	v56 =	vadd.f32 v22, v6;
	v6 =	vadd.f32 v16, v6  }
0xf4: {  	v7 =	vadd.f32 v7, v60;
	[tilespmem:s30+$0x11E30] =	vst v14;
	v14 =	vld [tilespmem:s30+$0x13850]  }
0xf5: {  	v16 =	vld [tilespmem:s30+$0x10450];
	[tilespmem:s30+$0x10440] =	vst v6;
	v6 =	vadd.f32 v55, v53  }
0xf6: {  	v3 =	vld [tilespmem:s30+$0xD070];
	[tilespmem:s30+$0x11E00] =	vst v7;
	v17 =	vadd.f32 v17, v53  }
0xf7: {  	v4 =	vld [tilespmem:s30+$0xD020];
	[tilespmem:s30+$0x11E40] =	vst v6;
	v6 =	vadd.f32 v12, v57  }
0xf8: {  	v9 =	vadd.f32 v9, v60;
	[tilespmem:s30+$0xEA40] =	vst v17;
	v17 =	vld [tilespmem:s30+$0x13860]  }
0xf9: {  	[tilespmem:s30+$0xEA50] =	vst v6;
	v6 =	vld [tilespmem:s30+$0xD060];
	v12 =	vadd.f32 v58, v14  }
0xfa: {  	[tilespmem:s30+$0xEA00] =	vst v9;
	v7 =	vadd.f32 v11, v61;
	v14 =	vadd.f32 v16, v14;
	v16 =	vld [tilespmem:s30+$0x10460]  }
0xfb: {  	[tilespmem:s30+$0xD050] =	vst v12;
	v12 =	vadd.f32 v8, v59;
	v8 =	vld [tilespmem:s30+$0x13810]  }
0xfc: {  	v10 =	vld [tilespmem:s30+$0xD010];
	[tilespmem:s30+$0x11E60] =	vst v7  }
0xfd: {  	[tilespmem:s30+$0x10400] =	vst v12;
	v12 =	vld [tilespmem:s30+$0xEA10]  }
0xfe: {  	v9 =	vld [tilespmem:s30+$0x13870];
	[tilespmem:s30+$0xD040] =	vst v56;
	v63 =	vadd.f32 v6, v17  }
0xff: {  	v11 =	vld [tilespmem:s30+$0x11E10];
	v7 =	vadd.f32 v13, v59;
	[tilespmem:s30+$0x10450] =	vst v14;
	v14 =	vadd.f32 v16, v17  }
0x100: {  	s31 =	simm.s32 $0x0;
	s1 =	simm.s32 $0x200;
	v13 =	vadd.f32 v62, v61;
	v6 =	vld [tilespmem:s30+$0x13820];
	[tilespmem:s30+$0xD060] =	vst v63;
	v15 =	vadd.f32 v15, v8  }
.LBB2_5:
0x101: {  	s0 =	sshra.s32 s1, $0x2;
	s31 =	sadd.s32 $0x2, s31;
	v8 =	vadd.f32 v10, v8;
	[tilespmem:s30+$0x10460] =	vst v14;
	v10 =	vld [tilespmem:s30+$0x11E70]  }
0x102: {  	v14 =	vld [tilespmem:s0+$0x15020];
	p0 =	slt.u32 s31, $0x66;
	[tilespmem:s30+$0x10410] =	vst v15;
	v12 =	vadd.f32 v12, v1  }
0x103: {  	v15 =	vld [tilespmem:s0+$0x15010];
	[tilespmem:s30+$0xEA60] =	vst v13;
	v3 =	vadd.f32 v3, v9;
	v2 =	vadd.f32 v2, v9  }
0x104: {  	v9 =	vld [tilespmem:s0+$0xEA70];
	[tilespmem:s30+$0xEA10] =	vst v12;
	v1 =	vadd.f32 v11, v1  }
0x105: {  	v11 =	vld [tilespmem:s0+$0x15070];
	[tilespmem:s30+$0xD000] =	vst v7;
	v4 =	vadd.f32 v4, v6;
	v5 =	vadd.f32 v5, v6  }
0x106: {  	v6 =	vld [tilespmem:s0+$0x10410];
	[tilespmem:s30+$0x11E10] =	vst v1;
	v0 =	vadd.f32 v10, v0  }
0x107: {  	v10 =	vld [tilespmem:s0+$0x11E00];
	[tilespmem:s30+$0x10470] =	vst v2  }
0x108: {  	v2 =	vld [tilespmem:s0+$0x10470];
	[tilespmem:s30+$0x11E70] =	vst v0;
	v1 =	vmov v15  }
0x109: {  	v12 =	vld [tilespmem:s0+$0xEA00];
	[tilespmem:s30+$0xD010] =	vst v8  }
0x10a: {  	v8 =	vld [tilespmem:s0+$0x10400];
	v7 =	vadd.f32 v9, v11;
	[tilespmem:s30+$0x10420] =	vst v5;
	v0 =	vmov v11  }
0x10b: {  	v9 =	vld [tilespmem:s0+$0x11E60];
	[tilespmem:s30+$0xD070] =	vst v3  }
0x10c: {  	v3 =	vld [tilespmem:s0+$0xD070];
	[tilespmem:s30+$0xD020] =	vst v4;
	s30 =	smov.u32 s0  }
0x10d: {  	v11 =	vld [tilespmem:s30+$0x11E50];
	[tilespmem:s30+$0xEA70] =	vst v7  }
0x10e: {  	v7 =	vld [tilespmem:s30+$0xD000]  }
0x10f: {  	v13 =	vld [tilespmem:s30+$0xEA50]  }
0x110: {  	v4 =	vld [tilespmem:s30+$0xD020]  }
0x111: {  	v5 =	vld [tilespmem:s30+$0x10420]  }
0x112: {  	v15 =	vld [tilespmem:s30+$0xEA20]  }
0x113: {  	v16 =	vld [tilespmem:s30+$0x11E20]  }
0x114: {  	v17 =	vld [tilespmem:s30+$0x13830]  }
0x115: {  	v18 =	vld [tilespmem:s30+$0x15030]  }
0x116: {  	v19 =	vld [tilespmem:s30+$0xD030]  }
0x117: {  	v15 =	vadd.f32 v15, v14;
	v20 =	vld [tilespmem:s30+$0x10430]  }
0x118: {  	v14 =	vadd.f32 v16, v14;
	v16 =	vld [tilespmem:s30+$0xEA30]  }
0x119: {  	[tilespmem:s30+$0xEA20] =	vst v15;
	v15 =	vld [tilespmem:s30+$0x11E30]  }
0x11a: {  	[tilespmem:s30+$0x11E20] =	vst v14;
	v14 =	vld [tilespmem:s30+$0x13840]  }
0x11b: {  	v19 =	vadd.f32 v19, v17;
	v21 =	vld [tilespmem:s30+$0x15040]  }
0x11c: {  	v17 =	vadd.f32 v20, v17;
	v20 =	vld [tilespmem:s30+$0xD040]  }
0x11d: {  	[tilespmem:s30+$0xD030] =	vst v19;
	v16 =	vadd.f32 v16, v18;
	v19 =	vld [tilespmem:s30+$0x10440]  }
0x11e: {  	[tilespmem:s30+$0x10430] =	vst v17;
	v15 =	vadd.f32 v15, v18;
	v17 =	vld [tilespmem:s30+$0xEA40]  }
0x11f: {  	[tilespmem:s30+$0xEA30] =	vst v16;
	v16 =	vld [tilespmem:s30+$0x11E40]  }
0x120: {  	[tilespmem:s30+$0x11E30] =	vst v15;
	v15 =	vld [tilespmem:s30+$0x13850]  }
0x121: {  	v18 =	vadd.f32 v20, v14;
	v20 =	vld [tilespmem:s30+$0x15050]  }
0x122: {  	v14 =	vadd.f32 v19, v14;
	v19 =	vld [tilespmem:s30+$0xD050]  }
0x123: {  	[tilespmem:s30+$0xD040] =	vst v18;
	v17 =	vadd.f32 v17, v21;
	v18 =	vld [tilespmem:s30+$0x10450]  }
0x124: {  	v22 =	vld [tilespmem:s30+$0x13800];
	[tilespmem:s30+$0x10440] =	vst v14;
	v14 =	vadd.f32 v16, v21  }
0x125: {  	v16 =	vld [tilespmem:s30+$0x15000];
	[tilespmem:s30+$0xEA40] =	vst v17  }
0x126: {  	[tilespmem:s30+$0x11E40] =	vst v14;
	v13 =	vadd.f32 v13, v20;
	v11 =	vadd.f32 v11, v20;
	v14 =	vld [tilespmem:s30+$0x13860]  }
0x127: {  	v17 =	vadd.f32 v19, v15;
	v19 =	vld [tilespmem:s30+$0x15060]  }
0x128: {  	v15 =	vadd.f32 v18, v15;
	[tilespmem:s30+$0xEA50] =	vst v13;
	v13 =	vld [tilespmem:s30+$0xD060]  }
0x129: {  	v7 =	vadd.f32 v7, v22;
	v18 =	vadd.f32 v8, v22;
	[tilespmem:s30+$0xD050] =	vst v17;
	v17 =	vld [tilespmem:s30+$0x10460]  }
0x12a: {  	v20 =	vadd.f32 v12, v16;
	v12 =	vadd.f32 v10, v16;
	[tilespmem:s30+$0x10450] =	vst v15;
	v15 =	vld [tilespmem:s30+$0xEA60]  }
0x12b: {  	v8 =	vld [tilespmem:s30+$0x13810];
	[tilespmem:s30+$0x11E50] =	vst v11  }
.Ltmp1:
0x12c: {  	[tilespmem:s30+$0x10400] =	vst v18;
	v10 =	vld [tilespmem:s30+$0xD010];
	v16 =	vadd.f32 v9, v19;
	(pc) =	sbr.rel @p0 .LBB2_5-.Ltmp1, $4  }
0x12d: {  	[tilespmem:s30+$0x11E00] =	vst v12;
	v12 =	vld [tilespmem:s30+$0xEA10];
	v18 =	vadd.f32 v13, v14  }
0x12e: {  	[tilespmem:s30+$0xEA00] =	vst v20;
	v14 =	vadd.f32 v17, v14;
	v9 =	vld [tilespmem:s30+$0x13870]  }
0x12f: {  	v11 =	vld [tilespmem:s30+$0x11E10];
	v13 =	vadd.f32 v15, v19;
	[tilespmem:s30+$0x11E60] =	vst v16  }
0x130: {  	s1 =	sadd.s32 $0x200, s1;
	v15 =	vadd.f32 v6, v8;
	v6 =	vld [tilespmem:s30+$0x13820];
	[tilespmem:s30+$0xD060] =	vst v18  }
0x131: {  	[tilespmem:s30+$0x10460] =	vst v14  }
0x132: {  	[tilespmem:s30+$0xEA60] =	vst v13  }
0x133: {  	[tilespmem:s30+$0xD000] =	vst v7;
	v60 =	vadd.f32 v10, v8  }
0x134: {  	[tilespmem:s30+$0x10410] =	vst v15;
	v12 =	vadd.f32 v12, v1  }
0x135: {  	v58 =	vld [tilespmem:s30+$0x11E70];
	v2 =	vadd.f32 v2, v9;
	[tilespmem:s30+$0xD010] =	vst v60  }
0x136: {  	v62 =	vadd.f32 v3, v9;
	[tilespmem:s30+$0xEA10] =	vst v12  }
0x137: {  	s0 =	sshll.u32 s29, $0x1;
	v59 =	vadd.f32 v11, v1;
	[tilespmem:s30+$0x10470] =	vst v2  }
0x138: {  	s0 =	sadd.s32 s3, s0;
	v61 =	vadd.f32 v5, v6;
	[tilespmem:s30+$0xD070] =	vst v62  }
0x139: {  	s0 =	smul.u32 $0x3200, s0;
	v63 =	vadd.f32 v4, v6;
	[tilespmem:s30+$0x11E10] =	vst v59  }
0x13a: {  	v0 =	vadd.f32 v58, v0;
	[tilespmem:s30+$0x10420] =	vst v61  }
0x13b: {  	s0 =	sshrl.u32 s0, $0x3;
	[tilespmem:s30+$0xD020] =	vst v63  }
0x13c: {  	s28 =	sadd.s32 $0x1, s28;
	s0 =	sadd.s32 s2, s0;
	[tilespmem:s30+$0x11E70] =	vst v0  }
0x13d: {  	[hbm4b:s0+s4] =	stream.linear.scatter [tilespmem:s21], [sflag:$0x2], $0x1A00, $0x38;
	[tilespmem:$0x16A00] =	vst v63  }
0x13e: {  	p0 =	sne.s32 s28, $0x20;
	s1 =	sadd.s32 $0x300, s0  }
0x13f: {  	[hbm4b:s1+s4] =	stream.linear.scatter [tilespmem:s22], [sflag:$0x2], $0x1A00, $0x38;
	[tilespmem:$0x16A00] =	vst v63  }
.Ltmp2:
0x140: {  	_ = 	snop;
	(pc) =	sbr.rel @p0 .LBB2_2-.Ltmp2, $4  }
0x141: {  	s31 =	sadd.s32 $0x640, s0  }
0x142: {  	[hbm4b:s31+s4] =	stream.linear.scatter [tilespmem:s23], [sflag:$0x2], $0x1A00, $0x38;
	[tilespmem:$0x16A00] =	vst v63  }
0x143: {  	s0 =	sadd.s32 $0x940, s0  }
0x144: {  	[hbm4b:s0+s4] =	stream.linear.scatter [tilespmem:s24], [sflag:$0x2], $0x1A00, $0x38;
	[tilespmem:$0x16A00] =	vst v63  }
0x145: {  	_ =	swait.ge [sflag:s25], $0x1A00  }
0x146: {  	[sflag:s25] =	ssyncset.done $0x0  }
0x147: {  	[sflag:s25] =	ssyncadd.s32 $0xFFFFE600  }
0x148: {  	_ =	swait.ge [sflag:s25], $0x1A00  }
0x149: {  	[sflag:s25] =	ssyncset.done $0x0  }
0x14a: {  	s26 =	sadd.s32 $0x1, s26;
	[sflag:s25] =	ssyncadd.s32 $0xFFFFE600  }
0x14b: {  	p0 =	sne.s32 s26, s9;
	_ =	swait.ge [sflag:s25], $0x1A00  }
.Ltmp3:
0x14c: {  	[sflag:s25] =	ssyncset.done $0x0;
	(pc) =	sbr.rel @p0 .LBB2_1-.Ltmp3, $4  }
0x14d: {  	[sflag:s25] =	ssyncadd.s32 $0xFFFFE600  }
0x14e: {  	_ =	swait.ge [sflag:s25], $0x1A00  }
0x14f: {  	[sflag:s25] =	ssyncset.done $0x0  }
0x150: {  	[sflag:s25] =	ssyncadd.s32 $0xFFFFE600  }
0x151: {  	_ =	sfence.sel $0x180000  }
0x152: {  	[bflag:$0x0] =	sbarrier.arrive $0xFFFF  }
0x153: {  	_ =	strace $0x90000047  }
0x154: {  	s0 =	stileid.u32;
	[bflag:$0x2] =	sbarrier.arrive $0xFFFF  }
0x155: {  	p0 =	sne.s32 s0, $0x0;
	s0 =	rddreg [dreg:$0x2]  }
0x156: {  	s0 =	sadd.s32 @!p0 $0x100000, s0  }
0x157: {  	[sflag:s0] =	ssyncadd.tile.s32 @!p0 $0x1;
	_ =	shalt  }
.Lfunc_end2:
_tile_overlayer_lowered:
.L_overlay_start_2:
0x158: {  	(tag) =	ssettag $0x2  }
0x159: {  	s0 =	rddreg [dreg:$0x0];
	s2 =	stileid.u32  }
0x15a: {  	s1 =	rddreg [dreg:$0x1];
	p0 =	sne.s32 s2, $0x0  }
0x15b: {  	s3 =	rddreg [dreg:$0x2];
	[bflag:$0x3] =	sbarrier.arrive $0xFFFF;
	s2 =	simm.s32 @!p0 $0x1C03  }
0x15c: {  	[timem:s3], [sflag:s2] =	dma.local @!p0 [hbm:s0], s1  }
0x15d: {  	s0 =	simm.s32 @!p0 $0x3  }
0x15e: {  	_ =	swait.ge @!p0 [sflag:s0], s1  }
0x15f: {  	s1 =	ssub.s32 @!p0 $0x0, s1;
	[sflag:s0] =	ssyncset.done @!p0 $0x0  }
0x160: {  	[sflag:s0] =	ssyncadd.s32 @!p0 s1  }
0x161: {  	[bflag:$0x3] =	sbarrier.arrive $0xFFFF  }
0x162: {  	_ =	shalt  }

// kernel: sparse-core-data-format-call.cloned.1.call-start
scs
called_computation_lowered:
.L_overlay_start_0:
0x0: {  	s2 =	sld [smem:$0x3FD9]  }
0x1: {  	s3 =	sld [smem:$0x3FFE];
	_ =	sdelay $0x1  }
0x2: {  	s1 =	srdreg.scid  }
0x3: {  	s0 =	sand.u32 $0x1, s1  }
0x4: {  	s18 =	sshll.u32 s0, $0xA;
	s2 =	sadd.s32 s3, s2  }
0x5: {  	s2 =	sadd.s32 s2, s18  }
0x6: {  	[smem:$0x3FC6] =	sst s2  }
0x7: {  	_ = 	snop  }
0x8: {  	s2 =	sld [smem:$0x3FD0];
	(tm) =	ssettm $0x1  }
0x9: {  	s19 =	sld [smem:$0x3FFB];
	_ =	sdelay $0x3  }
0xa: {  	_ =	strace s19  }
0xb: {  	s3 =	sld [smem:$0x3FFC];
	_ =	sdelay $0x3  }
0xc: {  	_ =	strace s3  }
0xd: {  	s3 =	sld [smem:$0x3FFD];
	_ =	sdelay $0x3  }
0xe: {  	_ =	strace s3  }
0xf: {  	_ =	strace $0x8FFFFFFF  }
0x10: {  	s20 =	sld [smem:$0x3FDB];
	_ =	sdelay $0x1  }
0x11: {  	s4 =	simm.s32 $_scs_section_size  }
0x12: {  	s5 =	simm.s32 $_size__tile_overlayer_lowered;
	s6 =	simm.s32 $_tile_overlayer_lowered  }
0x13: {  	s23 =	simm.s32 $0x1BFF;
	s22 =	sshll.u32 s6, $0x1;
	s3 =	sadd.s32 s4, s20  }
0x14: {  	s7 =	simm.s32 $0x0;
	s21 =	sshll.u32 s5, $0x1;
	s5 =	sadd.s32 s22, s3  }
0x15: {  	[timem:s7], [sflag:s23] =	dma.local [hbm:s5], s21  }
0x16: {  	_ =	swait.ge [sflag:s23], s21  }
0x17: {  	s4 =	ssub.s32 $0x0, s21;
	[sflag:s23] =	ssyncset.done $0x0  }
0x18: {  	[sflag:s23] =	ssyncadd.s32 s4;
	_ =	sdelay $0x1  }
0x19: {  	s24 =	simm.s32 $0x1B8B  }
0x1a: {  	_ =	swait.ge [sflag:s24], $0x1  }
0x1b: {  	[sflag:s24] =	ssyncset.done $0x0  }
0x1c: {  	s26 =	simm.s32 $0x1B8E;
	s25 =	sld [smem:$0x3FFE];
	[sflag:s24] =	ssyncadd.s32 $0xFFFFFFFF  }
0x1d: {  	s27 =	simm.s32 $execute0_lowered;
	[smem:$0x3FD2] =	sst s26  }
0x1e: {  	s5 =	sshll.u32 s27, $0x1;
	_ =	strace $0x80000049;
	[dreg:$0x1] =	wrdreg $0xFFFFFFFF  }
0x1f: {  	s28 =	simm.s32 $_size_execute0_lowered;
	s3 =	sadd.s32 s3, s5;
	[dreg:$0x0] =	wrdreg $0x0  }
0x20: {  	s5 =	sshll.u32 s28, $0x1;
	[dreg:$0x2] =	wrdreg s3  }
0x21: {  	[dreg:$0x3] =	wrdreg s5  }
0x22: {  	[dreg:$0x4] =	wrdreg $0xC0  }
0x23: {  	_ =	task [dreg:s7], $0x5FFFF  }
0x24: {  	[dreg:$0x1] =	wrdreg $0xFFFFFFFF  }
0x25: {  	[dreg:$0x0] =	wrdreg $0x60  }
0x26: {  	[dreg:$0x2] =	wrdreg s25  }
0x27: {  	[dreg:$0x3] =	wrdreg s2  }
0x28: {  	[dreg:$0x4] =	wrdreg $0x9  }
0x29: {  	_ =	task.clear_ibuf [dreg:s7], $0x5FFFF;
	_ =	strace $0x90000049  }
0x2a: {  	s29 =	simm.s32 $0x9;
	_ =	strace $0x8000004B  }
0x2b: {  	_ =	swait.ge [sflag:s29], $0x1  }
0x2c: {  	[sflag:s29] =	ssyncadd.s32 $0xFFFFFFFF  }
0x2d: {  	_ =	strace $0x9000004B  }
0x2e: {  	_ =	sfence  }
0x2f: {  	s30 =	sld [smem:$0x0];
	_ =	sdelay $0x2  }
0x30: {  	s31 =	sshll.u32 s1, $0xD;
	s1 =	sshrl.u32 s1, $0x2  }
0x31: {  	s3 =	sand.u32 $0x4000, s31;
	s1 =	sadd.s32 s1, s30  }
0x32: {  	s0 =	sor.u32 s3, s0;
	s1 =	sshll.u32 s1, $0x11  }
0x33: {  	s0 =	sor.u32 s1, s0  }
0x34: {  	s0 =	sadd.s32 $0x8F2B, s0  }
0x35: {  	[sflag:s0] =	ssyncadd.remote.s32 $0x1  }
0x36: {  	_ =	sfence.sel $0xFFFF  }
0x37: {  	[dreg:$0x0] =	wrdreg $0xFFFFFFFF;
	(pc) =	sbr.abs _section_cstart, $3  }
0x38: {  	[dreg:$0x1] =	wrdreg $0xFFFFFFFF  }
0x39: {  	_ =	task.clear_ibuf [dreg:s7], $0x2FFFF;
	_ =	strace $0x9FFFFFFF  }
0x3a: {  	(tm) =	ssettm $0x7FFFFFFF  }
0x3b: {  	_ =	shalt  }
tec
execute0_lowered:
.L_overlay_start_1:
0x0: {  	(tag) =	ssettag $0x1  }
0x1: {  	s0 =	srdreg.scid  }
0x2: {  	s1 =	sshll.u32 s0, $0x4  }
0x3: {  	s0 =	stileid.u32;
	s1 =	sand.u32 $0x10, s1  }
0x4: {  	s1 =	sor.u32 s0, s1  }
0x5: {  	s6 =	rddreg [dreg:$0x0];
	s4 =	simm.s32 $0x1;
	s2 =	sshll.u32 s1, $0x7  }
0x6: {  	s7 =	simm.s32 $0x2;
	s12 =	simm.s32 $0x0;
	s1 =	ssub.s32 $0x1000, s2  }
0x7: {  	s8 =	simm.s32 $0x8000;
	s13 =	simm.s32 $0x0;
	s3 =	sand.u32 $0xF80, s1  }
0x8: {  	s9 =	simm.s32 $0x0;
	s5 =	sshrl.u32 s1, $0xC;
	p0 =	sne.s32 s3, $0x0  }
.Ltmp0:
0x9: {  	s1 =	rddreg [dreg:$0x2];
	s4 =	simm.s32 @!p0 $0x0;
	(pc) =	sbr.rel .LBB1_1-.Ltmp0, $4  }
0xa: {  	s11 =	simm.s32 $0x0;
	s3 =	rddreg [dreg:$0x1];
	s5 =	sadd.s32 s4, s5  }
0xb: {  	_ =	strace $0x8000004A;
	s4 =	simm.s32 $0x1;
	s5 =	smul.u32 $0xC8, s5  }
0xc: {  	s6 =	sadd.s32 $0xC00, s6;
	s10 =	smov.u32 s2;
	[sflag:s4] =	ssyncpa.u1 $0x0  }
0xd: {  	p0 =	por $0x0, $0x0;
	[sflag:s7] =	ssyncpa.u1 $0x0;
	s7 =	sor.u32 $0x1, s5  }
.LBB1_4:
0xe: {  	s16 =	sshll.u32 s13, $0x3;
	s17 =	sand.u32 $0x78, s13  }
0xf: {  	s30 =	sand.u32 $0x7E00, s13;
	s12 =	sshll.u32 s12, $0xF;
	s16 =	sand.u32 $0xC00, s16  }
0x10: {  	[tilespmem:s15+$0x810 ss:$0x81] =	vst.msk $0xffff, v2;
	s31 =	sand.u32 $0x7, s13;
	s16 =	sor.u32 s17, s16;
	s17 =	sadd.s32 s3, s30  }
0x11: {  	[tilespmem:s15+$0x1020 ss:$0x81] =	vst.msk $0xffff, v0;
	s13 =	sshll.u32 s31, $0x12;
	s12 =	sadd.s32 s12, s17;
	s16 =	sshrl.u32 s16, $0x3  }
0x12: {  	[tilespmem:s15+$0x0 ss:$0x81] =	vst.msk $0xffff, v1;
	s13 =	sor.u32 $0x400, s13;
	s12 =	sadd.s32 s16, s12  }
0x13: {  	[hbm4b:s12+s13] =	stream.strided.scatter [tilespmem:s14], [sflag:$0x2], $0x2000, s8, s13, $0x20;
	[tilespmem:$0x8080] =	vst v63  }
.LBB1_5:
0x14: {  	s14 =	sadd.s32 $0x1, s9  }
0x15: {  	s12 =	sadd.s32 $0x1000, s10;
	s16 =	smov.u32 s10;
	p2 =	sgt.s32 s14, $0xC7  }
0x16: {  	s16 =	smov.u32 @p2 s12  }
0x17: {  	s14 =	simm.s32 @p2 $0x0;
	p2 =	sgt.s32 s16, $0xFFF  }
0x18: {  	s16 =	smov.u32 @p2 s2;
	p2 =	sne.s32 s11, s7  }
.Ltmp1:
0x19: {  	p1 =	slt.u32 s11, $0x2;
	(pc) =	sbr.rel @!p2 .LBB1_6-.Ltmp1, $4  }
0x1a: {  	s15 =	simm.s32 @!p1 $0x2  }
0x1b: {  	s13 =	smov.u32 s10;
	p0 =	por !p0, !p0;
	_ =	swait.ge @!p1 [sflag:s15], $0x2000  }
0x1c: {  	s12 =	smov.u32 s9;
	[sflag:s15] =	ssyncset.done @!p1 $0x0;
	s9 =	smov.u32 s14  }
0x1d: {  	s11 =	sadd.s32 $0x1, s11;
	[sflag:s15] =	ssyncadd.s32 @!p1 $0xFFFFE000;
	s10 =	smov.u32 s16  }
.LBB1_1:
0x1e: {  	p1 =	sge.u32 s11, s5  }
0x1f: {  	s14 =	sand.u32 @!p1 $0x1FFFFFF, s9  }
0x20: {  	s15 =	smulhi.u32 @!p1 $0x147AE15, s14;
	_ =	sdelay $0x1  }
0x21: {  	s15 =	smul.u32 @!p1 $0xC8, s15  }
0x22: {  	s16 =	sxor.u32 @!p1 $0xFFFFFFFF, s11;
	s17 =	smul.u32 @!p1 $0xC80, s10  }
0x23: {  	s31 =	sadd.s32 $0xFFFFFFFF, s11;
	s16 =	sshll.u32 @!p1 s16, $0xD;
	s14 =	ssub.s32 @!p1 s14, s15  }
0x24: {  	s15 =	sand.u32 @!p1 $0x2000, s16;
	s16 =	sadd.s32 @!p1 s6, s17;
	s14 =	sshll.u32 @!p1 s14, $0x4  }
0x25: {  	s17 =	simm.s32 @!p1 $0x6400;
	s14 =	sadd.s32 @!p1 s14, s16;
	s16 =	simm.s32 @!p1 $0x40  }
0x26: {  	[tilespmem:s15], [sflag:$0x1] =	stream.strided.gather @!p1 [hbm4b:s14+s16], $0x2000, s17, s16, $0x38;
	[tilespmem:$0x8080] =	vst v63  }
0x27: {  	p1 =	sge.u32 s31, s5  }
.Ltmp2:
0x28: {  	_ = 	snop;
	(pc) =	sbr.rel @p1 .LBB1_5-.Ltmp2, $1  }
0x29: {  	_ =	sdelay $0x3  }
0x2a: {  	s14 =	simm.s32 $0x1  }
0x2b: {  	_ =	swait.ge [sflag:s4], $0x2000;
	s14 =	simm.s32 @!p0 $0x0  }
0x2c: {  	[sflag:s4] =	ssyncset.done $0x0;
	s15 =	sshll.u32 s14, $0xD  }
0x2d: {  	[sflag:s4] =	ssyncadd.s32 $0xFFFFE000;
	s18 =	sor.u32 $0x20, s15  }
0x2e: {  	s14 =	smul.u32 $0x8100, s14;
	v3 =	vld [tilespmem:s18+$0x10]  }
0x2f: {  	s30 =	sand.u32 $0x1, s11;
	v2 =	vld [tilespmem:s18+$0xFFFFFFF0]  }
0x30: {  	s15 =	smul.u32 $0x8100, s30;
	s14 =	sshrl.u32 s14, $0x2;
	v0 =	vld [tilespmem:s18+$0x0]  }
0x31: {  	v1 =	vld [tilespmem:s18+$0xFFFFFFE0];
	s16 =	sor.u32 $0x4000, s14  }
0x32: {  	s31 =	sshrl.u32 s15, $0x2;
	s15 =	sadd.s32 $0x0, s16  }
0x33: {  	s17 =	simm.s32 $0x4;
	s18 =	sadd.s32 $0x40, s18;
	s14 =	sor.u32 $0x4000, s31;
	[tilespmem:s15+$0x1830 ss:$0x81] =	vst.msk $0xffff, v3  }
.LBB1_3:
0x34: {  	v3 =	vld [tilespmem:s18+$0x10];
	p1 =	sne.s32 s17, $0x1FC;
	[tilespmem:s15+$0x810 ss:$0x81] =	vst.msk $0xffff, v2;
	s19 =	smov.u32 s17;
	s17 =	sadd.s32 $0x4, s17  }
.Ltmp3:
0x35: {  	v2 =	vld [tilespmem:s18+$0xFFFFFFF0];
	[tilespmem:s15+$0x1020 ss:$0x81] =	vst.msk $0xffff, v0;
	(pc) =	sbr.rel @p1 .LBB1_3-.Ltmp3, $4  }
0x36: {  	v0 =	vld [tilespmem:s18+$0x0];
	[tilespmem:s15+$0x0 ss:$0x81] =	vst.msk $0xffff, v1  }
0x37: {  	s15 =	sshra.s32 s19, $0x2;
	v1 =	vld [tilespmem:s18+$0xFFFFFFE0]  }
0x38: {  	s15 =	sadd.s32 s15, s16  }
0x39: {  	s18 =	sadd.s32 $0x40, s18;
	[tilespmem:s15+$0x1830 ss:$0x81] =	vst.msk $0xffff, v3  }
.Ltmp4:
0x3a: {  	_ = 	snop;
	(pc) =	sbr.rel .LBB1_4-.Ltmp4, $1  }
0x3b: {  	_ =	sdelay $0x3  }
.LBB1_6:
0x3c: {  	_ =	sfence.sel $0x180000  }
0x3d: {  	s2 =	simm.s32 $0x1;
	[bflag:$0x0] =	sbarrier.arrive $0xFFFF  }
0x3e: {  	s31 =	simm.s32 $0x2;
	[sflag:s2] =	ssyncpa.u1 $0x1  }
0x3f: {  	[sflag:s31] =	ssyncpa.u1 $0x1  }
0x40: {  	p0 =	sne.s32 s0, $0x0;
	_ =	strace $0x9000004A  }
0x41: {  	s0 =	sadd.s32 @!p0 $0x100000, s1;
	[bflag:$0x2] =	sbarrier.arrive $0xFFFF  }
0x42: {  	[sflag:s0] =	ssyncadd.tile.s32 @!p0 $0x1;
	_ =	shalt  }
.Lfunc_end1:
_tile_overlayer_lowered:
.L_overlay_start_2:
0x43: {  	(tag) =	ssettag $0x2  }
0x44: {  	s0 =	rddreg [dreg:$0x0];
	s2 =	stileid.u32  }
0x45: {  	s1 =	rddreg [dreg:$0x1];
	p0 =	sne.s32 s2, $0x0  }
0x46: {  	s3 =	rddreg [dreg:$0x2];
	[bflag:$0x3] =	sbarrier.arrive $0xFFFF;
	s2 =	simm.s32 @!p0 $0x1C01  }
0x47: {  	[timem:s3], [sflag:s2] =	dma.local @!p0 [hbm:s0], s1  }
0x48: {  	s0 =	simm.s32 @!p0 $0x1  }
0x49: {  	_ =	swait.ge @!p0 [sflag:s0], s1  }
0x4a: {  	s1 =	ssub.s32 @!p0 $0x0, s1;
	[sflag:s0] =	ssyncset.done @!p0 $0x0  }
0x4b: {  	[sflag:s0] =	ssyncadd.s32 @!p0 s1  }
0x4c: {  	[bflag:$0x3] =	sbarrier.arrive $0xFFFF  }
0x4d: {  	_ =	shalt  }

</sc_bundles>
